<compile_context>
chip_gen: v7x
topology: tpu7x:2x2x1
jax: 0.10.2.dev20260603
libtpu: 0.0.44.dev20260713+nightly
codegen_flags: <defaults>
</compile_context>

<pallas_src>
import functools

import jax
import jax.numpy as jnp
from jax import lax
from jax.experimental import pallas as pl
from jax.experimental.pallas import tpu as pltpu
from jax.experimental.pallas import tpu_sc as plsc

N = 10000
NP = 10240
D = 128
DH = D // 2
E = 320000
C = 80
EP = 327680
NCHUNK = EP // C
CPT = NCHUNK // 16
CPT_DEG = NCHUNK // 32
RPT = NP // 16
NB = 8

_mesh = plsc.VectorSubcoreMesh(core_axis_name="c", subcore_axis_name="s")


@functools.partial(
    pl.kernel,
    out_type=jax.ShapeDtypeStruct((2, NP), jnp.float32),
    mesh=_mesh,
    scratch_types=[
        pltpu.VMEM((CPT_DEG, C), jnp.int32),
        pltpu.VMEM((C,), jnp.float32),
        pltpu.VMEM((RPT,), jnp.float32),
        pltpu.VMEM_SHARED((NP,), jnp.float32),
    ],
)
def _deg_kernel(dst_hbm, out_hbm, idxd_v, ones_v, zeros_v, acc):
    c = lax.axis_index("c")
    s = lax.axis_index("s")
    wid = c * 16 + s

    def _fill(i, _):
        ones_v[pl.ds(i * 16, 16)] = jnp.full((16,), 1.0, jnp.float32)
        return 0
    lax.fori_loop(0, C // 16, _fill, 0)

    def _zero(i, _):
        zeros_v[pl.ds(i * 16, 16)] = jnp.zeros((16,), jnp.float32)
        return 0
    lax.fori_loop(0, RPT // 16, _zero, 0)

    pltpu.sync_copy(zeros_v, acc.at[pl.ds(s * RPT, RPT)])
    plsc.subcore_barrier()

    pltpu.sync_copy(dst_hbm.at[pl.ds(wid * CPT_DEG, CPT_DEG)], idxd_v)

    def _accum(j, _):
        pltpu.sync_copy(ones_v, acc.at[idxd_v.at[j]], add=True)
        return 0
    lax.fori_loop(0, CPT_DEG, _accum, 0)

    plsc.subcore_barrier()
    pltpu.sync_copy(acc.at[pl.ds(s * RPT, RPT)],
                    out_hbm.at[c, pl.ds(s * RPT, RPT)])


@functools.partial(
    pl.kernel,
    out_type=jax.ShapeDtypeStruct((2, NP, DH), jnp.float32),
    mesh=_mesh,
    scratch_types=[
        pltpu.VMEM((CPT, C), jnp.int32),
        pltpu.VMEM((CPT, C), jnp.int32),
        [pltpu.VMEM((C, DH), jnp.float32)] * NB,
        pltpu.VMEM_SHARED((NP, DH), jnp.float32),
        [pltpu.SemaphoreType.DMA] * NB,
        [pltpu.SemaphoreType.DMA] * NB,
    ],
    compiler_params=pltpu.CompilerParams(use_tc_tiling_on_sc=False),
)
def _agg_kernel(src_hbm, dst_hbm, h_hbm, out_hbm,
                idxs_v, idxd_v, rows, acc, gsems, ssems):
    c = lax.axis_index("c")
    s = lax.axis_index("s")
    rz = rows[NB - 1]
    hc = h_hbm.at[c]

    def _gather(j, b):
        pltpu.async_copy(hc.at[idxs_v.at[j]], rows[b], gsems[b])

    def _wait_gather(j, b):
        pltpu.make_async_copy(hc.at[idxs_v.at[j]], rows[b], gsems[b]).wait()

    pltpu.sync_copy(src_hbm.at[pl.ds(s * CPT, CPT)], idxs_v)
    pltpu.sync_copy(dst_hbm.at[pl.ds(s * CPT, CPT)], idxd_v)
    for b in range(NB - 1):
        _gather(b, b)

    def _zero_row(i, _):
        for jj in range(DH // 16):
            rz[i, pl.ds(jj * 16, 16)] = jnp.zeros((16,), jnp.float32)
        return 0
    lax.fori_loop(0, C, _zero_row, 0)

    def _zero_acc(k, _):
        pltpu.sync_copy(rz, acc.at[pl.ds(s * RPT + k * C, C)])
        return 0
    lax.fori_loop(0, RPT // C, _zero_acc, 0)
    plsc.subcore_barrier()
    _gather(NB - 1, NB - 1)


    def _window(i, _):
        j0 = i * NB
        descs = []
        for b in range(NB):
            _wait_gather(j0 + b, b)
            descs.append(pltpu.async_copy(rows[b], acc.at[idxd_v.at[j0 + b]],
                                          ssems[b], add=True))
        for b in range(NB):
            descs[b].wait()
            _gather(j0 + NB + b, b)
        return 0
    lax.fori_loop(0, CPT // NB - 1, _window, 0)

    j0 = CPT - NB
    descs = []
    for b in range(NB):
        _wait_gather(j0 + b, b)
        descs.append(pltpu.async_copy(rows[b], acc.at[idxd_v.at[j0 + b]],
                                      ssems[b], add=True))
    for b in range(NB):
        descs[b].wait()

    plsc.subcore_barrier()
    pltpu.sync_copy(acc.at[pl.ds(s * RPT, RPT)],
                    out_hbm.at[c, pl.ds(s * RPT, RPT)])


_BLK = 1024
_GRID = NP // _BLK


def _dinv_of(deg_ref):
    deg = deg_ref[0] + deg_ref[1]
    return jnp.where(deg > 0, lax.rsqrt(deg), 0.0)


def _split_store(o_ref, res):
    o_ref[0] = res[:, :DH]
    o_ref[1] = res[:, DH:]


def _mm1_body(x_ref, w_ref, deg_ref, o_ref):
    dinv = _dinv_of(deg_ref)
    _split_store(o_ref, jnp.dot(x_ref[...], w_ref[...],
                                preferred_element_type=jnp.float32) * dinv)


def _mm2_body(p_ref, deg_ref, b_ref, w_ref, o_ref):
    dinv = _dinv_of(deg_ref)
    a1 = jnp.concatenate([p_ref[0], p_ref[1]], axis=1) * dinv + b_ref[...]
    r1 = jnp.maximum(a1, 0.0)
    _split_store(o_ref, jnp.dot(r1, w_ref[...],
                                preferred_element_type=jnp.float32) * dinv)


def _fin_body(p_ref, deg_ref, b_ref, o_ref):
    dinv = _dinv_of(deg_ref)
    o_ref[...] = (jnp.concatenate([p_ref[0], p_ref[1]], axis=1) * dinv
                  + b_ref[...])


_row_spec = pl.BlockSpec((_BLK, D), lambda i: (i, 0))
_w_spec = pl.BlockSpec((D, D), lambda i: (0, 0))
_deg_spec = pl.BlockSpec((2, _BLK, 1), lambda i: (0, i, 0))
_half_spec = pl.BlockSpec((2, _BLK, DH), lambda i: (0, i, 0))
_b_spec = pl.BlockSpec((1, D), lambda i: (0, 0))
_half_sds = jax.ShapeDtypeStruct((2, NP, DH), jnp.float32)

_mm1 = pl.pallas_call(
    _mm1_body, grid=(_GRID,), out_shape=_half_sds,
    in_specs=[_row_spec, _w_spec, _deg_spec], out_specs=_half_spec)
_mm2 = pl.pallas_call(
    _mm2_body, grid=(_GRID,), out_shape=_half_sds,
    in_specs=[_half_spec, _deg_spec, _b_spec, _w_spec], out_specs=_half_spec)
_fin = pl.pallas_call(
    _fin_body, grid=(_GRID,),
    out_shape=jax.ShapeDtypeStruct((NP, D), jnp.float32),
    in_specs=[_half_spec, _deg_spec, _b_spec], out_specs=_row_spec)


@jax.jit
def kernel(x, edge_index, W1, b1, W2, b2):
    ei = edge_index.astype(jnp.int32)
    src = jnp.concatenate([ei[0], jnp.zeros((EP - E,), jnp.int32)])
    dst = jnp.concatenate([ei[1], jnp.full((EP - E,), N, jnp.int32)])
    src2d = src.reshape(NCHUNK, C)
    dst2d = dst.reshape(NCHUNK, C)
    xp = jnp.concatenate([x, jnp.zeros((NP - N, D), x.dtype)])

    degp = _deg_kernel(dst2d)
    degp3 = degp.reshape(2, NP, 1)
    h1 = _mm1(xp, W1, degp3)
    p1 = _agg_kernel(src2d, dst2d, h1)
    h2 = _mm2(p1, degp3, b1.reshape(1, D), W2)
    p2 = _agg_kernel(src2d, dst2d, h2)
    out = _fin(p2, degp3, b2.reshape(1, D))
    return out[:N]

# --- scband reference (transcript-rebuilt; emitter-appended) ---
"""Pipeline reference for scband-gcn-encoder-62105227100333 (READ-ONLY COPY).

The authoritative reference and input builder live on the scoring server;
editing this copy changes nothing except your own understanding.
"""

import jax, jax.numpy as jnp
import numpy as np

N_NODES = 10000
N_EDGES = 320000
D_FEAT = 128
HIDDEN = 128
OUT = 128


def setup_inputs(seed: int = 0) -> dict:
    key = jax.random.key(seed)
    k1, k2, k3, k4, k5, k6 = jax.random.split(key, 6)
    x = jax.random.normal(k1, (N_NODES, D_FEAT), dtype=jnp.float32)
    edge_index = jax.random.randint(k2, (2, N_EDGES), 0, N_NODES, dtype=jnp.int64)
    # GCNConv linear weights (Glorot) and biases (zeros init in PyG)
    s1 = (6.0 / (D_FEAT + HIDDEN)) ** 0.5
    W1 = jax.random.uniform(k3, (D_FEAT, HIDDEN), dtype=jnp.float32, minval=-s1, maxval=s1)
    b1 = jnp.zeros((HIDDEN,), dtype=jnp.float32)
    s2 = (6.0 / (HIDDEN + OUT)) ** 0.5
    W2 = jax.random.uniform(k4, (HIDDEN, OUT), dtype=jnp.float32, minval=-s2, maxval=s2)
    b2 = jnp.zeros((OUT,), dtype=jnp.float32)
    return {"x": x, "edge_index": edge_index, "W1": W1, "b1": b1, "W2": W2, "b2": b2}


def _gcn_conv(x, edge_index, W, b):
    # Faithful to PyG GCNConv with add_self_loops=False, edge_weight=None (ones).
    src = edge_index[0]
    dst = edge_index[1]
    n = x.shape[0]
    ew = jnp.ones((src.shape[0],), dtype=x.dtype)
    deg = jnp.zeros((n,), dtype=x.dtype).at[dst].add(ew)
    deg_inv_sqrt = jnp.where(deg > 0, deg ** -0.5, 0.0)
    norm = deg_inv_sqrt[src] * ew * deg_inv_sqrt[dst]
    h = x @ W
    msg = h[src] * norm[:, None]
    out = jnp.zeros((n, W.shape[1]), dtype=x.dtype).at[dst].add(msg)
    return out + b


def reference(x, edge_index, W1, b1, W2, b2):
    h = _gcn_conv(x, edge_index, W1, b1)
    h = jax.nn.relu(h)
    out = _gcn_conv(h, edge_index, W2, b2)
    return out

if __name__ == "__main__":
    import jax
    _d = setup_inputs()
    print(jax.jit(kernel)(*tuple(_d.values())))

</pallas_src>

<mosaic_0001>
#map = affine_map<(d0, d1) -> (0, 0)>
module attributes {stable_mosaic.version = 14 : i64} {
  func.func @_deg_kernel(%arg0: i32, %arg1: i32, %arg2: memref<4096x80xi32, #tpu.memory_space<hbm>>, %arg3: memref<2x10240xf32, #tpu.memory_space<hbm>>, %arg4: memref<128x80xi32, #tpu.memory_space<vmem>>, %arg5: memref<80xf32, #tpu.memory_space<vmem>>, %arg6: memref<640xf32, #tpu.memory_space<vmem>>, %arg7: memref<10240xf32, #tpu.memory_space<vmem_shared>>) attributes {dimension_semantics = [#tpu.dimension_semantics<core_parallel>, #tpu.dimension_semantics<subcore_parallel>], iteration_bounds = array<i64: 2, 16>, scalar_prefetch = 0 : i64, scratch_operands = 4 : i64, tpu.core_type = #tpu.core_type<sc_vector_subcore>, window_params = [{transform_indices = #map}, {transform_indices = #map}]} {
    %mul3A = arith.constant 16 : i32
    %mul3A_0 = arith.muli %arg0, %mul3A : i32
    %add3A = arith.addi %mul3A_0, %arg1 : i32
    %scan3A = arith.constant 0 : i32
    %scan3A_1 = arith.constant 0 : i32
    %scan3A_2 = arith.constant 5 : i32
    %scan3A_3 = arith.addi %scan3A_1, %scan3A_2 : i32
    %scan3A_4 = arith.constant 1 : i32
    %scan3A_5 = scf.for %scan3A_30 = %scan3A_1 to %scan3A_3 step %scan3A_4 iter_args(%scan3A_31 = %scan3A) -> (i32)  : i32 {
      %broadcast_in_dim3A = arith.constant 1.000000e+00 : f32
      %broadcast_in_dim3A_32 = vector.broadcast %broadcast_in_dim3A : f32 to vector<16xf32>
      %mul3A_33 = arith.constant 16 : i32
      %mul3A_34 = arith.muli %scan3A_30, %mul3A_33 : i32
      %swap3A = arith.index_cast %mul3A_34 : i32 to index
      %swap3A_35 = tpu.vector_load %arg5[%swap3A] {strides = array<i32>} : memref<80xf32, #tpu.memory_space<vmem>>, vector<16xf32>,
      %swap3A_36 = vector.shape_cast %swap3A_35 : vector<16xf32> to vector<16xf32>
      %swap3A_37 = vector.shape_cast %broadcast_in_dim3A_32 : vector<16xf32> to vector<16xf32>
      tpu.vector_store %arg5[%swap3A], %swap3A_37 {strides = array<i32>} : memref<80xf32, #tpu.memory_space<vmem>>, vector<16xf32>,
      %scan3A_38 = arith.constant 0 : i32
      scf.yield %scan3A_38 : i32
    }
    %scan3A_6 = arith.constant 5 : i32
    %scan3A_7 = arith.constant 0 : i32
    %scan3A_8 = arith.constant 0 : i32
    %scan3A_9 = arith.constant 40 : i32
    %scan3A_10 = arith.addi %scan3A_8, %scan3A_9 : i32
    %scan3A_11 = arith.constant 1 : i32
    %scan3A_12 = scf.for %scan3A_30 = %scan3A_8 to %scan3A_10 step %scan3A_11 iter_args(%scan3A_31 = %scan3A_7) -> (i32)  : i32 {
      %broadcast_in_dim3A = arith.constant 0.000000e+00 : f32
      %broadcast_in_dim3A_32 = vector.broadcast %broadcast_in_dim3A : f32 to vector<16xf32>
      %mul3A_33 = arith.constant 16 : i32
      %mul3A_34 = arith.muli %scan3A_30, %mul3A_33 : i32
      %swap3A = arith.index_cast %mul3A_34 : i32 to index
      %swap3A_35 = tpu.vector_load %arg6[%swap3A] {strides = array<i32>} : memref<640xf32, #tpu.memory_space<vmem>>, vector<16xf32>,
      %swap3A_36 = vector.shape_cast %swap3A_35 : vector<16xf32> to vector<16xf32>
      %swap3A_37 = vector.shape_cast %broadcast_in_dim3A_32 : vector<16xf32> to vector<16xf32>
      tpu.vector_store %arg6[%swap3A], %swap3A_37 {strides = array<i32>} : memref<640xf32, #tpu.memory_space<vmem>>, vector<16xf32>,
      %scan3A_38 = arith.constant 0 : i32
      scf.yield %scan3A_38 : i32
    }
    %scan3A_13 = arith.constant 40 : i32
    %mul3A_14 = arith.constant 640 : i32
    %mul3A_15 = arith.muli %arg1, %mul3A_14 : i32
    "tpu.region"() ({
      %run_scoped3A = tpu.sem_alloc : memref<!tpu.dma_semaphore, #tpu.memory_space<semaphore_mem>>
      %dma_start3A = tpu.memref_slice %arg7[%mul3A_15] : memref<10240xf32, #tpu.memory_space<vmem_shared>> -> memref<640xf32, #tpu.memory_space<vmem_shared>>
      %dma_start3A_30 = tpu.memref_slice %arg7[%mul3A_15] : memref<10240xf32, #tpu.memory_space<vmem_shared>> -> memref<640xf32, #tpu.memory_space<vmem_shared>>
      tpu.enqueue_dma source(%arg6 : memref<640xf32, #tpu.memory_space<vmem>>) target(%dma_start3A_30 : memref<640xf32, #tpu.memory_space<vmem_shared>>) target_semaphore(%run_scoped3A : memref<!tpu.dma_semaphore, #tpu.memory_space<semaphore_mem>>)
      %dma_wait3A = tpu.memref_slice %arg7[%mul3A_15] : memref<10240xf32, #tpu.memory_space<vmem_shared>> -> memref<640xf32, #tpu.memory_space<vmem_shared>>
      %dma_wait3A_31 = tpu.memref_slice %arg7[%mul3A_15] : memref<10240xf32, #tpu.memory_space<vmem_shared>> -> memref<640xf32, #tpu.memory_space<vmem_shared>>
      tpu.wait_dma2 semaphore(%run_scoped3A : memref<!tpu.dma_semaphore, #tpu.memory_space<semaphore_mem>>) src(%arg6 : memref<640xf32, #tpu.memory_space<vmem>>) dst(%dma_wait3A_31 : memref<640xf32, #tpu.memory_space<vmem_shared>>)
      tpu.yield
    }) : () -> ()
    %barrier3A = arith.constant 0 : index
    tpu.barrier barrier_id(%barrier3A)
    %mul3A_16 = arith.constant 128 : i32
    %mul3A_17 = arith.muli %add3A, %mul3A_16 : i32
    "tpu.region"() ({
      %run_scoped3A = tpu.sem_alloc : memref<!tpu.dma_semaphore, #tpu.memory_space<semaphore_mem>>
      %dma_start3A = arith.constant 0 : i32
      %dma_start3A_30 = tpu.memref_slice %arg2[%mul3A_17, %dma_start3A] : memref<4096x80xi32, #tpu.memory_space<hbm>> -> memref<128x80xi32, #tpu.memory_space<hbm>>
      %dma_start3A_31 = arith.constant 0 : i32
      %dma_start3A_32 = tpu.memref_slice %arg2[%mul3A_17, %dma_start3A_31] : memref<4096x80xi32, #tpu.memory_space<hbm>> -> memref<128x80xi32, #tpu.memory_space<hbm>>
      tpu.enqueue_dma source(%dma_start3A_32 : memref<128x80xi32, #tpu.memory_space<hbm>>) target(%arg4 : memref<128x80xi32, #tpu.memory_space<vmem>>) target_semaphore(%run_scoped3A : memref<!tpu.dma_semaphore, #tpu.memory_space<semaphore_mem>>)
      %dma_wait3A = arith.constant 0 : i32
      %dma_wait3A_33 = tpu.memref_slice %arg2[%mul3A_17, %dma_wait3A] : memref<4096x80xi32, #tpu.memory_space<hbm>> -> memref<128x80xi32, #tpu.memory_space<hbm>>
      %dma_wait3A_34 = arith.constant 0 : i32
      %dma_wait3A_35 = tpu.memref_slice %arg2[%mul3A_17, %dma_wait3A_34] : memref<4096x80xi32, #tpu.memory_space<hbm>> -> memref<128x80xi32, #tpu.memory_space<hbm>>
      tpu.wait_dma2 semaphore(%run_scoped3A : memref<!tpu.dma_semaphore, #tpu.memory_space<semaphore_mem>>) src(%dma_wait3A_35 : memref<128x80xi32, #tpu.memory_space<hbm>>) dst(%arg4 : memref<128x80xi32, #tpu.memory_space<vmem>>)
      tpu.yield
    }) : () -> ()
    %scan3A_18 = arith.constant 0 : i32
    %scan3A_19 = arith.constant 0 : i32
    %scan3A_20 = arith.constant 128 : i32
    %scan3A_21 = arith.addi %scan3A_19, %scan3A_20 : i32
    %scan3A_22 = arith.constant 1 : i32
    %scan3A_23 = scf.for %scan3A_30 = %scan3A_19 to %scan3A_21 step %scan3A_22 iter_args(%scan3A_31 = %scan3A_18) -> (i32)  : i32 {
      "tpu.region"() ({
        %run_scoped3A = tpu.sem_alloc : memref<!tpu.dma_semaphore, #tpu.memory_space<semaphore_mem>>
        %dma_start3A = arith.constant 0 : i32
        %dma_start3A_33 = tpu.memref_slice %arg4[%scan3A_30, %dma_start3A] : memref<128x80xi32, #tpu.memory_space<vmem>> -> memref<1x80xi32, #tpu.memory_space<vmem>>
        %dma_start3A_34 = tpu.memref_squeeze %dma_start3A_33 : memref<1x80xi32, #tpu.memory_space<vmem>> -> memref<80xi32, #tpu.memory_space<vmem>>
        %dma_start3A_35 = arith.constant 0 : i32
        %dma_start3A_36 = tpu.memref_slice %arg7[%dma_start3A_35] : memref<10240xf32, #tpu.memory_space<vmem_shared>> -> memref<10240xf32, #tpu.memory_space<vmem_shared>>
        tpu.enqueue_indirect_dma source(%arg5 : memref<80xf32, #tpu.memory_space<vmem>>) target(%dma_start3A_36 : memref<10240xf32, #tpu.memory_space<vmem_shared>>) offsets(%dma_start3A_34 : memref<80xi32, #tpu.memory_space<vmem>>) semaphore(%run_scoped3A : memref<!tpu.dma_semaphore, #tpu.memory_space<semaphore_mem>>) {add = true}
        %dma_wait3A = arith.constant 0 : i32
        %dma_wait3A_37 = tpu.memref_slice %arg4[%scan3A_30, %dma_wait3A] : memref<128x80xi32, #tpu.memory_space<vmem>> -> memref<1x80xi32, #tpu.memory_space<vmem>>
        %dma_wait3A_38 = tpu.memref_squeeze %dma_wait3A_37 : memref<1x80xi32, #tpu.memory_space<vmem>> -> memref<80xi32, #tpu.memory_space<vmem>>
        %dma_wait3A_39 = arith.constant 0 : i32
        %dma_wait3A_40 = tpu.memref_slice %arg7[%dma_wait3A_39] : memref<10240xf32, #tpu.memory_space<vmem_shared>> -> memref<10240xf32, #tpu.memory_space<vmem_shared>>
        tpu.wait_indirect_dma semaphore(%run_scoped3A : memref<!tpu.dma_semaphore, #tpu.memory_space<semaphore_mem>>) src(%arg5 : memref<80xf32, #tpu.memory_space<vmem>>) dst(%dma_wait3A_40 : memref<10240xf32, #tpu.memory_space<vmem_shared>>)
        tpu.yield
      }) : () -> ()
      %scan3A_32 = arith.constant 0 : i32
      scf.yield %scan3A_32 : i32
    }
    %scan3A_24 = arith.constant 128 : i32
    %barrier3A_25 = arith.constant 0 : index
    tpu.barrier barrier_id(%barrier3A_25)
    %mul3A_26 = arith.constant 640 : i32
    %mul3A_27 = arith.muli %arg1, %mul3A_26 : i32
    %mul3A_28 = arith.constant 640 : i32
    %mul3A_29 = arith.muli %arg1, %mul3A_28 : i32
    "tpu.region"() ({
      %run_scoped3A = tpu.sem_alloc : memref<!tpu.dma_semaphore, #tpu.memory_space<semaphore_mem>>
      %dma_start3A = tpu.memref_slice %arg3[%arg0, %mul3A_29] : memref<2x10240xf32, #tpu.memory_space<hbm>> -> memref<1x640xf32, #tpu.memory_space<hbm>>
      %dma_start3A_30 = tpu.memref_squeeze %dma_start3A : memref<1x640xf32, #tpu.memory_space<hbm>> -> memref<640xf32, #tpu.memory_space<hbm>>
      %dma_start3A_31 = tpu.memref_slice %arg7[%mul3A_27] : memref<10240xf32, #tpu.memory_space<vmem_shared>> -> memref<640xf32, #tpu.memory_space<vmem_shared>>
      tpu.enqueue_dma source(%dma_start3A_31 : memref<640xf32, #tpu.memory_space<vmem_shared>>) target(%dma_start3A_30 : memref<640xf32, #tpu.memory_space<hbm>>) target_semaphore(%run_scoped3A : memref<!tpu.dma_semaphore, #tpu.memory_space<semaphore_mem>>)
      %dma_wait3A = tpu.memref_slice %arg3[%arg0, %mul3A_29] : memref<2x10240xf32, #tpu.memory_space<hbm>> -> memref<1x640xf32, #tpu.memory_space<hbm>>
      %dma_wait3A_32 = tpu.memref_squeeze %dma_wait3A : memref<1x640xf32, #tpu.memory_space<hbm>> -> memref<640xf32, #tpu.memory_space<hbm>>
      %dma_wait3A_33 = tpu.memref_slice %arg7[%mul3A_27] : memref<10240xf32, #tpu.memory_space<vmem_shared>> -> memref<640xf32, #tpu.memory_space<vmem_shared>>
      tpu.wait_dma2 semaphore(%run_scoped3A : memref<!tpu.dma_semaphore, #tpu.memory_space<semaphore_mem>>) src(%dma_wait3A_33 : memref<640xf32, #tpu.memory_space<vmem_shared>>) dst(%dma_wait3A_32 : memref<640xf32, #tpu.memory_space<hbm>>)
      tpu.yield
    }) : () -> ()
    return
  }
}

#map = affine_map<(d0, d1) -> (0, 0)>
#map1 = affine_map<(d0, d1) -> (0, 0, 0)>
module attributes {stable_mosaic.version = 14 : i64} {
  func.func @_agg_kernel(%arg0: i32, %arg1: i32, %arg2: memref<4096x80xi32, #tpu.memory_space<hbm>>, %arg3: memref<4096x80xi32, #tpu.memory_space<hbm>>, %arg4: memref<2x10240x64xf32, #tpu.memory_space<hbm>>, %arg5: memref<2x10240x64xf32, #tpu.memory_space<hbm>>, %arg6: memref<256x80xi32, #tpu.memory_space<vmem>>, %arg7: memref<256x80xi32, #tpu.memory_space<vmem>>, %arg8: memref<80x64xf32, #tpu.memory_space<vmem>>, %arg9: memref<80x64xf32, #tpu.memory_space<vmem>>, %arg10: memref<80x64xf32, #tpu.memory_space<vmem>>, %arg11: memref<80x64xf32, #tpu.memory_space<vmem>>, %arg12: memref<80x64xf32, #tpu.memory_space<vmem>>, %arg13: memref<80x64xf32, #tpu.memory_space<vmem>>, %arg14: memref<80x64xf32, #tpu.memory_space<vmem>>, %arg15: memref<80x64xf32, #tpu.memory_space<vmem>>, %arg16: memref<10240x64xf32, #tpu.memory_space<vmem_shared>>, %arg17: memref<!tpu.dma_semaphore, #tpu.memory_space<semaphore_mem>>, %arg18: memref<!tpu.dma_semaphore, #tpu.memory_space<semaphore_mem>>, %arg19: memref<!tpu.dma_semaphore, #tpu.memory_space<semaphore_mem>>, %arg20: memref<!tpu.dma_semaphore, #tpu.memory_space<semaphore_mem>>, %arg21: memref<!tpu.dma_semaphore, #tpu.memory_space<semaphore_mem>>, %arg22: memref<!tpu.dma_semaphore, #tpu.memory_space<semaphore_mem>>, %arg23: memref<!tpu.dma_semaphore, #tpu.memory_space<semaphore_mem>>, %arg24: memref<!tpu.dma_semaphore, #tpu.memory_space<semaphore_mem>>, %arg25: memref<!tpu.dma_semaphore, #tpu.memory_space<semaphore_mem>>, %arg26: memref<!tpu.dma_semaphore, #tpu.memory_space<semaphore_mem>>, %arg27: memref<!tpu.dma_semaphore, #tpu.memory_space<semaphore_mem>>, %arg28: memref<!tpu.dma_semaphore, #tpu.memory_space<semaphore_mem>>, %arg29: memref<!tpu.dma_semaphore, #tpu.memory_space<semaphore_mem>>, %arg30: memref<!tpu.dma_semaphore, #tpu.memory_space<semaphore_mem>>, %arg31: memref<!tpu.dma_semaphore, #tpu.memory_space<semaphore_mem>>, %arg32: memref<!tpu.dma_semaphore, #tpu.memory_space<semaphore_mem>>) attributes {dimension_semantics = [#tpu.dimension_semantics<core_parallel>, #tpu.dimension_semantics<subcore_parallel>], iteration_bounds = array<i64: 2, 16>, scalar_prefetch = 0 : i64, scratch_operands = 27 : i64, tpu.core_type = #tpu.core_type<sc_vector_subcore>, window_params = [{transform_indices = #map}, {transform_indices = #map}, {transform_indices = #map1}, {transform_indices = #map1}]} {
    %mul3A = arith.constant 256 : i32
    %mul3A_0 = arith.muli %arg1, %mul3A : i32
    "tpu.region"() ({
      %run_scoped3A = tpu.sem_alloc : memref<!tpu.dma_semaphore, #tpu.memory_space<semaphore_mem>>
      %dma_start3A_314 = arith.constant 0 : i32
      %dma_start3A_315 = tpu.memref_slice %arg2[%mul3A_0, %dma_start3A_314] : memref<4096x80xi32, #tpu.memory_space<hbm>> -> memref<256x80xi32, #tpu.memory_space<hbm>>
      %dma_start3A_316 = arith.constant 0 : i32
      %dma_start3A_317 = tpu.memref_slice %arg2[%mul3A_0, %dma_start3A_316] : memref<4096x80xi32, #tpu.memory_space<hbm>> -> memref<256x80xi32, #tpu.memory_space<hbm>>
      tpu.enqueue_dma source(%dma_start3A_317 : memref<256x80xi32, #tpu.memory_space<hbm>>) target(%arg6 : memref<256x80xi32, #tpu.memory_space<vmem>>) target_semaphore(%run_scoped3A : memref<!tpu.dma_semaphore, #tpu.memory_space<semaphore_mem>>)
      %dma_wait3A_318 = arith.constant 0 : i32
      %dma_wait3A_319 = tpu.memref_slice %arg2[%mul3A_0, %dma_wait3A_318] : memref<4096x80xi32, #tpu.memory_space<hbm>> -> memref<256x80xi32, #tpu.memory_space<hbm>>
      %dma_wait3A_320 = arith.constant 0 : i32
      %dma_wait3A_321 = tpu.memref_slice %arg2[%mul3A_0, %dma_wait3A_320] : memref<4096x80xi32, #tpu.memory_space<hbm>> -> memref<256x80xi32, #tpu.memory_space<hbm>>
      tpu.wait_dma2 semaphore(%run_scoped3A : memref<!tpu.dma_semaphore, #tpu.memory_space<semaphore_mem>>) src(%dma_wait3A_321 : memref<256x80xi32, #tpu.memory_space<hbm>>) dst(%arg6 : memref<256x80xi32, #tpu.memory_space<vmem>>)
      tpu.yield
    }) : () -> ()
    %mul3A_1 = arith.constant 256 : i32
    %mul3A_2 = arith.muli %arg1, %mul3A_1 : i32
    "tpu.region"() ({
      %run_scoped3A = tpu.sem_alloc : memref<!tpu.dma_semaphore, #tpu.memory_space<semaphore_mem>>
      %dma_start3A_314 = arith.constant 0 : i32
      %dma_start3A_315 = tpu.memref_slice %arg3[%mul3A_2, %dma_start3A_314] : memref<4096x80xi32, #tpu.memory_space<hbm>> -> memref<256x80xi32, #tpu.memory_space<hbm>>
      %dma_start3A_316 = arith.constant 0 : i32
      %dma_start3A_317 = tpu.memref_slice %arg3[%mul3A_2, %dma_start3A_316] : memref<4096x80xi32, #tpu.memory_space<hbm>> -> memref<256x80xi32, #tpu.memory_space<hbm>>
      tpu.enqueue_dma source(%dma_start3A_317 : memref<256x80xi32, #tpu.memory_space<hbm>>) target(%arg7 : memref<256x80xi32, #tpu.memory_space<vmem>>) target_semaphore(%run_scoped3A : memref<!tpu.dma_semaphore, #tpu.memory_space<semaphore_mem>>)
      %dma_wait3A_318 = arith.constant 0 : i32
      %dma_wait3A_319 = tpu.memref_slice %arg3[%mul3A_2, %dma_wait3A_318] : memref<4096x80xi32, #tpu.memory_space<hbm>> -> memref<256x80xi32, #tpu.memory_space<hbm>>
      %dma_wait3A_320 = arith.constant 0 : i32
      %dma_wait3A_321 = tpu.memref_slice %arg3[%mul3A_2, %dma_wait3A_320] : memref<4096x80xi32, #tpu.memory_space<hbm>> -> memref<256x80xi32, #tpu.memory_space<hbm>>
      tpu.wait_dma2 semaphore(%run_scoped3A : memref<!tpu.dma_semaphore, #tpu.memory_space<semaphore_mem>>) src(%dma_wait3A_321 : memref<256x80xi32, #tpu.memory_space<hbm>>) dst(%arg7 : memref<256x80xi32, #tpu.memory_space<vmem>>)
      tpu.yield
    }) : () -> ()
    %dma_start3A = arith.constant 0 : i32
    %dma_start3A_3 = arith.constant 0 : i32
    %dma_start3A_4 = tpu.memref_slice %arg6[%dma_start3A, %dma_start3A_3] : memref<256x80xi32, #tpu.memory_space<vmem>> -> memref<1x80xi32, #tpu.memory_space<vmem>>
    %dma_start3A_5 = tpu.memref_squeeze %dma_start3A_4 : memref<1x80xi32, #tpu.memory_space<vmem>> -> memref<80xi32, #tpu.memory_space<vmem>>
    %dma_start3A_6 = arith.constant 0 : i32
    %dma_start3A_7 = arith.constant 0 : i32
    %dma_start3A_8 = tpu.memref_slice %arg4[%arg0, %dma_start3A_6, %dma_start3A_7] : memref<2x10240x64xf32, #tpu.memory_space<hbm>> -> memref<1x10240x64xf32, #tpu.memory_space<hbm>>
    %dma_start3A_9 = tpu.memref_squeeze %dma_start3A_8 : memref<1x10240x64xf32, #tpu.memory_space<hbm>> -> memref<10240x64xf32, #tpu.memory_space<hbm>>
    %dma_start3A_10 = arith.constant 0 : i32
    %dma_start3A_11 = arith.constant 0 : i32
    %dma_start3A_12 = tpu.memref_slice %dma_start3A_9[%dma_start3A_10, %dma_start3A_11] : memref<10240x64xf32, #tpu.memory_space<hbm>> -> memref<10240x64xf32, #tpu.memory_space<hbm>>
    tpu.enqueue_indirect_dma source(%dma_start3A_12 : memref<10240x64xf32, #tpu.memory_space<hbm>>) target(%arg8 : memref<80x64xf32, #tpu.memory_space<vmem>>) offsets(%dma_start3A_5 : memref<80xi32, #tpu.memory_space<vmem>>) semaphore(%arg17 : memref<!tpu.dma_semaphore, #tpu.memory_space<semaphore_mem>>)
    %dma_start3A_13 = arith.constant 1 : i32
    %dma_start3A_14 = arith.constant 0 : i32
    %dma_start3A_15 = tpu.memref_slice %arg6[%dma_start3A_13, %dma_start3A_14] : memref<256x80xi32, #tpu.memory_space<vmem>> -> memref<1x80xi32, #tpu.memory_space<vmem>>
    %dma_start3A_16 = tpu.memref_squeeze %dma_start3A_15 : memref<1x80xi32, #tpu.memory_space<vmem>> -> memref<80xi32, #tpu.memory_space<vmem>>
    %dma_start3A_17 = arith.constant 0 : i32
    %dma_start3A_18 = arith.constant 0 : i32
    %dma_start3A_19 = tpu.memref_slice %arg4[%arg0, %dma_start3A_17, %dma_start3A_18] : memref<2x10240x64xf32, #tpu.memory_space<hbm>> -> memref<1x10240x64xf32, #tpu.memory_space<hbm>>
    %dma_start3A_20 = tpu.memref_squeeze %dma_start3A_19 : memref<1x10240x64xf32, #tpu.memory_space<hbm>> -> memref<10240x64xf32, #tpu.memory_space<hbm>>
    %dma_start3A_21 = arith.constant 0 : i32
    %dma_start3A_22 = arith.constant 0 : i32
    %dma_start3A_23 = tpu.memref_slice %dma_start3A_20[%dma_start3A_21, %dma_start3A_22] : memref<10240x64xf32, #tpu.memory_space<hbm>> -> memref<10240x64xf32, #tpu.memory_space<hbm>>
    tpu.enqueue_indirect_dma source(%dma_start3A_23 : memref<10240x64xf32, #tpu.memory_space<hbm>>) target(%arg9 : memref<80x64xf32, #tpu.memory_space<vmem>>) offsets(%dma_start3A_16 : memref<80xi32, #tpu.memory_space<vmem>>) semaphore(%arg18 : memref<!tpu.dma_semaphore, #tpu.memory_space<semaphore_mem>>)
    %dma_start3A_24 = arith.constant 2 : i32
    %dma_start3A_25 = arith.constant 0 : i32
    %dma_start3A_26 = tpu.memref_slice %arg6[%dma_start3A_24, %dma_start3A_25] : memref<256x80xi32, #tpu.memory_space<vmem>> -> memref<1x80xi32, #tpu.memory_space<vmem>>
    %dma_start3A_27 = tpu.memref_squeeze %dma_start3A_26 : memref<1x80xi32, #tpu.memory_space<vmem>> -> memref<80xi32, #tpu.memory_space<vmem>>
    %dma_start3A_28 = arith.constant 0 : i32
    %dma_start3A_29 = arith.constant 0 : i32
    %dma_start3A_30 = tpu.memref_slice %arg4[%arg0, %dma_start3A_28, %dma_start3A_29] : memref<2x10240x64xf32, #tpu.memory_space<hbm>> -> memref<1x10240x64xf32, #tpu.memory_space<hbm>>
    %dma_start3A_31 = tpu.memref_squeeze %dma_start3A_30 : memref<1x10240x64xf32, #tpu.memory_space<hbm>> -> memref<10240x64xf32, #tpu.memory_space<hbm>>
    %dma_start3A_32 = arith.constant 0 : i32
    %dma_start3A_33 = arith.constant 0 : i32
    %dma_start3A_34 = tpu.memref_slice %dma_start3A_31[%dma_start3A_32, %dma_start3A_33] : memref<10240x64xf32, #tpu.memory_space<hbm>> -> memref<10240x64xf32, #tpu.memory_space<hbm>>
    tpu.enqueue_indirect_dma source(%dma_start3A_34 : memref<10240x64xf32, #tpu.memory_space<hbm>>) target(%arg10 : memref<80x64xf32, #tpu.memory_space<vmem>>) offsets(%dma_start3A_27 : memref<80xi32, #tpu.memory_space<vmem>>) semaphore(%arg19 : memref<!tpu.dma_semaphore, #tpu.memory_space<semaphore_mem>>)
    %dma_start3A_35 = arith.constant 3 : i32
    %dma_start3A_36 = arith.constant 0 : i32
    %dma_start3A_37 = tpu.memref_slice %arg6[%dma_start3A_35, %dma_start3A_36] : memref<256x80xi32, #tpu.memory_space<vmem>> -> memref<1x80xi32, #tpu.memory_space<vmem>>
    %dma_start3A_38 = tpu.memref_squeeze %dma_start3A_37 : memref<1x80xi32, #tpu.memory_space<vmem>> -> memref<80xi32, #tpu.memory_space<vmem>>
    %dma_start3A_39 = arith.constant 0 : i32
    %dma_start3A_40 = arith.constant 0 : i32
    %dma_start3A_41 = tpu.memref_slice %arg4[%arg0, %dma_start3A_39, %dma_start3A_40] : memref<2x10240x64xf32, #tpu.memory_space<hbm>> -> memref<1x10240x64xf32, #tpu.memory_space<hbm>>
    %dma_start3A_42 = tpu.memref_squeeze %dma_start3A_41 : memref<1x10240x64xf32, #tpu.memory_space<hbm>> -> memref<10240x64xf32, #tpu.memory_space<hbm>>
    %dma_start3A_43 = arith.constant 0 : i32
    %dma_start3A_44 = arith.constant 0 : i32
    %dma_start3A_45 = tpu.memref_slice %dma_start3A_42[%dma_start3A_43, %dma_start3A_44] : memref<10240x64xf32, #tpu.memory_space<hbm>> -> memref<10240x64xf32, #tpu.memory_space<hbm>>
    tpu.enqueue_indirect_dma source(%dma_start3A_45 : memref<10240x64xf32, #tpu.memory_space<hbm>>) target(%arg11 : memref<80x64xf32, #tpu.memory_space<vmem>>) offsets(%dma_start3A_38 : memref<80xi32, #tpu.memory_space<vmem>>) semaphore(%arg20 : memref<!tpu.dma_semaphore, #tpu.memory_space<semaphore_mem>>)
    %dma_start3A_46 = arith.constant 4 : i32
    %dma_start3A_47 = arith.constant 0 : i32
    %dma_start3A_48 = tpu.memref_slice %arg6[%dma_start3A_46, %dma_start3A_47] : memref<256x80xi32, #tpu.memory_space<vmem>> -> memref<1x80xi32, #tpu.memory_space<vmem>>
    %dma_start3A_49 = tpu.memref_squeeze %dma_start3A_48 : memref<1x80xi32, #tpu.memory_space<vmem>> -> memref<80xi32, #tpu.memory_space<vmem>>
    %dma_start3A_50 = arith.constant 0 : i32
    %dma_start3A_51 = arith.constant 0 : i32
    %dma_start3A_52 = tpu.memref_slice %arg4[%arg0, %dma_start3A_50, %dma_start3A_51] : memref<2x10240x64xf32, #tpu.memory_space<hbm>> -> memref<1x10240x64xf32, #tpu.memory_space<hbm>>
    %dma_start3A_53 = tpu.memref_squeeze %dma_start3A_52 : memref<1x10240x64xf32, #tpu.memory_space<hbm>> -> memref<10240x64xf32, #tpu.memory_space<hbm>>
    %dma_start3A_54 = arith.constant 0 : i32
    %dma_start3A_55 = arith.constant 0 : i32
    %dma_start3A_56 = tpu.memref_slice %dma_start3A_53[%dma_start3A_54, %dma_start3A_55] : memref<10240x64xf32, #tpu.memory_space<hbm>> -> memref<10240x64xf32, #tpu.memory_space<hbm>>
    tpu.enqueue_indirect_dma source(%dma_start3A_56 : memref<10240x64xf32, #tpu.memory_space<hbm>>) target(%arg12 : memref<80x64xf32, #tpu.memory_space<vmem>>) offsets(%dma_start3A_49 : memref<80xi32, #tpu.memory_space<vmem>>) semaphore(%arg21 : memref<!tpu.dma_semaphore, #tpu.memory_space<semaphore_mem>>)
    %dma_start3A_57 = arith.constant 5 : i32
    %dma_start3A_58 = arith.constant 0 : i32
    %dma_start3A_59 = tpu.memref_slice %arg6[%dma_start3A_57, %dma_start3A_58] : memref<256x80xi32, #tpu.memory_space<vmem>> -> memref<1x80xi32, #tpu.memory_space<vmem>>
    %dma_start3A_60 = tpu.memref_squeeze %dma_start3A_59 : memref<1x80xi32, #tpu.memory_space<vmem>> -> memref<80xi32, #tpu.memory_space<vmem>>
    %dma_start3A_61 = arith.constant 0 : i32
    %dma_start3A_62 = arith.constant 0 : i32
    %dma_start3A_63 = tpu.memref_slice %arg4[%arg0, %dma_start3A_61, %dma_start3A_62] : memref<2x10240x64xf32, #tpu.memory_space<hbm>> -> memref<1x10240x64xf32, #tpu.memory_space<hbm>>
    %dma_start3A_64 = tpu.memref_squeeze %dma_start3A_63 : memref<1x10240x64xf32, #tpu.memory_space<hbm>> -> memref<10240x64xf32, #tpu.memory_space<hbm>>
    %dma_start3A_65 = arith.constant 0 : i32
    %dma_start3A_66 = arith.constant 0 : i32
    %dma_start3A_67 = tpu.memref_slice %dma_start3A_64[%dma_start3A_65, %dma_start3A_66] : memref<10240x64xf32, #tpu.memory_space<hbm>> -> memref<10240x64xf32, #tpu.memory_space<hbm>>
    tpu.enqueue_indirect_dma source(%dma_start3A_67 : memref<10240x64xf32, #tpu.memory_space<hbm>>) target(%arg13 : memref<80x64xf32, #tpu.memory_space<vmem>>) offsets(%dma_start3A_60 : memref<80xi32, #tpu.memory_space<vmem>>) semaphore(%arg22 : memref<!tpu.dma_semaphore, #tpu.memory_space<semaphore_mem>>)
    %dma_start3A_68 = arith.constant 6 : i32
    %dma_start3A_69 = arith.constant 0 : i32
    %dma_start3A_70 = tpu.memref_slice %arg6[%dma_start3A_68, %dma_start3A_69] : memref<256x80xi32, #tpu.memory_space<vmem>> -> memref<1x80xi32, #tpu.memory_space<vmem>>
    %dma_start3A_71 = tpu.memref_squeeze %dma_start3A_70 : memref<1x80xi32, #tpu.memory_space<vmem>> -> memref<80xi32, #tpu.memory_space<vmem>>
    %dma_start3A_72 = arith.constant 0 : i32
    %dma_start3A_73 = arith.constant 0 : i32
    %dma_start3A_74 = tpu.memref_slice %arg4[%arg0, %dma_start3A_72, %dma_start3A_73] : memref<2x10240x64xf32, #tpu.memory_space<hbm>> -> memref<1x10240x64xf32, #tpu.memory_space<hbm>>
    %dma_start3A_75 = tpu.memref_squeeze %dma_start3A_74 : memref<1x10240x64xf32, #tpu.memory_space<hbm>> -> memref<10240x64xf32, #tpu.memory_space<hbm>>
    %dma_start3A_76 = arith.constant 0 : i32
    %dma_start3A_77 = arith.constant 0 : i32
    %dma_start3A_78 = tpu.memref_slice %dma_start3A_75[%dma_start3A_76, %dma_start3A_77] : memref<10240x64xf32, #tpu.memory_space<hbm>> -> memref<10240x64xf32, #tpu.memory_space<hbm>>
    tpu.enqueue_indirect_dma source(%dma_start3A_78 : memref<10240x64xf32, #tpu.memory_space<hbm>>) target(%arg14 : memref<80x64xf32, #tpu.memory_space<vmem>>) offsets(%dma_start3A_71 : memref<80xi32, #tpu.memory_space<vmem>>) semaphore(%arg23 : memref<!tpu.dma_semaphore, #tpu.memory_space<semaphore_mem>>)
    %scan3A = arith.constant 0 : i32
    %scan3A_79 = arith.constant 0 : i32
    %scan3A_80 = arith.constant 80 : i32
    %scan3A_81 = arith.addi %scan3A_79, %scan3A_80 : i32
    %scan3A_82 = arith.constant 1 : i32
    %scan3A_83 = scf.for %scan3A_314 = %scan3A_79 to %scan3A_81 step %scan3A_82 iter_args(%scan3A_315 = %scan3A) -> (i32)  : i32 {
      %broadcast_in_dim3A = arith.constant 0.000000e+00 : f32
      %broadcast_in_dim3A_316 = vector.broadcast %broadcast_in_dim3A : f32 to vector<16xf32>
      %swap3A = arith.index_cast %scan3A_314 : i32 to index
      %swap3A_317 = arith.constant 0 : index
      %swap3A_318 = tpu.vector_load %arg15[%swap3A, %swap3A_317] {strides = array<i32>} : memref<80x64xf32, #tpu.memory_space<vmem>>, vector<1x16xf32>,
      %swap3A_319 = vector.shape_cast %swap3A_318 : vector<1x16xf32> to vector<16xf32>
      %swap3A_320 = vector.shape_cast %broadcast_in_dim3A_316 : vector<16xf32> to vector<1x16xf32>
      tpu.vector_store %arg15[%swap3A, %swap3A_317], %swap3A_320 {strides = array<i32>} : memref<80x64xf32, #tpu.memory_space<vmem>>, vector<1x16xf32>,
      %broadcast_in_dim3A_321 = arith.constant 0.000000e+00 : f32
      %broadcast_in_dim3A_322 = vector.broadcast %broadcast_in_dim3A_321 : f32 to vector<16xf32>
      %swap3A_323 = arith.index_cast %scan3A_314 : i32 to index
      %swap3A_324 = arith.constant 16 : index
      %swap3A_325 = tpu.vector_load %arg15[%swap3A_323, %swap3A_324] {strides = array<i32>} : memref<80x64xf32, #tpu.memory_space<vmem>>, vector<1x16xf32>,
      %swap3A_326 = vector.shape_cast %swap3A_325 : vector<1x16xf32> to vector<16xf32>
      %swap3A_327 = vector.shape_cast %broadcast_in_dim3A_322 : vector<16xf32> to vector<1x16xf32>
      tpu.vector_store %arg15[%swap3A_323, %swap3A_324], %swap3A_327 {strides = array<i32>} : memref<80x64xf32, #tpu.memory_space<vmem>>, vector<1x16xf32>,
      %broadcast_in_dim3A_328 = arith.constant 0.000000e+00 : f32
      %broadcast_in_dim3A_329 = vector.broadcast %broadcast_in_dim3A_328 : f32 to vector<16xf32>
      %swap3A_330 = arith.index_cast %scan3A_314 : i32 to index
      %swap3A_331 = arith.constant 32 : index
      %swap3A_332 = tpu.vector_load %arg15[%swap3A_330, %swap3A_331] {strides = array<i32>} : memref<80x64xf32, #tpu.memory_space<vmem>>, vector<1x16xf32>,
      %swap3A_333 = vector.shape_cast %swap3A_332 : vector<1x16xf32> to vector<16xf32>
      %swap3A_334 = vector.shape_cast %broadcast_in_dim3A_329 : vector<16xf32> to vector<1x16xf32>
      tpu.vector_store %arg15[%swap3A_330, %swap3A_331], %swap3A_334 {strides = array<i32>} : memref<80x64xf32, #tpu.memory_space<vmem>>, vector<1x16xf32>,
      %broadcast_in_dim3A_335 = arith.constant 0.000000e+00 : f32
      %broadcast_in_dim3A_336 = vector.broadcast %broadcast_in_dim3A_335 : f32 to vector<16xf32>
      %swap3A_337 = arith.index_cast %scan3A_314 : i32 to index
      %swap3A_338 = arith.constant 48 : index
      %swap3A_339 = tpu.vector_load %arg15[%swap3A_337, %swap3A_338] {strides = array<i32>} : memref<80x64xf32, #tpu.memory_space<vmem>>, vector<1x16xf32>,
      %swap3A_340 = vector.shape_cast %swap3A_339 : vector<1x16xf32> to vector<16xf32>
      %swap3A_341 = vector.shape_cast %broadcast_in_dim3A_336 : vector<16xf32> to vector<1x16xf32>
      tpu.vector_store %arg15[%swap3A_337, %swap3A_338], %swap3A_341 {strides = array<i32>} : memref<80x64xf32, #tpu.memory_space<vmem>>, vector<1x16xf32>,
      %scan3A_342 = arith.constant 0 : i32
      scf.yield %scan3A_342 : i32
    }
    %scan3A_84 = arith.constant 80 : i32
    %scan3A_85 = arith.constant 0 : i32
    %scan3A_86 = arith.constant 0 : i32
    %scan3A_87 = arith.constant 8 : i32
    %scan3A_88 = arith.addi %scan3A_86, %scan3A_87 : i32
    %scan3A_89 = arith.constant 1 : i32
    %scan3A_90 = scf.for %scan3A_314 = %scan3A_86 to %scan3A_88 step %scan3A_89 iter_args(%scan3A_315 = %scan3A_85) -> (i32)  : i32 {
      %mul3A_316 = arith.constant 640 : i32
      %mul3A_317 = arith.muli %arg1, %mul3A_316 : i32
      %mul3A_318 = arith.constant 80 : i32
      %mul3A_319 = arith.muli %scan3A_314, %mul3A_318 : i32
      %add3A = arith.addi %mul3A_317, %mul3A_319 : i32
      "tpu.region"() ({
        %run_scoped3A = tpu.sem_alloc : memref<!tpu.dma_semaphore, #tpu.memory_space<semaphore_mem>>
        %dma_start3A_321 = arith.constant 0 : i32
        %dma_start3A_322 = tpu.memref_slice %arg16[%add3A, %dma_start3A_321] : memref<10240x64xf32, #tpu.memory_space<vmem_shared>> -> memref<80x64xf32, #tpu.memory_space<vmem_shared>>
        %dma_start3A_323 = arith.constant 0 : i32
        %dma_start3A_324 = tpu.memref_slice %arg16[%add3A, %dma_start3A_323] : memref<10240x64xf32, #tpu.memory_space<vmem_shared>> -> memref<80x64xf32, #tpu.memory_space<vmem_shared>>
        tpu.enqueue_dma source(%arg15 : memref<80x64xf32, #tpu.memory_space<vmem>>) target(%dma_start3A_324 : memref<80x64xf32, #tpu.memory_space<vmem_shared>>) target_semaphore(%run_scoped3A : memref<!tpu.dma_semaphore, #tpu.memory_space<semaphore_mem>>)
        %dma_wait3A_325 = arith.constant 0 : i32
        %dma_wait3A_326 = tpu.memref_slice %arg16[%add3A, %dma_wait3A_325] : memref<10240x64xf32, #tpu.memory_space<vmem_shared>> -> memref<80x64xf32, #tpu.memory_space<vmem_shared>>
        %dma_wait3A_327 = arith.constant 0 : i32
        %dma_wait3A_328 = tpu.memref_slice %arg16[%add3A, %dma_wait3A_327] : memref<10240x64xf32, #tpu.memory_space<vmem_shared>> -> memref<80x64xf32, #tpu.memory_space<vmem_shared>>
        tpu.wait_dma2 semaphore(%run_scoped3A : memref<!tpu.dma_semaphore, #tpu.memory_space<semaphore_mem>>) src(%arg15 : memref<80x64xf32, #tpu.memory_space<vmem>>) dst(%dma_wait3A_328 : memref<80x64xf32, #tpu.memory_space<vmem_shared>>)
        tpu.yield
      }) : () -> ()
      %scan3A_320 = arith.constant 0 : i32
      scf.yield %scan3A_320 : i32
    }
    %scan3A_91 = arith.constant 8 : i32
    %barrier3A = arith.constant 0 : index
    tpu.barrier barrier_id(%barrier3A)
    %dma_start3A_92 = arith.constant 7 : i32
    %dma_start3A_93 = arith.constant 0 : i32
    %dma_start3A_94 = tpu.memref_slice %arg6[%dma_start3A_92, %dma_start3A_93] : memref<256x80xi32, #tpu.memory_space<vmem>> -> memref<1x80xi32, #tpu.memory_space<vmem>>
    %dma_start3A_95 = tpu.memref_squeeze %dma_start3A_94 : memref<1x80xi32, #tpu.memory_space<vmem>> -> memref<80xi32, #tpu.memory_space<vmem>>
    %dma_start3A_96 = arith.constant 0 : i32
    %dma_start3A_97 = arith.constant 0 : i32
    %dma_start3A_98 = tpu.memref_slice %arg4[%arg0, %dma_start3A_96, %dma_start3A_97] : memref<2x10240x64xf32, #tpu.memory_space<hbm>> -> memref<1x10240x64xf32, #tpu.memory_space<hbm>>
    %dma_start3A_99 = tpu.memref_squeeze %dma_start3A_98 : memref<1x10240x64xf32, #tpu.memory_space<hbm>> -> memref<10240x64xf32, #tpu.memory_space<hbm>>
    %dma_start3A_100 = arith.constant 0 : i32
    %dma_start3A_101 = arith.constant 0 : i32
    %dma_start3A_102 = tpu.memref_slice %dma_start3A_99[%dma_start3A_100, %dma_start3A_101] : memref<10240x64xf32, #tpu.memory_space<hbm>> -> memref<10240x64xf32, #tpu.memory_space<hbm>>
    tpu.enqueue_indirect_dma source(%dma_start3A_102 : memref<10240x64xf32, #tpu.memory_space<hbm>>) target(%arg15 : memref<80x64xf32, #tpu.memory_space<vmem>>) offsets(%dma_start3A_95 : memref<80xi32, #tpu.memory_space<vmem>>) semaphore(%arg24 : memref<!tpu.dma_semaphore, #tpu.memory_space<semaphore_mem>>)
    %scan3A_103 = arith.constant 0 : i32
    %scan3A_104 = arith.constant 0 : i32
    %scan3A_105 = arith.constant 31 : i32
    %scan3A_106 = arith.addi %scan3A_104, %scan3A_105 : i32
    %scan3A_107 = arith.constant 1 : i32
    %scan3A_108 = scf.for %scan3A_314 = %scan3A_104 to %scan3A_106 step %scan3A_107 iter_args(%scan3A_315 = %scan3A_103) -> (i32)  : i32 {
      %mul3A_316 = arith.constant 8 : i32
      %mul3A_317 = arith.muli %scan3A_314, %mul3A_316 : i32
      %add3A = arith.constant 0 : i32
      %add3A_318 = arith.addi %mul3A_317, %add3A : i32
      %dma_wait3A_319 = arith.constant 0 : i32
      %dma_wait3A_320 = tpu.memref_slice %arg6[%add3A_318, %dma_wait3A_319] : memref<256x80xi32, #tpu.memory_space<vmem>> -> memref<1x80xi32, #tpu.memory_space<vmem>>
      %dma_wait3A_321 = tpu.memref_squeeze %dma_wait3A_320 : memref<1x80xi32, #tpu.memory_space<vmem>> -> memref<80xi32, #tpu.memory_space<vmem>>
      %dma_wait3A_322 = arith.constant 0 : i32
      %dma_wait3A_323 = arith.constant 0 : i32
      %dma_wait3A_324 = tpu.memref_slice %arg4[%arg0, %dma_wait3A_322, %dma_wait3A_323] : memref<2x10240x64xf32, #tpu.memory_space<hbm>> -> memref<1x10240x64xf32, #tpu.memory_space<hbm>>
      %dma_wait3A_325 = tpu.memref_squeeze %dma_wait3A_324 : memref<1x10240x64xf32, #tpu.memory_space<hbm>> -> memref<10240x64xf32, #tpu.memory_space<hbm>>
      %dma_wait3A_326 = arith.constant 0 : i32
      %dma_wait3A_327 = arith.constant 0 : i32
      %dma_wait3A_328 = tpu.memref_slice %dma_wait3A_325[%dma_wait3A_326, %dma_wait3A_327] : memref<10240x64xf32, #tpu.memory_space<hbm>> -> memref<10240x64xf32, #tpu.memory_space<hbm>>
      tpu.wait_indirect_dma semaphore(%arg17 : memref<!tpu.dma_semaphore, #tpu.memory_space<semaphore_mem>>) src(%dma_wait3A_328 : memref<10240x64xf32, #tpu.memory_space<hbm>>) dst(%arg8 : memref<80x64xf32, #tpu.memory_space<vmem>>)
      %add3A_329 = arith.constant 0 : i32
      %add3A_330 = arith.addi %mul3A_317, %add3A_329 : i32
      %dma_start3A_331 = arith.constant 0 : i32
      %dma_start3A_332 = tpu.memref_slice %arg7[%add3A_330, %dma_start3A_331] : memref<256x80xi32, #tpu.memory_space<vmem>> -> memref<1x80xi32, #tpu.memory_space<vmem>>
      %dma_start3A_333 = tpu.memref_squeeze %dma_start3A_332 : memref<1x80xi32, #tpu.memory_space<vmem>> -> memref<80xi32, #tpu.memory_space<vmem>>
      %dma_start3A_334 = arith.constant 0 : i32
      %dma_start3A_335 = arith.constant 0 : i32
      %dma_start3A_336 = tpu.memref_slice %arg16[%dma_start3A_334, %dma_start3A_335] : memref<10240x64xf32, #tpu.memory_space<vmem_shared>> -> memref<10240x64xf32, #tpu.memory_space<vmem_shared>>
      tpu.enqueue_indirect_dma source(%arg8 : memref<80x64xf32, #tpu.memory_space<vmem>>) target(%dma_start3A_336 : memref<10240x64xf32, #tpu.memory_space<vmem_shared>>) offsets(%dma_start3A_333 : memref<80xi32, #tpu.memory_space<vmem>>) semaphore(%arg25 : memref<!tpu.dma_semaphore, #tpu.memory_space<semaphore_mem>>) {add = true}
      %add3A_337 = arith.constant 1 : i32
      %add3A_338 = arith.addi %mul3A_317, %add3A_337 : i32
      %dma_wait3A_339 = arith.constant 0 : i32
      %dma_wait3A_340 = tpu.memref_slice %arg6[%add3A_338, %dma_wait3A_339] : memref<256x80xi32, #tpu.memory_space<vmem>> -> memref<1x80xi32, #tpu.memory_space<vmem>>
      %dma_wait3A_341 = tpu.memref_squeeze %dma_wait3A_340 : memref<1x80xi32, #tpu.memory_space<vmem>> -> memref<80xi32, #tpu.memory_space<vmem>>
      %dma_wait3A_342 = arith.constant 0 : i32
      %dma_wait3A_343 = arith.constant 0 : i32
      %dma_wait3A_344 = tpu.memref_slice %arg4[%arg0, %dma_wait3A_342, %dma_wait3A_343] : memref<2x10240x64xf32, #tpu.memory_space<hbm>> -> memref<1x10240x64xf32, #tpu.memory_space<hbm>>
      %dma_wait3A_345 = tpu.memref_squeeze %dma_wait3A_344 : memref<1x10240x64xf32, #tpu.memory_space<hbm>> -> memref<10240x64xf32, #tpu.memory_space<hbm>>
      %dma_wait3A_346 = arith.constant 0 : i32
      %dma_wait3A_347 = arith.constant 0 : i32
      %dma_wait3A_348 = tpu.memref_slice %dma_wait3A_345[%dma_wait3A_346, %dma_wait3A_347] : memref<10240x64xf32, #tpu.memory_space<hbm>> -> memref<10240x64xf32, #tpu.memory_space<hbm>>
      tpu.wait_indirect_dma semaphore(%arg18 : memref<!tpu.dma_semaphore, #tpu.memory_space<semaphore_mem>>) src(%dma_wait3A_348 : memref<10240x64xf32, #tpu.memory_space<hbm>>) dst(%arg9 : memref<80x64xf32, #tpu.memory_space<vmem>>)
      %add3A_349 = arith.constant 1 : i32
      %add3A_350 = arith.addi %mul3A_317, %add3A_349 : i32
      %dma_start3A_351 = arith.constant 0 : i32
      %dma_start3A_352 = tpu.memref_slice %arg7[%add3A_350, %dma_start3A_351] : memref<256x80xi32, #tpu.memory_space<vmem>> -> memref<1x80xi32, #tpu.memory_space<vmem>>
      %dma_start3A_353 = tpu.memref_squeeze %dma_start3A_352 : memref<1x80xi32, #tpu.memory_space<vmem>> -> memref<80xi32, #tpu.memory_space<vmem>>
      %dma_start3A_354 = arith.constant 0 : i32
      %dma_start3A_355 = arith.constant 0 : i32
      %dma_start3A_356 = tpu.memref_slice %arg16[%dma_start3A_354, %dma_start3A_355] : memref<10240x64xf32, #tpu.memory_space<vmem_shared>> -> memref<10240x64xf32, #tpu.memory_space<vmem_shared>>
      tpu.enqueue_indirect_dma source(%arg9 : memref<80x64xf32, #tpu.memory_space<vmem>>) target(%dma_start3A_356 : memref<10240x64xf32, #tpu.memory_space<vmem_shared>>) offsets(%dma_start3A_353 : memref<80xi32, #tpu.memory_space<vmem>>) semaphore(%arg26 : memref<!tpu.dma_semaphore, #tpu.memory_space<semaphore_mem>>) {add = true}
      %add3A_357 = arith.constant 2 : i32
      %add3A_358 = arith.addi %mul3A_317, %add3A_357 : i32
      %dma_wait3A_359 = arith.constant 0 : i32
      %dma_wait3A_360 = tpu.memref_slice %arg6[%add3A_358, %dma_wait3A_359] : memref<256x80xi32, #tpu.memory_space<vmem>> -> memref<1x80xi32, #tpu.memory_space<vmem>>
      %dma_wait3A_361 = tpu.memref_squeeze %dma_wait3A_360 : memref<1x80xi32, #tpu.memory_space<vmem>> -> memref<80xi32, #tpu.memory_space<vmem>>
      %dma_wait3A_362 = arith.constant 0 : i32
      %dma_wait3A_363 = arith.constant 0 : i32
      %dma_wait3A_364 = tpu.memref_slice %arg4[%arg0, %dma_wait3A_362, %dma_wait3A_363] : memref<2x10240x64xf32, #tpu.memory_space<hbm>> -> memref<1x10240x64xf32, #tpu.memory_space<hbm>>
      %dma_wait3A_365 = tpu.memref_squeeze %dma_wait3A_364 : memref<1x10240x64xf32, #tpu.memory_space<hbm>> -> memref<10240x64xf32, #tpu.memory_space<hbm>>
      %dma_wait3A_366 = arith.constant 0 : i32
      %dma_wait3A_367 = arith.constant 0 : i32
      %dma_wait3A_368 = tpu.memref_slice %dma_wait3A_365[%dma_wait3A_366, %dma_wait3A_367] : memref<10240x64xf32, #tpu.memory_space<hbm>> -> memref<10240x64xf32, #tpu.memory_space<hbm>>
      tpu.wait_indirect_dma semaphore(%arg19 : memref<!tpu.dma_semaphore, #tpu.memory_space<semaphore_mem>>) src(%dma_wait3A_368 : memref<10240x64xf32, #tpu.memory_space<hbm>>) dst(%arg10 : memref<80x64xf32, #tpu.memory_space<vmem>>)
      %add3A_369 = arith.constant 2 : i32
      %add3A_370 = arith.addi %mul3A_317, %add3A_369 : i32
      %dma_start3A_371 = arith.constant 0 : i32
      %dma_start3A_372 = tpu.memref_slice %arg7[%add3A_370, %dma_start3A_371] : memref<256x80xi32, #tpu.memory_space<vmem>> -> memref<1x80xi32, #tpu.memory_space<vmem>>
      %dma_start3A_373 = tpu.memref_squeeze %dma_start3A_372 : memref<1x80xi32, #tpu.memory_space<vmem>> -> memref<80xi32, #tpu.memory_space<vmem>>
      %dma_start3A_374 = arith.constant 0 : i32
      %dma_start3A_375 = arith.constant 0 : i32
      %dma_start3A_376 = tpu.memref_slice %arg16[%dma_start3A_374, %dma_start3A_375] : memref<10240x64xf32, #tpu.memory_space<vmem_shared>> -> memref<10240x64xf32, #tpu.memory_space<vmem_shared>>
      tpu.enqueue_indirect_dma source(%arg10 : memref<80x64xf32, #tpu.memory_space<vmem>>) target(%dma_start3A_376 : memref<10240x64xf32, #tpu.memory_space<vmem_shared>>) offsets(%dma_start3A_373 : memref<80xi32, #tpu.memory_space<vmem>>) semaphore(%arg27 : memref<!tpu.dma_semaphore, #tpu.memory_space<semaphore_mem>>) {add = true}
      %add3A_377 = arith.constant 3 : i32
      %add3A_378 = arith.addi %mul3A_317, %add3A_377 : i32
      %dma_wait3A_379 = arith.constant 0 : i32
      %dma_wait3A_380 = tpu.memref_slice %arg6[%add3A_378, %dma_wait3A_379] : memref<256x80xi32, #tpu.memory_space<vmem>> -> memref<1x80xi32, #tpu.memory_space<vmem>>
      %dma_wait3A_381 = tpu.memref_squeeze %dma_wait3A_380 : memref<1x80xi32, #tpu.memory_space<vmem>> -> memref<80xi32, #tpu.memory_space<vmem>>
      %dma_wait3A_382 = arith.constant 0 : i32
      %dma_wait3A_383 = arith.constant 0 : i32
      %dma_wait3A_384 = tpu.memref_slice %arg4[%arg0, %dma_wait3A_382, %dma_wait3A_383] : memref<2x10240x64xf32, #tpu.memory_space<hbm>> -> memref<1x10240x64xf32, #tpu.memory_space<hbm>>
      %dma_wait3A_385 = tpu.memref_squeeze %dma_wait3A_384 : memref<1x10240x64xf32, #tpu.memory_space<hbm>> -> memref<10240x64xf32, #tpu.memory_space<hbm>>
      %dma_wait3A_386 = arith.constant 0 : i32
      %dma_wait3A_387 = arith.constant 0 : i32
      %dma_wait3A_388 = tpu.memref_slice %dma_wait3A_385[%dma_wait3A_386, %dma_wait3A_387] : memref<10240x64xf32, #tpu.memory_space<hbm>> -> memref<10240x64xf32, #tpu.memory_space<hbm>>
      tpu.wait_indirect_dma semaphore(%arg20 : memref<!tpu.dma_semaphore, #tpu.memory_space<semaphore_mem>>) src(%dma_wait3A_388 : memref<10240x64xf32, #tpu.memory_space<hbm>>) dst(%arg11 : memref<80x64xf32, #tpu.memory_space<vmem>>)
      %add3A_389 = arith.constant 3 : i32
      %add3A_390 = arith.addi %mul3A_317, %add3A_389 : i32
      %dma_start3A_391 = arith.constant 0 : i32
      %dma_start3A_392 = tpu.memref_slice %arg7[%add3A_390, %dma_start3A_391] : memref<256x80xi32, #tpu.memory_space<vmem>> -> memref<1x80xi32, #tpu.memory_space<vmem>>
      %dma_start3A_393 = tpu.memref_squeeze %dma_start3A_392 : memref<1x80xi32, #tpu.memory_space<vmem>> -> memref<80xi32, #tpu.memory_space<vmem>>
      %dma_start3A_394 = arith.constant 0 : i32
      %dma_start3A_395 = arith.constant 0 : i32
      %dma_start3A_396 = tpu.memref_slice %arg16[%dma_start3A_394, %dma_start3A_395] : memref<10240x64xf32, #tpu.memory_space<vmem_shared>> -> memref<10240x64xf32, #tpu.memory_space<vmem_shared>>
      tpu.enqueue_indirect_dma source(%arg11 : memref<80x64xf32, #tpu.memory_space<vmem>>) target(%dma_start3A_396 : memref<10240x64xf32, #tpu.memory_space<vmem_shared>>) offsets(%dma_start3A_393 : memref<80xi32, #tpu.memory_space<vmem>>) semaphore(%arg28 : memref<!tpu.dma_semaphore, #tpu.memory_space<semaphore_mem>>) {add = true}
      %add3A_397 = arith.constant 4 : i32
      %add3A_398 = arith.addi %mul3A_317, %add3A_397 : i32
      %dma_wait3A_399 = arith.constant 0 : i32
      %dma_wait3A_400 = tpu.memref_slice %arg6[%add3A_398, %dma_wait3A_399] : memref<256x80xi32, #tpu.memory_space<vmem>> -> memref<1x80xi32, #tpu.memory_space<vmem>>
      %dma_wait3A_401 = tpu.memref_squeeze %dma_wait3A_400 : memref<1x80xi32, #tpu.memory_space<vmem>> -> memref<80xi32, #tpu.memory_space<vmem>>
      %dma_wait3A_402 = arith.constant 0 : i32
      %dma_wait3A_403 = arith.constant 0 : i32
      %dma_wait3A_404 = tpu.memref_slice %arg4[%arg0, %dma_wait3A_402, %dma_wait3A_403] : memref<2x10240x64xf32, #tpu.memory_space<hbm>> -> memref<1x10240x64xf32, #tpu.memory_space<hbm>>
      %dma_wait3A_405 = tpu.memref_squeeze %dma_wait3A_404 : memref<1x10240x64xf32, #tpu.memory_space<hbm>> -> memref<10240x64xf32, #tpu.memory_space<hbm>>
      %dma_wait3A_406 = arith.constant 0 : i32
      %dma_wait3A_407 = arith.constant 0 : i32
      %dma_wait3A_408 = tpu.memref_slice %dma_wait3A_405[%dma_wait3A_406, %dma_wait3A_407] : memref<10240x64xf32, #tpu.memory_space<hbm>> -> memref<10240x64xf32, #tpu.memory_space<hbm>>
      tpu.wait_indirect_dma semaphore(%arg21 : memref<!tpu.dma_semaphore, #tpu.memory_space<semaphore_mem>>) src(%dma_wait3A_408 : memref<10240x64xf32, #tpu.memory_space<hbm>>) dst(%arg12 : memref<80x64xf32, #tpu.memory_space<vmem>>)
      %add3A_409 = arith.constant 4 : i32
      %add3A_410 = arith.addi %mul3A_317, %add3A_409 : i32
      %dma_start3A_411 = arith.constant 0 : i32
      %dma_start3A_412 = tpu.memref_slice %arg7[%add3A_410, %dma_start3A_411] : memref<256x80xi32, #tpu.memory_space<vmem>> -> memref<1x80xi32, #tpu.memory_space<vmem>>
      %dma_start3A_413 = tpu.memref_squeeze %dma_start3A_412 : memref<1x80xi32, #tpu.memory_space<vmem>> -> memref<80xi32, #tpu.memory_space<vmem>>
      %dma_start3A_414 = arith.constant 0 : i32
      %dma_start3A_415 = arith.constant 0 : i32
      %dma_start3A_416 = tpu.memref_slice %arg16[%dma_start3A_414, %dma_start3A_415] : memref<10240x64xf32, #tpu.memory_space<vmem_shared>> -> memref<10240x64xf32, #tpu.memory_space<vmem_shared>>
      tpu.enqueue_indirect_dma source(%arg12 : memref<80x64xf32, #tpu.memory_space<vmem>>) target(%dma_start3A_416 : memref<10240x64xf32, #tpu.memory_space<vmem_shared>>) offsets(%dma_start3A_413 : memref<80xi32, #tpu.memory_space<vmem>>) semaphore(%arg29 : memref<!tpu.dma_semaphore, #tpu.memory_space<semaphore_mem>>) {add = true}
      %add3A_417 = arith.constant 5 : i32
      %add3A_418 = arith.addi %mul3A_317, %add3A_417 : i32
      %dma_wait3A_419 = arith.constant 0 : i32
      %dma_wait3A_420 = tpu.memref_slice %arg6[%add3A_418, %dma_wait3A_419] : memref<256x80xi32, #tpu.memory_space<vmem>> -> memref<1x80xi32, #tpu.memory_space<vmem>>
      %dma_wait3A_421 = tpu.memref_squeeze %dma_wait3A_420 : memref<1x80xi32, #tpu.memory_space<vmem>> -> memref<80xi32, #tpu.memory_space<vmem>>
      %dma_wait3A_422 = arith.constant 0 : i32
      %dma_wait3A_423 = arith.constant 0 : i32
      %dma_wait3A_424 = tpu.memref_slice %arg4[%arg0, %dma_wait3A_422, %dma_wait3A_423] : memref<2x10240x64xf32, #tpu.memory_space<hbm>> -> memref<1x10240x64xf32, #tpu.memory_space<hbm>>
      %dma_wait3A_425 = tpu.memref_squeeze %dma_wait3A_424 : memref<1x10240x64xf32, #tpu.memory_space<hbm>> -> memref<10240x64xf32, #tpu.memory_space<hbm>>
      %dma_wait3A_426 = arith.constant 0 : i32
      %dma_wait3A_427 = arith.constant 0 : i32
      %dma_wait3A_428 = tpu.memref_slice %dma_wait3A_425[%dma_wait3A_426, %dma_wait3A_427] : memref<10240x64xf32, #tpu.memory_space<hbm>> -> memref<10240x64xf32, #tpu.memory_space<hbm>>
      tpu.wait_indirect_dma semaphore(%arg22 : memref<!tpu.dma_semaphore, #tpu.memory_space<semaphore_mem>>) src(%dma_wait3A_428 : memref<10240x64xf32, #tpu.memory_space<hbm>>) dst(%arg13 : memref<80x64xf32, #tpu.memory_space<vmem>>)
      %add3A_429 = arith.constant 5 : i32
      %add3A_430 = arith.addi %mul3A_317, %add3A_429 : i32
      %dma_start3A_431 = arith.constant 0 : i32
      %dma_start3A_432 = tpu.memref_slice %arg7[%add3A_430, %dma_start3A_431] : memref<256x80xi32, #tpu.memory_space<vmem>> -> memref<1x80xi32, #tpu.memory_space<vmem>>
      %dma_start3A_433 = tpu.memref_squeeze %dma_start3A_432 : memref<1x80xi32, #tpu.memory_space<vmem>> -> memref<80xi32, #tpu.memory_space<vmem>>
      %dma_start3A_434 = arith.constant 0 : i32
      %dma_start3A_435 = arith.constant 0 : i32
      %dma_start3A_436 = tpu.memref_slice %arg16[%dma_start3A_434, %dma_start3A_435] : memref<10240x64xf32, #tpu.memory_space<vmem_shared>> -> memref<10240x64xf32, #tpu.memory_space<vmem_shared>>
      tpu.enqueue_indirect_dma source(%arg13 : memref<80x64xf32, #tpu.memory_space<vmem>>) target(%dma_start3A_436 : memref<10240x64xf32, #tpu.memory_space<vmem_shared>>) offsets(%dma_start3A_433 : memref<80xi32, #tpu.memory_space<vmem>>) semaphore(%arg30 : memref<!tpu.dma_semaphore, #tpu.memory_space<semaphore_mem>>) {add = true}
      %add3A_437 = arith.constant 6 : i32
      %add3A_438 = arith.addi %mul3A_317, %add3A_437 : i32
      %dma_wait3A_439 = arith.constant 0 : i32
      %dma_wait3A_440 = tpu.memref_slice %arg6[%add3A_438, %dma_wait3A_439] : memref<256x80xi32, #tpu.memory_space<vmem>> -> memref<1x80xi32, #tpu.memory_space<vmem>>
      %dma_wait3A_441 = tpu.memref_squeeze %dma_wait3A_440 : memref<1x80xi32, #tpu.memory_space<vmem>> -> memref<80xi32, #tpu.memory_space<vmem>>
      %dma_wait3A_442 = arith.constant 0 : i32
      %dma_wait3A_443 = arith.constant 0 : i32
      %dma_wait3A_444 = tpu.memref_slice %arg4[%arg0, %dma_wait3A_442, %dma_wait3A_443] : memref<2x10240x64xf32, #tpu.memory_space<hbm>> -> memref<1x10240x64xf32, #tpu.memory_space<hbm>>
      %dma_wait3A_445 = tpu.memref_squeeze %dma_wait3A_444 : memref<1x10240x64xf32, #tpu.memory_space<hbm>> -> memref<10240x64xf32, #tpu.memory_space<hbm>>
      %dma_wait3A_446 = arith.constant 0 : i32
      %dma_wait3A_447 = arith.constant 0 : i32
      %dma_wait3A_448 = tpu.memref_slice %dma_wait3A_445[%dma_wait3A_446, %dma_wait3A_447] : memref<10240x64xf32, #tpu.memory_space<hbm>> -> memref<10240x64xf32, #tpu.memory_space<hbm>>
      tpu.wait_indirect_dma semaphore(%arg23 : memref<!tpu.dma_semaphore, #tpu.memory_space<semaphore_mem>>) src(%dma_wait3A_448 : memref<10240x64xf32, #tpu.memory_space<hbm>>) dst(%arg14 : memref<80x64xf32, #tpu.memory_space<vmem>>)
      %add3A_449 = arith.constant 6 : i32
      %add3A_450 = arith.addi %mul3A_317, %add3A_449 : i32
      %dma_start3A_451 = arith.constant 0 : i32
      %dma_start3A_452 = tpu.memref_slice %arg7[%add3A_450, %dma_start3A_451] : memref<256x80xi32, #tpu.memory_space<vmem>> -> memref<1x80xi32, #tpu.memory_space<vmem>>
      %dma_start3A_453 = tpu.memref_squeeze %dma_start3A_452 : memref<1x80xi32, #tpu.memory_space<vmem>> -> memref<80xi32, #tpu.memory_space<vmem>>
      %dma_start3A_454 = arith.constant 0 : i32
      %dma_start3A_455 = arith.constant 0 : i32
      %dma_start3A_456 = tpu.memref_slice %arg16[%dma_start3A_454, %dma_start3A_455] : memref<10240x64xf32, #tpu.memory_space<vmem_shared>> -> memref<10240x64xf32, #tpu.memory_space<vmem_shared>>
      tpu.enqueue_indirect_dma source(%arg14 : memref<80x64xf32, #tpu.memory_space<vmem>>) target(%dma_start3A_456 : memref<10240x64xf32, #tpu.memory_space<vmem_shared>>) offsets(%dma_start3A_453 : memref<80xi32, #tpu.memory_space<vmem>>) semaphore(%arg31 : memref<!tpu.dma_semaphore, #tpu.memory_space<semaphore_mem>>) {add = true}
      %add3A_457 = arith.constant 7 : i32
      %add3A_458 = arith.addi %mul3A_317, %add3A_457 : i32
      %dma_wait3A_459 = arith.constant 0 : i32
      %dma_wait3A_460 = tpu.memref_slice %arg6[%add3A_458, %dma_wait3A_459] : memref<256x80xi32, #tpu.memory_space<vmem>> -> memref<1x80xi32, #tpu.memory_space<vmem>>
      %dma_wait3A_461 = tpu.memref_squeeze %dma_wait3A_460 : memref<1x80xi32, #tpu.memory_space<vmem>> -> memref<80xi32, #tpu.memory_space<vmem>>
      %dma_wait3A_462 = arith.constant 0 : i32
      %dma_wait3A_463 = arith.constant 0 : i32
      %dma_wait3A_464 = tpu.memref_slice %arg4[%arg0, %dma_wait3A_462, %dma_wait3A_463] : memref<2x10240x64xf32, #tpu.memory_space<hbm>> -> memref<1x10240x64xf32, #tpu.memory_space<hbm>>
      %dma_wait3A_465 = tpu.memref_squeeze %dma_wait3A_464 : memref<1x10240x64xf32, #tpu.memory_space<hbm>> -> memref<10240x64xf32, #tpu.memory_space<hbm>>
      %dma_wait3A_466 = arith.constant 0 : i32
      %dma_wait3A_467 = arith.constant 0 : i32
      %dma_wait3A_468 = tpu.memref_slice %dma_wait3A_465[%dma_wait3A_466, %dma_wait3A_467] : memref<10240x64xf32, #tpu.memory_space<hbm>> -> memref<10240x64xf32, #tpu.memory_space<hbm>>
      tpu.wait_indirect_dma semaphore(%arg24 : memref<!tpu.dma_semaphore, #tpu.memory_space<semaphore_mem>>) src(%dma_wait3A_468 : memref<10240x64xf32, #tpu.memory_space<hbm>>) dst(%arg15 : memref<80x64xf32, #tpu.memory_space<vmem>>)
      %add3A_469 = arith.constant 7 : i32
      %add3A_470 = arith.addi %mul3A_317, %add3A_469 : i32
      %dma_start3A_471 = arith.constant 0 : i32
      %dma_start3A_472 = tpu.memref_slice %arg7[%add3A_470, %dma_start3A_471] : memref<256x80xi32, #tpu.memory_space<vmem>> -> memref<1x80xi32, #tpu.memory_space<vmem>>
      %dma_start3A_473 = tpu.memref_squeeze %dma_start3A_472 : memref<1x80xi32, #tpu.memory_space<vmem>> -> memref<80xi32, #tpu.memory_space<vmem>>
      %dma_start3A_474 = arith.constant 0 : i32
      %dma_start3A_475 = arith.constant 0 : i32
      %dma_start3A_476 = tpu.memref_slice %arg16[%dma_start3A_474, %dma_start3A_475] : memref<10240x64xf32, #tpu.memory_space<vmem_shared>> -> memref<10240x64xf32, #tpu.memory_space<vmem_shared>>
      tpu.enqueue_indirect_dma source(%arg15 : memref<80x64xf32, #tpu.memory_space<vmem>>) target(%dma_start3A_476 : memref<10240x64xf32, #tpu.memory_space<vmem_shared>>) offsets(%dma_start3A_473 : memref<80xi32, #tpu.memory_space<vmem>>) semaphore(%arg32 : memref<!tpu.dma_semaphore, #tpu.memory_space<semaphore_mem>>) {add = true}
      %dma_wait3A_477 = arith.constant 0 : i32
      %dma_wait3A_478 = tpu.memref_slice %arg7[%add3A_330, %dma_wait3A_477] : memref<256x80xi32, #tpu.memory_space<vmem>> -> memref<1x80xi32, #tpu.memory_space<vmem>>
      %dma_wait3A_479 = tpu.memref_squeeze %dma_wait3A_478 : memref<1x80xi32, #tpu.memory_space<vmem>> -> memref<80xi32, #tpu.memory_space<vmem>>
      %dma_wait3A_480 = arith.constant 0 : i32
      %dma_wait3A_481 = arith.constant 0 : i32
      %dma_wait3A_482 = tpu.memref_slice %arg16[%dma_wait3A_480, %dma_wait3A_481] : memref<10240x64xf32, #tpu.memory_space<vmem_shared>> -> memref<10240x64xf32, #tpu.memory_space<vmem_shared>>
      tpu.wait_indirect_dma semaphore(%arg25 : memref<!tpu.dma_semaphore, #tpu.memory_space<semaphore_mem>>) src(%arg8 : memref<80x64xf32, #tpu.memory_space<vmem>>) dst(%dma_wait3A_482 : memref<10240x64xf32, #tpu.memory_space<vmem_shared>>)
      %add3A_483 = arith.constant 8 : i32
      %add3A_484 = arith.addi %mul3A_317, %add3A_483 : i32
      %add3A_485 = arith.constant 0 : i32
      %add3A_486 = arith.addi %add3A_484, %add3A_485 : i32
      %dma_start3A_487 = arith.constant 0 : i32
      %dma_start3A_488 = tpu.memref_slice %arg6[%add3A_486, %dma_start3A_487] : memref<256x80xi32, #tpu.memory_space<vmem>> -> memref<1x80xi32, #tpu.memory_space<vmem>>
      %dma_start3A_489 = tpu.memref_squeeze %dma_start3A_488 : memref<1x80xi32, #tpu.memory_space<vmem>> -> memref<80xi32, #tpu.memory_space<vmem>>
      %dma_start3A_490 = arith.constant 0 : i32
      %dma_start3A_491 = arith.constant 0 : i32
      %dma_start3A_492 = tpu.memref_slice %arg4[%arg0, %dma_start3A_490, %dma_start3A_491] : memref<2x10240x64xf32, #tpu.memory_space<hbm>> -> memref<1x10240x64xf32, #tpu.memory_space<hbm>>
      %dma_start3A_493 = tpu.memref_squeeze %dma_start3A_492 : memref<1x10240x64xf32, #tpu.memory_space<hbm>> -> memref<10240x64xf32, #tpu.memory_space<hbm>>
      %dma_start3A_494 = arith.constant 0 : i32
      %dma_start3A_495 = arith.constant 0 : i32
      %dma_start3A_496 = tpu.memref_slice %dma_start3A_493[%dma_start3A_494, %dma_start3A_495] : memref<10240x64xf32, #tpu.memory_space<hbm>> -> memref<10240x64xf32, #tpu.memory_space<hbm>>
      tpu.enqueue_indirect_dma source(%dma_start3A_496 : memref<10240x64xf32, #tpu.memory_space<hbm>>) target(%arg8 : memref<80x64xf32, #tpu.memory_space<vmem>>) offsets(%dma_start3A_489 : memref<80xi32, #tpu.memory_space<vmem>>) semaphore(%arg17 : memref<!tpu.dma_semaphore, #tpu.memory_space<semaphore_mem>>)
      %dma_wait3A_497 = arith.constant 0 : i32
      %dma_wait3A_498 = tpu.memref_slice %arg7[%add3A_350, %dma_wait3A_497] : memref<256x80xi32, #tpu.memory_space<vmem>> -> memref<1x80xi32, #tpu.memory_space<vmem>>
      %dma_wait3A_499 = tpu.memref_squeeze %dma_wait3A_498 : memref<1x80xi32, #tpu.memory_space<vmem>> -> memref<80xi32, #tpu.memory_space<vmem>>
      %dma_wait3A_500 = arith.constant 0 : i32
      %dma_wait3A_501 = arith.constant 0 : i32
      %dma_wait3A_502 = tpu.memref_slice %arg16[%dma_wait3A_500, %dma_wait3A_501] : memref<10240x64xf32, #tpu.memory_space<vmem_shared>> -> memref<10240x64xf32, #tpu.memory_space<vmem_shared>>
      tpu.wait_indirect_dma semaphore(%arg26 : memref<!tpu.dma_semaphore, #tpu.memory_space<semaphore_mem>>) src(%arg9 : memref<80x64xf32, #tpu.memory_space<vmem>>) dst(%dma_wait3A_502 : memref<10240x64xf32, #tpu.memory_space<vmem_shared>>)
      %add3A_503 = arith.constant 8 : i32
      %add3A_504 = arith.addi %mul3A_317, %add3A_503 : i32
      %add3A_505 = arith.constant 1 : i32
      %add3A_506 = arith.addi %add3A_504, %add3A_505 : i32
      %dma_start3A_507 = arith.constant 0 : i32
      %dma_start3A_508 = tpu.memref_slice %arg6[%add3A_506, %dma_start3A_507] : memref<256x80xi32, #tpu.memory_space<vmem>> -> memref<1x80xi32, #tpu.memory_space<vmem>>
      %dma_start3A_509 = tpu.memref_squeeze %dma_start3A_508 : memref<1x80xi32, #tpu.memory_space<vmem>> -> memref<80xi32, #tpu.memory_space<vmem>>
      %dma_start3A_510 = arith.constant 0 : i32
      %dma_start3A_511 = arith.constant 0 : i32
      %dma_start3A_512 = tpu.memref_slice %arg4[%arg0, %dma_start3A_510, %dma_start3A_511] : memref<2x10240x64xf32, #tpu.memory_space<hbm>> -> memref<1x10240x64xf32, #tpu.memory_space<hbm>>
      %dma_start3A_513 = tpu.memref_squeeze %dma_start3A_512 : memref<1x10240x64xf32, #tpu.memory_space<hbm>> -> memref<10240x64xf32, #tpu.memory_space<hbm>>
      %dma_start3A_514 = arith.constant 0 : i32
      %dma_start3A_515 = arith.constant 0 : i32
      %dma_start3A_516 = tpu.memref_slice %dma_start3A_513[%dma_start3A_514, %dma_start3A_515] : memref<10240x64xf32, #tpu.memory_space<hbm>> -> memref<10240x64xf32, #tpu.memory_space<hbm>>
      tpu.enqueue_indirect_dma source(%dma_start3A_516 : memref<10240x64xf32, #tpu.memory_space<hbm>>) target(%arg9 : memref<80x64xf32, #tpu.memory_space<vmem>>) offsets(%dma_start3A_509 : memref<80xi32, #tpu.memory_space<vmem>>) semaphore(%arg18 : memref<!tpu.dma_semaphore, #tpu.memory_space<semaphore_mem>>)
      %dma_wait3A_517 = arith.constant 0 : i32
      %dma_wait3A_518 = tpu.memref_slice %arg7[%add3A_370, %dma_wait3A_517] : memref<256x80xi32, #tpu.memory_space<vmem>> -> memref<1x80xi32, #tpu.memory_space<vmem>>
      %dma_wait3A_519 = tpu.memref_squeeze %dma_wait3A_518 : memref<1x80xi32, #tpu.memory_space<vmem>> -> memref<80xi32, #tpu.memory_space<vmem>>
      %dma_wait3A_520 = arith.constant 0 : i32
      %dma_wait3A_521 = arith.constant 0 : i32
      %dma_wait3A_522 = tpu.memref_slice %arg16[%dma_wait3A_520, %dma_wait3A_521] : memref<10240x64xf32, #tpu.memory_space<vmem_shared>> -> memref<10240x64xf32, #tpu.memory_space<vmem_shared>>
      tpu.wait_indirect_dma semaphore(%arg27 : memref<!tpu.dma_semaphore, #tpu.memory_space<semaphore_mem>>) src(%arg10 : memref<80x64xf32, #tpu.memory_space<vmem>>) dst(%dma_wait3A_522 : memref<10240x64xf32, #tpu.memory_space<vmem_shared>>)
      %add3A_523 = arith.constant 8 : i32
      %add3A_524 = arith.addi %mul3A_317, %add3A_523 : i32
      %add3A_525 = arith.constant 2 : i32
      %add3A_526 = arith.addi %add3A_524, %add3A_525 : i32
      %dma_start3A_527 = arith.constant 0 : i32
      %dma_start3A_528 = tpu.memref_slice %arg6[%add3A_526, %dma_start3A_527] : memref<256x80xi32, #tpu.memory_space<vmem>> -> memref<1x80xi32, #tpu.memory_space<vmem>>
      %dma_start3A_529 = tpu.memref_squeeze %dma_start3A_528 : memref<1x80xi32, #tpu.memory_space<vmem>> -> memref<80xi32, #tpu.memory_space<vmem>>
      %dma_start3A_530 = arith.constant 0 : i32
      %dma_start3A_531 = arith.constant 0 : i32
      %dma_start3A_532 = tpu.memref_slice %arg4[%arg0, %dma_start3A_530, %dma_start3A_531] : memref<2x10240x64xf32, #tpu.memory_space<hbm>> -> memref<1x10240x64xf32, #tpu.memory_space<hbm>>
      %dma_start3A_533 = tpu.memref_squeeze %dma_start3A_532 : memref<1x10240x64xf32, #tpu.memory_space<hbm>> -> memref<10240x64xf32, #tpu.memory_space<hbm>>
      %dma_start3A_534 = arith.constant 0 : i32
      %dma_start3A_535 = arith.constant 0 : i32
      %dma_start3A_536 = tpu.memref_slice %dma_start3A_533[%dma_start3A_534, %dma_start3A_535] : memref<10240x64xf32, #tpu.memory_space<hbm>> -> memref<10240x64xf32, #tpu.memory_space<hbm>>
      tpu.enqueue_indirect_dma source(%dma_start3A_536 : memref<10240x64xf32, #tpu.memory_space<hbm>>) target(%arg10 : memref<80x64xf32, #tpu.memory_space<vmem>>) offsets(%dma_start3A_529 : memref<80xi32, #tpu.memory_space<vmem>>) semaphore(%arg19 : memref<!tpu.dma_semaphore, #tpu.memory_space<semaphore_mem>>)
      %dma_wait3A_537 = arith.constant 0 : i32
      %dma_wait3A_538 = tpu.memref_slice %arg7[%add3A_390, %dma_wait3A_537] : memref<256x80xi32, #tpu.memory_space<vmem>> -> memref<1x80xi32, #tpu.memory_space<vmem>>
      %dma_wait3A_539 = tpu.memref_squeeze %dma_wait3A_538 : memref<1x80xi32, #tpu.memory_space<vmem>> -> memref<80xi32, #tpu.memory_space<vmem>>
      %dma_wait3A_540 = arith.constant 0 : i32
      %dma_wait3A_541 = arith.constant 0 : i32
      %dma_wait3A_542 = tpu.memref_slice %arg16[%dma_wait3A_540, %dma_wait3A_541] : memref<10240x64xf32, #tpu.memory_space<vmem_shared>> -> memref<10240x64xf32, #tpu.memory_space<vmem_shared>>
      tpu.wait_indirect_dma semaphore(%arg28 : memref<!tpu.dma_semaphore, #tpu.memory_space<semaphore_mem>>) src(%arg11 : memref<80x64xf32, #tpu.memory_space<vmem>>) dst(%dma_wait3A_542 : memref<10240x64xf32, #tpu.memory_space<vmem_shared>>)
      %add3A_543 = arith.constant 8 : i32
      %add3A_544 = arith.addi %mul3A_317, %add3A_543 : i32
      %add3A_545 = arith.constant 3 : i32
      %add3A_546 = arith.addi %add3A_544, %add3A_545 : i32
      %dma_start3A_547 = arith.constant 0 : i32
      %dma_start3A_548 = tpu.memref_slice %arg6[%add3A_546, %dma_start3A_547] : memref<256x80xi32, #tpu.memory_space<vmem>> -> memref<1x80xi32, #tpu.memory_space<vmem>>
      %dma_start3A_549 = tpu.memref_squeeze %dma_start3A_548 : memref<1x80xi32, #tpu.memory_space<vmem>> -> memref<80xi32, #tpu.memory_space<vmem>>
      %dma_start3A_550 = arith.constant 0 : i32
      %dma_start3A_551 = arith.constant 0 : i32
      %dma_start3A_552 = tpu.memref_slice %arg4[%arg0, %dma_start3A_550, %dma_start3A_551] : memref<2x10240x64xf32, #tpu.memory_space<hbm>> -> memref<1x10240x64xf32, #tpu.memory_space<hbm>>
      %dma_start3A_553 = tpu.memref_squeeze %dma_start3A_552 : memref<1x10240x64xf32, #tpu.memory_space<hbm>> -> memref<10240x64xf32, #tpu.memory_space<hbm>>
      %dma_start3A_554 = arith.constant 0 : i32
      %dma_start3A_555 = arith.constant 0 : i32
      %dma_start3A_556 = tpu.memref_slice %dma_start3A_553[%dma_start3A_554, %dma_start3A_555] : memref<10240x64xf32, #tpu.memory_space<hbm>> -> memref<10240x64xf32, #tpu.memory_space<hbm>>
      tpu.enqueue_indirect_dma source(%dma_start3A_556 : memref<10240x64xf32, #tpu.memory_space<hbm>>) target(%arg11 : memref<80x64xf32, #tpu.memory_space<vmem>>) offsets(%dma_start3A_549 : memref<80xi32, #tpu.memory_space<vmem>>) semaphore(%arg20 : memref<!tpu.dma_semaphore, #tpu.memory_space<semaphore_mem>>)
      %dma_wait3A_557 = arith.constant 0 : i32
      %dma_wait3A_558 = tpu.memref_slice %arg7[%add3A_410, %dma_wait3A_557] : memref<256x80xi32, #tpu.memory_space<vmem>> -> memref<1x80xi32, #tpu.memory_space<vmem>>
      %dma_wait3A_559 = tpu.memref_squeeze %dma_wait3A_558 : memref<1x80xi32, #tpu.memory_space<vmem>> -> memref<80xi32, #tpu.memory_space<vmem>>
      %dma_wait3A_560 = arith.constant 0 : i32
      %dma_wait3A_561 = arith.constant 0 : i32
      %dma_wait3A_562 = tpu.memref_slice %arg16[%dma_wait3A_560, %dma_wait3A_561] : memref<10240x64xf32, #tpu.memory_space<vmem_shared>> -> memref<10240x64xf32, #tpu.memory_space<vmem_shared>>
      tpu.wait_indirect_dma semaphore(%arg29 : memref<!tpu.dma_semaphore, #tpu.memory_space<semaphore_mem>>) src(%arg12 : memref<80x64xf32, #tpu.memory_space<vmem>>) dst(%dma_wait3A_562 : memref<10240x64xf32, #tpu.memory_space<vmem_shared>>)
      %add3A_563 = arith.constant 8 : i32
      %add3A_564 = arith.addi %mul3A_317, %add3A_563 : i32
      %add3A_565 = arith.constant 4 : i32
      %add3A_566 = arith.addi %add3A_564, %add3A_565 : i32
      %dma_start3A_567 = arith.constant 0 : i32
      %dma_start3A_568 = tpu.memref_slice %arg6[%add3A_566, %dma_start3A_567] : memref<256x80xi32, #tpu.memory_space<vmem>> -> memref<1x80xi32, #tpu.memory_space<vmem>>
      %dma_start3A_569 = tpu.memref_squeeze %dma_start3A_568 : memref<1x80xi32, #tpu.memory_space<vmem>> -> memref<80xi32, #tpu.memory_space<vmem>>
      %dma_start3A_570 = arith.constant 0 : i32
      %dma_start3A_571 = arith.constant 0 : i32
      %dma_start3A_572 = tpu.memref_slice %arg4[%arg0, %dma_start3A_570, %dma_start3A_571] : memref<2x10240x64xf32, #tpu.memory_space<hbm>> -> memref<1x10240x64xf32, #tpu.memory_space<hbm>>
      %dma_start3A_573 = tpu.memref_squeeze %dma_start3A_572 : memref<1x10240x64xf32, #tpu.memory_space<hbm>> -> memref<10240x64xf32, #tpu.memory_space<hbm>>
      %dma_start3A_574 = arith.constant 0 : i32
      %dma_start3A_575 = arith.constant 0 : i32
      %dma_start3A_576 = tpu.memref_slice %dma_start3A_573[%dma_start3A_574, %dma_start3A_575] : memref<10240x64xf32, #tpu.memory_space<hbm>> -> memref<10240x64xf32, #tpu.memory_space<hbm>>
      tpu.enqueue_indirect_dma source(%dma_start3A_576 : memref<10240x64xf32, #tpu.memory_space<hbm>>) target(%arg12 : memref<80x64xf32, #tpu.memory_space<vmem>>) offsets(%dma_start3A_569 : memref<80xi32, #tpu.memory_space<vmem>>) semaphore(%arg21 : memref<!tpu.dma_semaphore, #tpu.memory_space<semaphore_mem>>)
      %dma_wait3A_577 = arith.constant 0 : i32
      %dma_wait3A_578 = tpu.memref_slice %arg7[%add3A_430, %dma_wait3A_577] : memref<256x80xi32, #tpu.memory_space<vmem>> -> memref<1x80xi32, #tpu.memory_space<vmem>>
      %dma_wait3A_579 = tpu.memref_squeeze %dma_wait3A_578 : memref<1x80xi32, #tpu.memory_space<vmem>> -> memref<80xi32, #tpu.memory_space<vmem>>
      %dma_wait3A_580 = arith.constant 0 : i32
      %dma_wait3A_581 = arith.constant 0 : i32
      %dma_wait3A_582 = tpu.memref_slice %arg16[%dma_wait3A_580, %dma_wait3A_581] : memref<10240x64xf32, #tpu.memory_space<vmem_shared>> -> memref<10240x64xf32, #tpu.memory_space<vmem_shared>>
      tpu.wait_indirect_dma semaphore(%arg30 : memref<!tpu.dma_semaphore, #tpu.memory_space<semaphore_mem>>) src(%arg13 : memref<80x64xf32, #tpu.memory_space<vmem>>) dst(%dma_wait3A_582 : memref<10240x64xf32, #tpu.memory_space<vmem_shared>>)
      %add3A_583 = arith.constant 8 : i32
      %add3A_584 = arith.addi %mul3A_317, %add3A_583 : i32
      %add3A_585 = arith.constant 5 : i32
      %add3A_586 = arith.addi %add3A_584, %add3A_585 : i32
      %dma_start3A_587 = arith.constant 0 : i32
      %dma_start3A_588 = tpu.memref_slice %arg6[%add3A_586, %dma_start3A_587] : memref<256x80xi32, #tpu.memory_space<vmem>> -> memref<1x80xi32, #tpu.memory_space<vmem>>
      %dma_start3A_589 = tpu.memref_squeeze %dma_start3A_588 : memref<1x80xi32, #tpu.memory_space<vmem>> -> memref<80xi32, #tpu.memory_space<vmem>>
      %dma_start3A_590 = arith.constant 0 : i32
      %dma_start3A_591 = arith.constant 0 : i32
      %dma_start3A_592 = tpu.memref_slice %arg4[%arg0, %dma_start3A_590, %dma_start3A_591] : memref<2x10240x64xf32, #tpu.memory_space<hbm>> -> memref<1x10240x64xf32, #tpu.memory_space<hbm>>
      %dma_start3A_593 = tpu.memref_squeeze %dma_start3A_592 : memref<1x10240x64xf32, #tpu.memory_space<hbm>> -> memref<10240x64xf32, #tpu.memory_space<hbm>>
      %dma_start3A_594 = arith.constant 0 : i32
      %dma_start3A_595 = arith.constant 0 : i32
      %dma_start3A_596 = tpu.memref_slice %dma_start3A_593[%dma_start3A_594, %dma_start3A_595] : memref<10240x64xf32, #tpu.memory_space<hbm>> -> memref<10240x64xf32, #tpu.memory_space<hbm>>
      tpu.enqueue_indirect_dma source(%dma_start3A_596 : memref<10240x64xf32, #tpu.memory_space<hbm>>) target(%arg13 : memref<80x64xf32, #tpu.memory_space<vmem>>) offsets(%dma_start3A_589 : memref<80xi32, #tpu.memory_space<vmem>>) semaphore(%arg22 : memref<!tpu.dma_semaphore, #tpu.memory_space<semaphore_mem>>)
      %dma_wait3A_597 = arith.constant 0 : i32
      %dma_wait3A_598 = tpu.memref_slice %arg7[%add3A_450, %dma_wait3A_597] : memref<256x80xi32, #tpu.memory_space<vmem>> -> memref<1x80xi32, #tpu.memory_space<vmem>>
      %dma_wait3A_599 = tpu.memref_squeeze %dma_wait3A_598 : memref<1x80xi32, #tpu.memory_space<vmem>> -> memref<80xi32, #tpu.memory_space<vmem>>
      %dma_wait3A_600 = arith.constant 0 : i32
      %dma_wait3A_601 = arith.constant 0 : i32
      %dma_wait3A_602 = tpu.memref_slice %arg16[%dma_wait3A_600, %dma_wait3A_601] : memref<10240x64xf32, #tpu.memory_space<vmem_shared>> -> memref<10240x64xf32, #tpu.memory_space<vmem_shared>>
      tpu.wait_indirect_dma semaphore(%arg31 : memref<!tpu.dma_semaphore, #tpu.memory_space<semaphore_mem>>) src(%arg14 : memref<80x64xf32, #tpu.memory_space<vmem>>) dst(%dma_wait3A_602 : memref<10240x64xf32, #tpu.memory_space<vmem_shared>>)
      %add3A_603 = arith.constant 8 : i32
      %add3A_604 = arith.addi %mul3A_317, %add3A_603 : i32
      %add3A_605 = arith.constant 6 : i32
      %add3A_606 = arith.addi %add3A_604, %add3A_605 : i32
      %dma_start3A_607 = arith.constant 0 : i32
      %dma_start3A_608 = tpu.memref_slice %arg6[%add3A_606, %dma_start3A_607] : memref<256x80xi32, #tpu.memory_space<vmem>> -> memref<1x80xi32, #tpu.memory_space<vmem>>
      %dma_start3A_609 = tpu.memref_squeeze %dma_start3A_608 : memref<1x80xi32, #tpu.memory_space<vmem>> -> memref<80xi32, #tpu.memory_space<vmem>>
      %dma_start3A_610 = arith.constant 0 : i32
      %dma_start3A_611 = arith.constant 0 : i32
      %dma_start3A_612 = tpu.memref_slice %arg4[%arg0, %dma_start3A_610, %dma_start3A_611] : memref<2x10240x64xf32, #tpu.memory_space<hbm>> -> memref<1x10240x64xf32, #tpu.memory_space<hbm>>
      %dma_start3A_613 = tpu.memref_squeeze %dma_start3A_612 : memref<1x10240x64xf32, #tpu.memory_space<hbm>> -> memref<10240x64xf32, #tpu.memory_space<hbm>>
      %dma_start3A_614 = arith.constant 0 : i32
      %dma_start3A_615 = arith.constant 0 : i32
      %dma_start3A_616 = tpu.memref_slice %dma_start3A_613[%dma_start3A_614, %dma_start3A_615] : memref<10240x64xf32, #tpu.memory_space<hbm>> -> memref<10240x64xf32, #tpu.memory_space<hbm>>
      tpu.enqueue_indirect_dma source(%dma_start3A_616 : memref<10240x64xf32, #tpu.memory_space<hbm>>) target(%arg14 : memref<80x64xf32, #tpu.memory_space<vmem>>) offsets(%dma_start3A_609 : memref<80xi32, #tpu.memory_space<vmem>>) semaphore(%arg23 : memref<!tpu.dma_semaphore, #tpu.memory_space<semaphore_mem>>)
      %dma_wait3A_617 = arith.constant 0 : i32
      %dma_wait3A_618 = tpu.memref_slice %arg7[%add3A_470, %dma_wait3A_617] : memref<256x80xi32, #tpu.memory_space<vmem>> -> memref<1x80xi32, #tpu.memory_space<vmem>>
      %dma_wait3A_619 = tpu.memref_squeeze %dma_wait3A_618 : memref<1x80xi32, #tpu.memory_space<vmem>> -> memref<80xi32, #tpu.memory_space<vmem>>
      %dma_wait3A_620 = arith.constant 0 : i32
      %dma_wait3A_621 = arith.constant 0 : i32
      %dma_wait3A_622 = tpu.memref_slice %arg16[%dma_wait3A_620, %dma_wait3A_621] : memref<10240x64xf32, #tpu.memory_space<vmem_shared>> -> memref<10240x64xf32, #tpu.memory_space<vmem_shared>>
      tpu.wait_indirect_dma semaphore(%arg32 : memref<!tpu.dma_semaphore, #tpu.memory_space<semaphore_mem>>) src(%arg15 : memref<80x64xf32, #tpu.memory_space<vmem>>) dst(%dma_wait3A_622 : memref<10240x64xf32, #tpu.memory_space<vmem_shared>>)
      %add3A_623 = arith.constant 8 : i32
      %add3A_624 = arith.addi %mul3A_317, %add3A_623 : i32
      %add3A_625 = arith.constant 7 : i32
      %add3A_626 = arith.addi %add3A_624, %add3A_625 : i32
      %dma_start3A_627 = arith.constant 0 : i32
      %dma_start3A_628 = tpu.memref_slice %arg6[%add3A_626, %dma_start3A_627] : memref<256x80xi32, #tpu.memory_space<vmem>> -> memref<1x80xi32, #tpu.memory_space<vmem>>
      %dma_start3A_629 = tpu.memref_squeeze %dma_start3A_628 : memref<1x80xi32, #tpu.memory_space<vmem>> -> memref<80xi32, #tpu.memory_space<vmem>>
      %dma_start3A_630 = arith.constant 0 : i32
      %dma_start3A_631 = arith.constant 0 : i32
      %dma_start3A_632 = tpu.memref_slice %arg4[%arg0, %dma_start3A_630, %dma_start3A_631] : memref<2x10240x64xf32, #tpu.memory_space<hbm>> -> memref<1x10240x64xf32, #tpu.memory_space<hbm>>
      %dma_start3A_633 = tpu.memref_squeeze %dma_start3A_632 : memref<1x10240x64xf32, #tpu.memory_space<hbm>> -> memref<10240x64xf32, #tpu.memory_space<hbm>>
      %dma_start3A_634 = arith.constant 0 : i32
      %dma_start3A_635 = arith.constant 0 : i32
      %dma_start3A_636 = tpu.memref_slice %dma_start3A_633[%dma_start3A_634, %dma_start3A_635] : memref<10240x64xf32, #tpu.memory_space<hbm>> -> memref<10240x64xf32, #tpu.memory_space<hbm>>
      tpu.enqueue_indirect_dma source(%dma_start3A_636 : memref<10240x64xf32, #tpu.memory_space<hbm>>) target(%arg15 : memref<80x64xf32, #tpu.memory_space<vmem>>) offsets(%dma_start3A_629 : memref<80xi32, #tpu.memory_space<vmem>>) semaphore(%arg24 : memref<!tpu.dma_semaphore, #tpu.memory_space<semaphore_mem>>)
      %scan3A_637 = arith.constant 0 : i32
      scf.yield %scan3A_637 : i32
    }
    %scan3A_109 = arith.constant 31 : i32
    %dma_wait3A = arith.constant 248 : i32
    %dma_wait3A_110 = arith.constant 0 : i32
    %dma_wait3A_111 = tpu.memref_slice %arg6[%dma_wait3A, %dma_wait3A_110] : memref<256x80xi32, #tpu.memory_space<vmem>> -> memref<1x80xi32, #tpu.memory_space<vmem>>
    %dma_wait3A_112 = tpu.memref_squeeze %dma_wait3A_111 : memref<1x80xi32, #tpu.memory_space<vmem>> -> memref<80xi32, #tpu.memory_space<vmem>>
    %dma_wait3A_113 = arith.constant 0 : i32
    %dma_wait3A_114 = arith.constant 0 : i32
    %dma_wait3A_115 = tpu.memref_slice %arg4[%arg0, %dma_wait3A_113, %dma_wait3A_114] : memref<2x10240x64xf32, #tpu.memory_space<hbm>> -> memref<1x10240x64xf32, #tpu.memory_space<hbm>>
    %dma_wait3A_116 = tpu.memref_squeeze %dma_wait3A_115 : memref<1x10240x64xf32, #tpu.memory_space<hbm>> -> memref<10240x64xf32, #tpu.memory_space<hbm>>
    %dma_wait3A_117 = arith.constant 0 : i32
    %dma_wait3A_118 = arith.constant 0 : i32
    %dma_wait3A_119 = tpu.memref_slice %dma_wait3A_116[%dma_wait3A_117, %dma_wait3A_118] : memref<10240x64xf32, #tpu.memory_space<hbm>> -> memref<10240x64xf32, #tpu.memory_space<hbm>>
    tpu.wait_indirect_dma semaphore(%arg17 : memref<!tpu.dma_semaphore, #tpu.memory_space<semaphore_mem>>) src(%dma_wait3A_119 : memref<10240x64xf32, #tpu.memory_space<hbm>>) dst(%arg8 : memref<80x64xf32, #tpu.memory_space<vmem>>)
    %dma_start3A_120 = arith.constant 248 : i32
    %dma_start3A_121 = arith.constant 0 : i32
    %dma_start3A_122 = tpu.memref_slice %arg7[%dma_start3A_120, %dma_start3A_121] : memref<256x80xi32, #tpu.memory_space<vmem>> -> memref<1x80xi32, #tpu.memory_space<vmem>>
    %dma_start3A_123 = tpu.memref_squeeze %dma_start3A_122 : memref<1x80xi32, #tpu.memory_space<vmem>> -> memref<80xi32, #tpu.memory_space<vmem>>
    %dma_start3A_124 = arith.constant 0 : i32
    %dma_start3A_125 = arith.constant 0 : i32
    %dma_start3A_126 = tpu.memref_slice %arg16[%dma_start3A_124, %dma_start3A_125] : memref<10240x64xf32, #tpu.memory_space<vmem_shared>> -> memref<10240x64xf32, #tpu.memory_space<vmem_shared>>
    tpu.enqueue_indirect_dma source(%arg8 : memref<80x64xf32, #tpu.memory_space<vmem>>) target(%dma_start3A_126 : memref<10240x64xf32, #tpu.memory_space<vmem_shared>>) offsets(%dma_start3A_123 : memref<80xi32, #tpu.memory_space<vmem>>) semaphore(%arg25 : memref<!tpu.dma_semaphore, #tpu.memory_space<semaphore_mem>>) {add = true}
    %dma_wait3A_127 = arith.constant 249 : i32
    %dma_wait3A_128 = arith.constant 0 : i32
    %dma_wait3A_129 = tpu.memref_slice %arg6[%dma_wait3A_127, %dma_wait3A_128] : memref<256x80xi32, #tpu.memory_space<vmem>> -> memref<1x80xi32, #tpu.memory_space<vmem>>
    %dma_wait3A_130 = tpu.memref_squeeze %dma_wait3A_129 : memref<1x80xi32, #tpu.memory_space<vmem>> -> memref<80xi32, #tpu.memory_space<vmem>>
    %dma_wait3A_131 = arith.constant 0 : i32
    %dma_wait3A_132 = arith.constant 0 : i32
    %dma_wait3A_133 = tpu.memref_slice %arg4[%arg0, %dma_wait3A_131, %dma_wait3A_132] : memref<2x10240x64xf32, #tpu.memory_space<hbm>> -> memref<1x10240x64xf32, #tpu.memory_space<hbm>>
    %dma_wait3A_134 = tpu.memref_squeeze %dma_wait3A_133 : memref<1x10240x64xf32, #tpu.memory_space<hbm>> -> memref<10240x64xf32, #tpu.memory_space<hbm>>
    %dma_wait3A_135 = arith.constant 0 : i32
    %dma_wait3A_136 = arith.constant 0 : i32
    %dma_wait3A_137 = tpu.memref_slice %dma_wait3A_134[%dma_wait3A_135, %dma_wait3A_136] : memref<10240x64xf32, #tpu.memory_space<hbm>> -> memref<10240x64xf32, #tpu.memory_space<hbm>>
    tpu.wait_indirect_dma semaphore(%arg18 : memref<!tpu.dma_semaphore, #tpu.memory_space<semaphore_mem>>) src(%dma_wait3A_137 : memref<10240x64xf32, #tpu.memory_space<hbm>>) dst(%arg9 : memref<80x64xf32, #tpu.memory_space<vmem>>)
    %dma_start3A_138 = arith.constant 249 : i32
    %dma_start3A_139 = arith.constant 0 : i32
    %dma_start3A_140 = tpu.memref_slice %arg7[%dma_start3A_138, %dma_start3A_139] : memref<256x80xi32, #tpu.memory_space<vmem>> -> memref<1x80xi32, #tpu.memory_space<vmem>>
    %dma_start3A_141 = tpu.memref_squeeze %dma_start3A_140 : memref<1x80xi32, #tpu.memory_space<vmem>> -> memref<80xi32, #tpu.memory_space<vmem>>
    %dma_start3A_142 = arith.constant 0 : i32
    %dma_start3A_143 = arith.constant 0 : i32
    %dma_start3A_144 = tpu.memref_slice %arg16[%dma_start3A_142, %dma_start3A_143] : memref<10240x64xf32, #tpu.memory_space<vmem_shared>> -> memref<10240x64xf32, #tpu.memory_space<vmem_shared>>
    tpu.enqueue_indirect_dma source(%arg9 : memref<80x64xf32, #tpu.memory_space<vmem>>) target(%dma_start3A_144 : memref<10240x64xf32, #tpu.memory_space<vmem_shared>>) offsets(%dma_start3A_141 : memref<80xi32, #tpu.memory_space<vmem>>) semaphore(%arg26 : memref<!tpu.dma_semaphore, #tpu.memory_space<semaphore_mem>>) {add = true}
    %dma_wait3A_145 = arith.constant 250 : i32
    %dma_wait3A_146 = arith.constant 0 : i32
    %dma_wait3A_147 = tpu.memref_slice %arg6[%dma_wait3A_145, %dma_wait3A_146] : memref<256x80xi32, #tpu.memory_space<vmem>> -> memref<1x80xi32, #tpu.memory_space<vmem>>
    %dma_wait3A_148 = tpu.memref_squeeze %dma_wait3A_147 : memref<1x80xi32, #tpu.memory_space<vmem>> -> memref<80xi32, #tpu.memory_space<vmem>>
    %dma_wait3A_149 = arith.constant 0 : i32
    %dma_wait3A_150 = arith.constant 0 : i32
    %dma_wait3A_151 = tpu.memref_slice %arg4[%arg0, %dma_wait3A_149, %dma_wait3A_150] : memref<2x10240x64xf32, #tpu.memory_space<hbm>> -> memref<1x10240x64xf32, #tpu.memory_space<hbm>>
    %dma_wait3A_152 = tpu.memref_squeeze %dma_wait3A_151 : memref<1x10240x64xf32, #tpu.memory_space<hbm>> -> memref<10240x64xf32, #tpu.memory_space<hbm>>
    %dma_wait3A_153 = arith.constant 0 : i32
    %dma_wait3A_154 = arith.constant 0 : i32
    %dma_wait3A_155 = tpu.memref_slice %dma_wait3A_152[%dma_wait3A_153, %dma_wait3A_154] : memref<10240x64xf32, #tpu.memory_space<hbm>> -> memref<10240x64xf32, #tpu.memory_space<hbm>>
    tpu.wait_indirect_dma semaphore(%arg19 : memref<!tpu.dma_semaphore, #tpu.memory_space<semaphore_mem>>) src(%dma_wait3A_155 : memref<10240x64xf32, #tpu.memory_space<hbm>>) dst(%arg10 : memref<80x64xf32, #tpu.memory_space<vmem>>)
    %dma_start3A_156 = arith.constant 250 : i32
    %dma_start3A_157 = arith.constant 0 : i32
    %dma_start3A_158 = tpu.memref_slice %arg7[%dma_start3A_156, %dma_start3A_157] : memref<256x80xi32, #tpu.memory_space<vmem>> -> memref<1x80xi32, #tpu.memory_space<vmem>>
    %dma_start3A_159 = tpu.memref_squeeze %dma_start3A_158 : memref<1x80xi32, #tpu.memory_space<vmem>> -> memref<80xi32, #tpu.memory_space<vmem>>
    %dma_start3A_160 = arith.constant 0 : i32
    %dma_start3A_161 = arith.constant 0 : i32
    %dma_start3A_162 = tpu.memref_slice %arg16[%dma_start3A_160, %dma_start3A_161] : memref<10240x64xf32, #tpu.memory_space<vmem_shared>> -> memref<10240x64xf32, #tpu.memory_space<vmem_shared>>
    tpu.enqueue_indirect_dma source(%arg10 : memref<80x64xf32, #tpu.memory_space<vmem>>) target(%dma_start3A_162 : memref<10240x64xf32, #tpu.memory_space<vmem_shared>>) offsets(%dma_start3A_159 : memref<80xi32, #tpu.memory_space<vmem>>) semaphore(%arg27 : memref<!tpu.dma_semaphore, #tpu.memory_space<semaphore_mem>>) {add = true}
    %dma_wait3A_163 = arith.constant 251 : i32
    %dma_wait3A_164 = arith.constant 0 : i32
    %dma_wait3A_165 = tpu.memref_slice %arg6[%dma_wait3A_163, %dma_wait3A_164] : memref<256x80xi32, #tpu.memory_space<vmem>> -> memref<1x80xi32, #tpu.memory_space<vmem>>
    %dma_wait3A_166 = tpu.memref_squeeze %dma_wait3A_165 : memref<1x80xi32, #tpu.memory_space<vmem>> -> memref<80xi32, #tpu.memory_space<vmem>>
    %dma_wait3A_167 = arith.constant 0 : i32
    %dma_wait3A_168 = arith.constant 0 : i32
    %dma_wait3A_169 = tpu.memref_slice %arg4[%arg0, %dma_wait3A_167, %dma_wait3A_168] : memref<2x10240x64xf32, #tpu.memory_space<hbm>> -> memref<1x10240x64xf32, #tpu.memory_space<hbm>>
    %dma_wait3A_170 = tpu.memref_squeeze %dma_wait3A_169 : memref<1x10240x64xf32, #tpu.memory_space<hbm>> -> memref<10240x64xf32, #tpu.memory_space<hbm>>
    %dma_wait3A_171 = arith.constant 0 : i32
    %dma_wait3A_172 = arith.constant 0 : i32
    %dma_wait3A_173 = tpu.memref_slice %dma_wait3A_170[%dma_wait3A_171, %dma_wait3A_172] : memref<10240x64xf32, #tpu.memory_space<hbm>> -> memref<10240x64xf32, #tpu.memory_space<hbm>>
    tpu.wait_indirect_dma semaphore(%arg20 : memref<!tpu.dma_semaphore, #tpu.memory_space<semaphore_mem>>) src(%dma_wait3A_173 : memref<10240x64xf32, #tpu.memory_space<hbm>>) dst(%arg11 : memref<80x64xf32, #tpu.memory_space<vmem>>)
    %dma_start3A_174 = arith.constant 251 : i32
    %dma_start3A_175 = arith.constant 0 : i32
    %dma_start3A_176 = tpu.memref_slice %arg7[%dma_start3A_174, %dma_start3A_175] : memref<256x80xi32, #tpu.memory_space<vmem>> -> memref<1x80xi32, #tpu.memory_space<vmem>>
    %dma_start3A_177 = tpu.memref_squeeze %dma_start3A_176 : memref<1x80xi32, #tpu.memory_space<vmem>> -> memref<80xi32, #tpu.memory_space<vmem>>
    %dma_start3A_178 = arith.constant 0 : i32
    %dma_start3A_179 = arith.constant 0 : i32
    %dma_start3A_180 = tpu.memref_slice %arg16[%dma_start3A_178, %dma_start3A_179] : memref<10240x64xf32, #tpu.memory_space<vmem_shared>> -> memref<10240x64xf32, #tpu.memory_space<vmem_shared>>
    tpu.enqueue_indirect_dma source(%arg11 : memref<80x64xf32, #tpu.memory_space<vmem>>) target(%dma_start3A_180 : memref<10240x64xf32, #tpu.memory_space<vmem_shared>>) offsets(%dma_start3A_177 : memref<80xi32, #tpu.memory_space<vmem>>) semaphore(%arg28 : memref<!tpu.dma_semaphore, #tpu.memory_space<semaphore_mem>>) {add = true}
    %dma_wait3A_181 = arith.constant 252 : i32
    %dma_wait3A_182 = arith.constant 0 : i32
    %dma_wait3A_183 = tpu.memref_slice %arg6[%dma_wait3A_181, %dma_wait3A_182] : memref<256x80xi32, #tpu.memory_space<vmem>> -> memref<1x80xi32, #tpu.memory_space<vmem>>
    %dma_wait3A_184 = tpu.memref_squeeze %dma_wait3A_183 : memref<1x80xi32, #tpu.memory_space<vmem>> -> memref<80xi32, #tpu.memory_space<vmem>>
    %dma_wait3A_185 = arith.constant 0 : i32
    %dma_wait3A_186 = arith.constant 0 : i32
    %dma_wait3A_187 = tpu.memref_slice %arg4[%arg0, %dma_wait3A_185, %dma_wait3A_186] : memref<2x10240x64xf32, #tpu.memory_space<hbm>> -> memref<1x10240x64xf32, #tpu.memory_space<hbm>>
    %dma_wait3A_188 = tpu.memref_squeeze %dma_wait3A_187 : memref<1x10240x64xf32, #tpu.memory_space<hbm>> -> memref<10240x64xf32, #tpu.memory_space<hbm>>
    %dma_wait3A_189 = arith.constant 0 : i32
    %dma_wait3A_190 = arith.constant 0 : i32
    %dma_wait3A_191 = tpu.memref_slice %dma_wait3A_188[%dma_wait3A_189, %dma_wait3A_190] : memref<10240x64xf32, #tpu.memory_space<hbm>> -> memref<10240x64xf32, #tpu.memory_space<hbm>>
    tpu.wait_indirect_dma semaphore(%arg21 : memref<!tpu.dma_semaphore, #tpu.memory_space<semaphore_mem>>) src(%dma_wait3A_191 : memref<10240x64xf32, #tpu.memory_space<hbm>>) dst(%arg12 : memref<80x64xf32, #tpu.memory_space<vmem>>)
    %dma_start3A_192 = arith.constant 252 : i32
    %dma_start3A_193 = arith.constant 0 : i32
    %dma_start3A_194 = tpu.memref_slice %arg7[%dma_start3A_192, %dma_start3A_193] : memref<256x80xi32, #tpu.memory_space<vmem>> -> memref<1x80xi32, #tpu.memory_space<vmem>>
    %dma_start3A_195 = tpu.memref_squeeze %dma_start3A_194 : memref<1x80xi32, #tpu.memory_space<vmem>> -> memref<80xi32, #tpu.memory_space<vmem>>
    %dma_start3A_196 = arith.constant 0 : i32
    %dma_start3A_197 = arith.constant 0 : i32
    %dma_start3A_198 = tpu.memref_slice %arg16[%dma_start3A_196, %dma_start3A_197] : memref<10240x64xf32, #tpu.memory_space<vmem_shared>> -> memref<10240x64xf32, #tpu.memory_space<vmem_shared>>
    tpu.enqueue_indirect_dma source(%arg12 : memref<80x64xf32, #tpu.memory_space<vmem>>) target(%dma_start3A_198 : memref<10240x64xf32, #tpu.memory_space<vmem_shared>>) offsets(%dma_start3A_195 : memref<80xi32, #tpu.memory_space<vmem>>) semaphore(%arg29 : memref<!tpu.dma_semaphore, #tpu.memory_space<semaphore_mem>>) {add = true}
    %dma_wait3A_199 = arith.constant 253 : i32
    %dma_wait3A_200 = arith.constant 0 : i32
    %dma_wait3A_201 = tpu.memref_slice %arg6[%dma_wait3A_199, %dma_wait3A_200] : memref<256x80xi32, #tpu.memory_space<vmem>> -> memref<1x80xi32, #tpu.memory_space<vmem>>
    %dma_wait3A_202 = tpu.memref_squeeze %dma_wait3A_201 : memref<1x80xi32, #tpu.memory_space<vmem>> -> memref<80xi32, #tpu.memory_space<vmem>>
    %dma_wait3A_203 = arith.constant 0 : i32
    %dma_wait3A_204 = arith.constant 0 : i32
    %dma_wait3A_205 = tpu.memref_slice %arg4[%arg0, %dma_wait3A_203, %dma_wait3A_204] : memref<2x10240x64xf32, #tpu.memory_space<hbm>> -> memref<1x10240x64xf32, #tpu.memory_space<hbm>>
    %dma_wait3A_206 = tpu.memref_squeeze %dma_wait3A_205 : memref<1x10240x64xf32, #tpu.memory_space<hbm>> -> memref<10240x64xf32, #tpu.memory_space<hbm>>
    %dma_wait3A_207 = arith.constant 0 : i32
    %dma_wait3A_208 = arith.constant 0 : i32
    %dma_wait3A_209 = tpu.memref_slice %dma_wait3A_206[%dma_wait3A_207, %dma_wait3A_208] : memref<10240x64xf32, #tpu.memory_space<hbm>> -> memref<10240x64xf32, #tpu.memory_space<hbm>>
    tpu.wait_indirect_dma semaphore(%arg22 : memref<!tpu.dma_semaphore, #tpu.memory_space<semaphore_mem>>) src(%dma_wait3A_209 : memref<10240x64xf32, #tpu.memory_space<hbm>>) dst(%arg13 : memref<80x64xf32, #tpu.memory_space<vmem>>)
    %dma_start3A_210 = arith.constant 253 : i32
    %dma_start3A_211 = arith.constant 0 : i32
    %dma_start3A_212 = tpu.memref_slice %arg7[%dma_start3A_210, %dma_start3A_211] : memref<256x80xi32, #tpu.memory_space<vmem>> -> memref<1x80xi32, #tpu.memory_space<vmem>>
    %dma_start3A_213 = tpu.memref_squeeze %dma_start3A_212 : memref<1x80xi32, #tpu.memory_space<vmem>> -> memref<80xi32, #tpu.memory_space<vmem>>
    %dma_start3A_214 = arith.constant 0 : i32
    %dma_start3A_215 = arith.constant 0 : i32
    %dma_start3A_216 = tpu.memref_slice %arg16[%dma_start3A_214, %dma_start3A_215] : memref<10240x64xf32, #tpu.memory_space<vmem_shared>> -> memref<10240x64xf32, #tpu.memory_space<vmem_shared>>
    tpu.enqueue_indirect_dma source(%arg13 : memref<80x64xf32, #tpu.memory_space<vmem>>) target(%dma_start3A_216 : memref<10240x64xf32, #tpu.memory_space<vmem_shared>>) offsets(%dma_start3A_213 : memref<80xi32, #tpu.memory_space<vmem>>) semaphore(%arg30 : memref<!tpu.dma_semaphore, #tpu.memory_space<semaphore_mem>>) {add = true}
    %dma_wait3A_217 = arith.constant 254 : i32
    %dma_wait3A_218 = arith.constant 0 : i32
    %dma_wait3A_219 = tpu.memref_slice %arg6[%dma_wait3A_217, %dma_wait3A_218] : memref<256x80xi32, #tpu.memory_space<vmem>> -> memref<1x80xi32, #tpu.memory_space<vmem>>
    %dma_wait3A_220 = tpu.memref_squeeze %dma_wait3A_219 : memref<1x80xi32, #tpu.memory_space<vmem>> -> memref<80xi32, #tpu.memory_space<vmem>>
    %dma_wait3A_221 = arith.constant 0 : i32
    %dma_wait3A_222 = arith.constant 0 : i32
    %dma_wait3A_223 = tpu.memref_slice %arg4[%arg0, %dma_wait3A_221, %dma_wait3A_222] : memref<2x10240x64xf32, #tpu.memory_space<hbm>> -> memref<1x10240x64xf32, #tpu.memory_space<hbm>>
    %dma_wait3A_224 = tpu.memref_squeeze %dma_wait3A_223 : memref<1x10240x64xf32, #tpu.memory_space<hbm>> -> memref<10240x64xf32, #tpu.memory_space<hbm>>
    %dma_wait3A_225 = arith.constant 0 : i32
    %dma_wait3A_226 = arith.constant 0 : i32
    %dma_wait3A_227 = tpu.memref_slice %dma_wait3A_224[%dma_wait3A_225, %dma_wait3A_226] : memref<10240x64xf32, #tpu.memory_space<hbm>> -> memref<10240x64xf32, #tpu.memory_space<hbm>>
    tpu.wait_indirect_dma semaphore(%arg23 : memref<!tpu.dma_semaphore, #tpu.memory_space<semaphore_mem>>) src(%dma_wait3A_227 : memref<10240x64xf32, #tpu.memory_space<hbm>>) dst(%arg14 : memref<80x64xf32, #tpu.memory_space<vmem>>)
    %dma_start3A_228 = arith.constant 254 : i32
    %dma_start3A_229 = arith.constant 0 : i32
    %dma_start3A_230 = tpu.memref_slice %arg7[%dma_start3A_228, %dma_start3A_229] : memref<256x80xi32, #tpu.memory_space<vmem>> -> memref<1x80xi32, #tpu.memory_space<vmem>>
    %dma_start3A_231 = tpu.memref_squeeze %dma_start3A_230 : memref<1x80xi32, #tpu.memory_space<vmem>> -> memref<80xi32, #tpu.memory_space<vmem>>
    %dma_start3A_232 = arith.constant 0 : i32
    %dma_start3A_233 = arith.constant 0 : i32
    %dma_start3A_234 = tpu.memref_slice %arg16[%dma_start3A_232, %dma_start3A_233] : memref<10240x64xf32, #tpu.memory_space<vmem_shared>> -> memref<10240x64xf32, #tpu.memory_space<vmem_shared>>
    tpu.enqueue_indirect_dma source(%arg14 : memref<80x64xf32, #tpu.memory_space<vmem>>) target(%dma_start3A_234 : memref<10240x64xf32, #tpu.memory_space<vmem_shared>>) offsets(%dma_start3A_231 : memref<80xi32, #tpu.memory_space<vmem>>) semaphore(%arg31 : memref<!tpu.dma_semaphore, #tpu.memory_space<semaphore_mem>>) {add = true}
    %dma_wait3A_235 = arith.constant 255 : i32
    %dma_wait3A_236 = arith.constant 0 : i32
    %dma_wait3A_237 = tpu.memref_slice %arg6[%dma_wait3A_235, %dma_wait3A_236] : memref<256x80xi32, #tpu.memory_space<vmem>> -> memref<1x80xi32, #tpu.memory_space<vmem>>
    %dma_wait3A_238 = tpu.memref_squeeze %dma_wait3A_237 : memref<1x80xi32, #tpu.memory_space<vmem>> -> memref<80xi32, #tpu.memory_space<vmem>>
    %dma_wait3A_239 = arith.constant 0 : i32
    %dma_wait3A_240 = arith.constant 0 : i32
    %dma_wait3A_241 = tpu.memref_slice %arg4[%arg0, %dma_wait3A_239, %dma_wait3A_240] : memref<2x10240x64xf32, #tpu.memory_space<hbm>> -> memref<1x10240x64xf32, #tpu.memory_space<hbm>>
    %dma_wait3A_242 = tpu.memref_squeeze %dma_wait3A_241 : memref<1x10240x64xf32, #tpu.memory_space<hbm>> -> memref<10240x64xf32, #tpu.memory_space<hbm>>
    %dma_wait3A_243 = arith.constant 0 : i32
    %dma_wait3A_244 = arith.constant 0 : i32
    %dma_wait3A_245 = tpu.memref_slice %dma_wait3A_242[%dma_wait3A_243, %dma_wait3A_244] : memref<10240x64xf32, #tpu.memory_space<hbm>> -> memref<10240x64xf32, #tpu.memory_space<hbm>>
    tpu.wait_indirect_dma semaphore(%arg24 : memref<!tpu.dma_semaphore, #tpu.memory_space<semaphore_mem>>) src(%dma_wait3A_245 : memref<10240x64xf32, #tpu.memory_space<hbm>>) dst(%arg15 : memref<80x64xf32, #tpu.memory_space<vmem>>)
    %dma_start3A_246 = arith.constant 255 : i32
    %dma_start3A_247 = arith.constant 0 : i32
    %dma_start3A_248 = tpu.memref_slice %arg7[%dma_start3A_246, %dma_start3A_247] : memref<256x80xi32, #tpu.memory_space<vmem>> -> memref<1x80xi32, #tpu.memory_space<vmem>>
    %dma_start3A_249 = tpu.memref_squeeze %dma_start3A_248 : memref<1x80xi32, #tpu.memory_space<vmem>> -> memref<80xi32, #tpu.memory_space<vmem>>
    %dma_start3A_250 = arith.constant 0 : i32
    %dma_start3A_251 = arith.constant 0 : i32
    %dma_start3A_252 = tpu.memref_slice %arg16[%dma_start3A_250, %dma_start3A_251] : memref<10240x64xf32, #tpu.memory_space<vmem_shared>> -> memref<10240x64xf32, #tpu.memory_space<vmem_shared>>
    tpu.enqueue_indirect_dma source(%arg15 : memref<80x64xf32, #tpu.memory_space<vmem>>) target(%dma_start3A_252 : memref<10240x64xf32, #tpu.memory_space<vmem_shared>>) offsets(%dma_start3A_249 : memref<80xi32, #tpu.memory_space<vmem>>) semaphore(%arg32 : memref<!tpu.dma_semaphore, #tpu.memory_space<semaphore_mem>>) {add = true}
    %dma_wait3A_253 = arith.constant 248 : i32
    %dma_wait3A_254 = arith.constant 0 : i32
    %dma_wait3A_255 = tpu.memref_slice %arg7[%dma_wait3A_253, %dma_wait3A_254] : memref<256x80xi32, #tpu.memory_space<vmem>> -> memref<1x80xi32, #tpu.memory_space<vmem>>
    %dma_wait3A_256 = tpu.memref_squeeze %dma_wait3A_255 : memref<1x80xi32, #tpu.memory_space<vmem>> -> memref<80xi32, #tpu.memory_space<vmem>>
    %dma_wait3A_257 = arith.constant 0 : i32
    %dma_wait3A_258 = arith.constant 0 : i32
    %dma_wait3A_259 = tpu.memref_slice %arg16[%dma_wait3A_257, %dma_wait3A_258] : memref<10240x64xf32, #tpu.memory_space<vmem_shared>> -> memref<10240x64xf32, #tpu.memory_space<vmem_shared>>
    tpu.wait_indirect_dma semaphore(%arg25 : memref<!tpu.dma_semaphore, #tpu.memory_space<semaphore_mem>>) src(%arg8 : memref<80x64xf32, #tpu.memory_space<vmem>>) dst(%dma_wait3A_259 : memref<10240x64xf32, #tpu.memory_space<vmem_shared>>)
    %dma_wait3A_260 = arith.constant 249 : i32
    %dma_wait3A_261 = arith.constant 0 : i32
    %dma_wait3A_262 = tpu.memref_slice %arg7[%dma_wait3A_260, %dma_wait3A_261] : memref<256x80xi32, #tpu.memory_space<vmem>> -> memref<1x80xi32, #tpu.memory_space<vmem>>
    %dma_wait3A_263 = tpu.memref_squeeze %dma_wait3A_262 : memref<1x80xi32, #tpu.memory_space<vmem>> -> memref<80xi32, #tpu.memory_space<vmem>>
    %dma_wait3A_264 = arith.constant 0 : i32
    %dma_wait3A_265 = arith.constant 0 : i32
    %dma_wait3A_266 = tpu.memref_slice %arg16[%dma_wait3A_264, %dma_wait3A_265] : memref<10240x64xf32, #tpu.memory_space<vmem_shared>> -> memref<10240x64xf32, #tpu.memory_space<vmem_shared>>
    tpu.wait_indirect_dma semaphore(%arg26 : memref<!tpu.dma_semaphore, #tpu.memory_space<semaphore_mem>>) src(%arg9 : memref<80x64xf32, #tpu.memory_space<vmem>>) dst(%dma_wait3A_266 : memref<10240x64xf32, #tpu.memory_space<vmem_shared>>)
    %dma_wait3A_267 = arith.constant 250 : i32
    %dma_wait3A_268 = arith.constant 0 : i32
    %dma_wait3A_269 = tpu.memref_slice %arg7[%dma_wait3A_267, %dma_wait3A_268] : memref<256x80xi32, #tpu.memory_space<vmem>> -> memref<1x80xi32, #tpu.memory_space<vmem>>
    %dma_wait3A_270 = tpu.memref_squeeze %dma_wait3A_269 : memref<1x80xi32, #tpu.memory_space<vmem>> -> memref<80xi32, #tpu.memory_space<vmem>>
    %dma_wait3A_271 = arith.constant 0 : i32
    %dma_wait3A_272 = arith.constant 0 : i32
    %dma_wait3A_273 = tpu.memref_slice %arg16[%dma_wait3A_271, %dma_wait3A_272] : memref<10240x64xf32, #tpu.memory_space<vmem_shared>> -> memref<10240x64xf32, #tpu.memory_space<vmem_shared>>
    tpu.wait_indirect_dma semaphore(%arg27 : memref<!tpu.dma_semaphore, #tpu.memory_space<semaphore_mem>>) src(%arg10 : memref<80x64xf32, #tpu.memory_space<vmem>>) dst(%dma_wait3A_273 : memref<10240x64xf32, #tpu.memory_space<vmem_shared>>)
    %dma_wait3A_274 = arith.constant 251 : i32
    %dma_wait3A_275 = arith.constant 0 : i32
    %dma_wait3A_276 = tpu.memref_slice %arg7[%dma_wait3A_274, %dma_wait3A_275] : memref<256x80xi32, #tpu.memory_space<vmem>> -> memref<1x80xi32, #tpu.memory_space<vmem>>
    %dma_wait3A_277 = tpu.memref_squeeze %dma_wait3A_276 : memref<1x80xi32, #tpu.memory_space<vmem>> -> memref<80xi32, #tpu.memory_space<vmem>>
    %dma_wait3A_278 = arith.constant 0 : i32
    %dma_wait3A_279 = arith.constant 0 : i32
    %dma_wait3A_280 = tpu.memref_slice %arg16[%dma_wait3A_278, %dma_wait3A_279] : memref<10240x64xf32, #tpu.memory_space<vmem_shared>> -> memref<10240x64xf32, #tpu.memory_space<vmem_shared>>
    tpu.wait_indirect_dma semaphore(%arg28 : memref<!tpu.dma_semaphore, #tpu.memory_space<semaphore_mem>>) src(%arg11 : memref<80x64xf32, #tpu.memory_space<vmem>>) dst(%dma_wait3A_280 : memref<10240x64xf32, #tpu.memory_space<vmem_shared>>)
    %dma_wait3A_281 = arith.constant 252 : i32
    %dma_wait3A_282 = arith.constant 0 : i32
    %dma_wait3A_283 = tpu.memref_slice %arg7[%dma_wait3A_281, %dma_wait3A_282] : memref<256x80xi32, #tpu.memory_space<vmem>> -> memref<1x80xi32, #tpu.memory_space<vmem>>
    %dma_wait3A_284 = tpu.memref_squeeze %dma_wait3A_283 : memref<1x80xi32, #tpu.memory_space<vmem>> -> memref<80xi32, #tpu.memory_space<vmem>>
    %dma_wait3A_285 = arith.constant 0 : i32
    %dma_wait3A_286 = arith.constant 0 : i32
    %dma_wait3A_287 = tpu.memref_slice %arg16[%dma_wait3A_285, %dma_wait3A_286] : memref<10240x64xf32, #tpu.memory_space<vmem_shared>> -> memref<10240x64xf32, #tpu.memory_space<vmem_shared>>
    tpu.wait_indirect_dma semaphore(%arg29 : memref<!tpu.dma_semaphore, #tpu.memory_space<semaphore_mem>>) src(%arg12 : memref<80x64xf32, #tpu.memory_space<vmem>>) dst(%dma_wait3A_287 : memref<10240x64xf32, #tpu.memory_space<vmem_shared>>)
    %dma_wait3A_288 = arith.constant 253 : i32
    %dma_wait3A_289 = arith.constant 0 : i32
    %dma_wait3A_290 = tpu.memref_slice %arg7[%dma_wait3A_288, %dma_wait3A_289] : memref<256x80xi32, #tpu.memory_space<vmem>> -> memref<1x80xi32, #tpu.memory_space<vmem>>
    %dma_wait3A_291 = tpu.memref_squeeze %dma_wait3A_290 : memref<1x80xi32, #tpu.memory_space<vmem>> -> memref<80xi32, #tpu.memory_space<vmem>>
    %dma_wait3A_292 = arith.constant 0 : i32
    %dma_wait3A_293 = arith.constant 0 : i32
    %dma_wait3A_294 = tpu.memref_slice %arg16[%dma_wait3A_292, %dma_wait3A_293] : memref<10240x64xf32, #tpu.memory_space<vmem_shared>> -> memref<10240x64xf32, #tpu.memory_space<vmem_shared>>
    tpu.wait_indirect_dma semaphore(%arg30 : memref<!tpu.dma_semaphore, #tpu.memory_space<semaphore_mem>>) src(%arg13 : memref<80x64xf32, #tpu.memory_space<vmem>>) dst(%dma_wait3A_294 : memref<10240x64xf32, #tpu.memory_space<vmem_shared>>)
    %dma_wait3A_295 = arith.constant 254 : i32
    %dma_wait3A_296 = arith.constant 0 : i32
    %dma_wait3A_297 = tpu.memref_slice %arg7[%dma_wait3A_295, %dma_wait3A_296] : memref<256x80xi32, #tpu.memory_space<vmem>> -> memref<1x80xi32, #tpu.memory_space<vmem>>
    %dma_wait3A_298 = tpu.memref_squeeze %dma_wait3A_297 : memref<1x80xi32, #tpu.memory_space<vmem>> -> memref<80xi32, #tpu.memory_space<vmem>>
    %dma_wait3A_299 = arith.constant 0 : i32
    %dma_wait3A_300 = arith.constant 0 : i32
    %dma_wait3A_301 = tpu.memref_slice %arg16[%dma_wait3A_299, %dma_wait3A_300] : memref<10240x64xf32, #tpu.memory_space<vmem_shared>> -> memref<10240x64xf32, #tpu.memory_space<vmem_shared>>
    tpu.wait_indirect_dma semaphore(%arg31 : memref<!tpu.dma_semaphore, #tpu.memory_space<semaphore_mem>>) src(%arg14 : memref<80x64xf32, #tpu.memory_space<vmem>>) dst(%dma_wait3A_301 : memref<10240x64xf32, #tpu.memory_space<vmem_shared>>)
    %dma_wait3A_302 = arith.constant 255 : i32
    %dma_wait3A_303 = arith.constant 0 : i32
    %dma_wait3A_304 = tpu.memref_slice %arg7[%dma_wait3A_302, %dma_wait3A_303] : memref<256x80xi32, #tpu.memory_space<vmem>> -> memref<1x80xi32, #tpu.memory_space<vmem>>
    %dma_wait3A_305 = tpu.memref_squeeze %dma_wait3A_304 : memref<1x80xi32, #tpu.memory_space<vmem>> -> memref<80xi32, #tpu.memory_space<vmem>>
    %dma_wait3A_306 = arith.constant 0 : i32
    %dma_wait3A_307 = arith.constant 0 : i32
    %dma_wait3A_308 = tpu.memref_slice %arg16[%dma_wait3A_306, %dma_wait3A_307] : memref<10240x64xf32, #tpu.memory_space<vmem_shared>> -> memref<10240x64xf32, #tpu.memory_space<vmem_shared>>
    tpu.wait_indirect_dma semaphore(%arg32 : memref<!tpu.dma_semaphore, #tpu.memory_space<semaphore_mem>>) src(%arg15 : memref<80x64xf32, #tpu.memory_space<vmem>>) dst(%dma_wait3A_308 : memref<10240x64xf32, #tpu.memory_space<vmem_shared>>)
    %barrier3A_309 = arith.constant 0 : index
    tpu.barrier barrier_id(%barrier3A_309)
    %mul3A_310 = arith.constant 640 : i32
    %mul3A_311 = arith.muli %arg1, %mul3A_310 : i32
    %mul3A_312 = arith.constant 640 : i32
    %mul3A_313 = arith.muli %arg1, %mul3A_312 : i32
    "tpu.region"() ({
      %run_scoped3A = tpu.sem_alloc : memref<!tpu.dma_semaphore, #tpu.memory_space<semaphore_mem>>
      %dma_start3A_314 = arith.constant 0 : i32
      %dma_start3A_315 = tpu.memref_slice %arg5[%arg0, %mul3A_313, %dma_start3A_314] : memref<2x10240x64xf32, #tpu.memory_space<hbm>> -> memref<1x640x64xf32, #tpu.memory_space<hbm>>
      %dma_start3A_316 = tpu.memref_squeeze %dma_start3A_315 : memref<1x640x64xf32, #tpu.memory_space<hbm>> -> memref<640x64xf32, #tpu.memory_space<hbm>>
      %dma_start3A_317 = arith.constant 0 : i32
      %dma_start3A_318 = tpu.memref_slice %arg16[%mul3A_311, %dma_start3A_317] : memref<10240x64xf32, #tpu.memory_space<vmem_shared>> -> memref<640x64xf32, #tpu.memory_space<vmem_shared>>
      tpu.enqueue_dma source(%dma_start3A_318 : memref<640x64xf32, #tpu.memory_space<vmem_shared>>) target(%dma_start3A_316 : memref<640x64xf32, #tpu.memory_space<hbm>>) target_semaphore(%run_scoped3A : memref<!tpu.dma_semaphore, #tpu.memory_space<semaphore_mem>>)
      %dma_wait3A_319 = arith.constant 0 : i32
      %dma_wait3A_320 = tpu.memref_slice %arg5[%arg0, %mul3A_313, %dma_wait3A_319] : memref<2x10240x64xf32, #tpu.memory_space<hbm>> -> memref<1x640x64xf32, #tpu.memory_space<hbm>>
      %dma_wait3A_321 = tpu.memref_squeeze %dma_wait3A_320 : memref<1x640x64xf32, #tpu.memory_space<hbm>> -> memref<640x64xf32, #tpu.memory_space<hbm>>
      %dma_wait3A_322 = arith.constant 0 : i32
      %dma_wait3A_323 = tpu.memref_slice %arg16[%mul3A_311, %dma_wait3A_322] : memref<10240x64xf32, #tpu.memory_space<vmem_shared>> -> memref<640x64xf32, #tpu.memory_space<vmem_shared>>
      tpu.wait_dma2 semaphore(%run_scoped3A : memref<!tpu.dma_semaphore, #tpu.memory_space<semaphore_mem>>) src(%dma_wait3A_323 : memref<640x64xf32, #tpu.memory_space<vmem_shared>>) dst(%dma_wait3A_321 : memref<640x64xf32, #tpu.memory_space<hbm>>)
      tpu.yield
    }) : () -> ()
    return
  }
}

#map = affine_map<(d0, d1) -> (0, 0)>
#map1 = affine_map<(d0, d1) -> (0, 0, 0)>
module attributes {stable_mosaic.version = 14 : i64} {
  func.func @_agg_kernel(%arg0: i32, %arg1: i32, %arg2: memref<4096x80xi32, #tpu.memory_space<hbm>>, %arg3: memref<4096x80xi32, #tpu.memory_space<hbm>>, %arg4: memref<2x10240x64xf32, #tpu.memory_space<hbm>>, %arg5: memref<2x10240x64xf32, #tpu.memory_space<hbm>>, %arg6: memref<256x80xi32, #tpu.memory_space<vmem>>, %arg7: memref<256x80xi32, #tpu.memory_space<vmem>>, %arg8: memref<80x64xf32, #tpu.memory_space<vmem>>, %arg9: memref<80x64xf32, #tpu.memory_space<vmem>>, %arg10: memref<80x64xf32, #tpu.memory_space<vmem>>, %arg11: memref<80x64xf32, #tpu.memory_space<vmem>>, %arg12: memref<80x64xf32, #tpu.memory_space<vmem>>, %arg13: memref<80x64xf32, #tpu.memory_space<vmem>>, %arg14: memref<80x64xf32, #tpu.memory_space<vmem>>, %arg15: memref<80x64xf32, #tpu.memory_space<vmem>>, %arg16: memref<10240x64xf32, #tpu.memory_space<vmem_shared>>, %arg17: memref<!tpu.dma_semaphore, #tpu.memory_space<semaphore_mem>>, %arg18: memref<!tpu.dma_semaphore, #tpu.memory_space<semaphore_mem>>, %arg19: memref<!tpu.dma_semaphore, #tpu.memory_space<semaphore_mem>>, %arg20: memref<!tpu.dma_semaphore, #tpu.memory_space<semaphore_mem>>, %arg21: memref<!tpu.dma_semaphore, #tpu.memory_space<semaphore_mem>>, %arg22: memref<!tpu.dma_semaphore, #tpu.memory_space<semaphore_mem>>, %arg23: memref<!tpu.dma_semaphore, #tpu.memory_space<semaphore_mem>>, %arg24: memref<!tpu.dma_semaphore, #tpu.memory_space<semaphore_mem>>, %arg25: memref<!tpu.dma_semaphore, #tpu.memory_space<semaphore_mem>>, %arg26: memref<!tpu.dma_semaphore, #tpu.memory_space<semaphore_mem>>, %arg27: memref<!tpu.dma_semaphore, #tpu.memory_space<semaphore_mem>>, %arg28: memref<!tpu.dma_semaphore, #tpu.memory_space<semaphore_mem>>, %arg29: memref<!tpu.dma_semaphore, #tpu.memory_space<semaphore_mem>>, %arg30: memref<!tpu.dma_semaphore, #tpu.memory_space<semaphore_mem>>, %arg31: memref<!tpu.dma_semaphore, #tpu.memory_space<semaphore_mem>>, %arg32: memref<!tpu.dma_semaphore, #tpu.memory_space<semaphore_mem>>) attributes {dimension_semantics = [#tpu.dimension_semantics<core_parallel>, #tpu.dimension_semantics<subcore_parallel>], iteration_bounds = array<i64: 2, 16>, scalar_prefetch = 0 : i64, scratch_operands = 27 : i64, tpu.core_type = #tpu.core_type<sc_vector_subcore>, window_params = [{transform_indices = #map}, {transform_indices = #map}, {transform_indices = #map1}, {transform_indices = #map1}]} {
    %mul3A = arith.constant 256 : i32
    %mul3A_0 = arith.muli %arg1, %mul3A : i32
    "tpu.region"() ({
      %run_scoped3A = tpu.sem_alloc : memref<!tpu.dma_semaphore, #tpu.memory_space<semaphore_mem>>
      %dma_start3A_314 = arith.constant 0 : i32
      %dma_start3A_315 = tpu.memref_slice %arg2[%mul3A_0, %dma_start3A_314] : memref<4096x80xi32, #tpu.memory_space<hbm>> -> memref<256x80xi32, #tpu.memory_space<hbm>>
      %dma_start3A_316 = arith.constant 0 : i32
      %dma_start3A_317 = tpu.memref_slice %arg2[%mul3A_0, %dma_start3A_316] : memref<4096x80xi32, #tpu.memory_space<hbm>> -> memref<256x80xi32, #tpu.memory_space<hbm>>
      tpu.enqueue_dma source(%dma_start3A_317 : memref<256x80xi32, #tpu.memory_space<hbm>>) target(%arg6 : memref<256x80xi32, #tpu.memory_space<vmem>>) target_semaphore(%run_scoped3A : memref<!tpu.dma_semaphore, #tpu.memory_space<semaphore_mem>>)
      %dma_wait3A_318 = arith.constant 0 : i32
      %dma_wait3A_319 = tpu.memref_slice %arg2[%mul3A_0, %dma_wait3A_318] : memref<4096x80xi32, #tpu.memory_space<hbm>> -> memref<256x80xi32, #tpu.memory_space<hbm>>
      %dma_wait3A_320 = arith.constant 0 : i32
      %dma_wait3A_321 = tpu.memref_slice %arg2[%mul3A_0, %dma_wait3A_320] : memref<4096x80xi32, #tpu.memory_space<hbm>> -> memref<256x80xi32, #tpu.memory_space<hbm>>
      tpu.wait_dma2 semaphore(%run_scoped3A : memref<!tpu.dma_semaphore, #tpu.memory_space<semaphore_mem>>) src(%dma_wait3A_321 : memref<256x80xi32, #tpu.memory_space<hbm>>) dst(%arg6 : memref<256x80xi32, #tpu.memory_space<vmem>>)
      tpu.yield
    }) : () -> ()
    %mul3A_1 = arith.constant 256 : i32
    %mul3A_2 = arith.muli %arg1, %mul3A_1 : i32
    "tpu.region"() ({
      %run_scoped3A = tpu.sem_alloc : memref<!tpu.dma_semaphore, #tpu.memory_space<semaphore_mem>>
      %dma_start3A_314 = arith.constant 0 : i32
      %dma_start3A_315 = tpu.memref_slice %arg3[%mul3A_2, %dma_start3A_314] : memref<4096x80xi32, #tpu.memory_space<hbm>> -> memref<256x80xi32, #tpu.memory_space<hbm>>
      %dma_start3A_316 = arith.constant 0 : i32
      %dma_start3A_317 = tpu.memref_slice %arg3[%mul3A_2, %dma_start3A_316] : memref<4096x80xi32, #tpu.memory_space<hbm>> -> memref<256x80xi32, #tpu.memory_space<hbm>>
      tpu.enqueue_dma source(%dma_start3A_317 : memref<256x80xi32, #tpu.memory_space<hbm>>) target(%arg7 : memref<256x80xi32, #tpu.memory_space<vmem>>) target_semaphore(%run_scoped3A : memref<!tpu.dma_semaphore, #tpu.memory_space<semaphore_mem>>)
      %dma_wait3A_318 = arith.constant 0 : i32
      %dma_wait3A_319 = tpu.memref_slice %arg3[%mul3A_2, %dma_wait3A_318] : memref<4096x80xi32, #tpu.memory_space<hbm>> -> memref<256x80xi32, #tpu.memory_space<hbm>>
      %dma_wait3A_320 = arith.constant 0 : i32
      %dma_wait3A_321 = tpu.memref_slice %arg3[%mul3A_2, %dma_wait3A_320] : memref<4096x80xi32, #tpu.memory_space<hbm>> -> memref<256x80xi32, #tpu.memory_space<hbm>>
      tpu.wait_dma2 semaphore(%run_scoped3A : memref<!tpu.dma_semaphore, #tpu.memory_space<semaphore_mem>>) src(%dma_wait3A_321 : memref<256x80xi32, #tpu.memory_space<hbm>>) dst(%arg7 : memref<256x80xi32, #tpu.memory_space<vmem>>)
      tpu.yield
    }) : () -> ()
    %dma_start3A = arith.constant 0 : i32
    %dma_start3A_3 = arith.constant 0 : i32
    %dma_start3A_4 = tpu.memref_slice %arg6[%dma_start3A, %dma_start3A_3] : memref<256x80xi32, #tpu.memory_space<vmem>> -> memref<1x80xi32, #tpu.memory_space<vmem>>
    %dma_start3A_5 = tpu.memref_squeeze %dma_start3A_4 : memref<1x80xi32, #tpu.memory_space<vmem>> -> memref<80xi32, #tpu.memory_space<vmem>>
    %dma_start3A_6 = arith.constant 0 : i32
    %dma_start3A_7 = arith.constant 0 : i32
    %dma_start3A_8 = tpu.memref_slice %arg4[%arg0, %dma_start3A_6, %dma_start3A_7] : memref<2x10240x64xf32, #tpu.memory_space<hbm>> -> memref<1x10240x64xf32, #tpu.memory_space<hbm>>
    %dma_start3A_9 = tpu.memref_squeeze %dma_start3A_8 : memref<1x10240x64xf32, #tpu.memory_space<hbm>> -> memref<10240x64xf32, #tpu.memory_space<hbm>>
    %dma_start3A_10 = arith.constant 0 : i32
    %dma_start3A_11 = arith.constant 0 : i32
    %dma_start3A_12 = tpu.memref_slice %dma_start3A_9[%dma_start3A_10, %dma_start3A_11] : memref<10240x64xf32, #tpu.memory_space<hbm>> -> memref<10240x64xf32, #tpu.memory_space<hbm>>
    tpu.enqueue_indirect_dma source(%dma_start3A_12 : memref<10240x64xf32, #tpu.memory_space<hbm>>) target(%arg8 : memref<80x64xf32, #tpu.memory_space<vmem>>) offsets(%dma_start3A_5 : memref<80xi32, #tpu.memory_space<vmem>>) semaphore(%arg17 : memref<!tpu.dma_semaphore, #tpu.memory_space<semaphore_mem>>)
    %dma_start3A_13 = arith.constant 1 : i32
    %dma_start3A_14 = arith.constant 0 : i32
    %dma_start3A_15 = tpu.memref_slice %arg6[%dma_start3A_13, %dma_start3A_14] : memref<256x80xi32, #tpu.memory_space<vmem>> -> memref<1x80xi32, #tpu.memory_space<vmem>>
    %dma_start3A_16 = tpu.memref_squeeze %dma_start3A_15 : memref<1x80xi32, #tpu.memory_space<vmem>> -> memref<80xi32, #tpu.memory_space<vmem>>
    %dma_start3A_17 = arith.constant 0 : i32
    %dma_start3A_18 = arith.constant 0 : i32
    %dma_start3A_19 = tpu.memref_slice %arg4[%arg0, %dma_start3A_17, %dma_start3A_18] : memref<2x10240x64xf32, #tpu.memory_space<hbm>> -> memref<1x10240x64xf32, #tpu.memory_space<hbm>>
    %dma_start3A_20 = tpu.memref_squeeze %dma_start3A_19 : memref<1x10240x64xf32, #tpu.memory_space<hbm>> -> memref<10240x64xf32, #tpu.memory_space<hbm>>
    %dma_start3A_21 = arith.constant 0 : i32
    %dma_start3A_22 = arith.constant 0 : i32
    %dma_start3A_23 = tpu.memref_slice %dma_start3A_20[%dma_start3A_21, %dma_start3A_22] : memref<10240x64xf32, #tpu.memory_space<hbm>> -> memref<10240x64xf32, #tpu.memory_space<hbm>>
    tpu.enqueue_indirect_dma source(%dma_start3A_23 : memref<10240x64xf32, #tpu.memory_space<hbm>>) target(%arg9 : memref<80x64xf32, #tpu.memory_space<vmem>>) offsets(%dma_start3A_16 : memref<80xi32, #tpu.memory_space<vmem>>) semaphore(%arg18 : memref<!tpu.dma_semaphore, #tpu.memory_space<semaphore_mem>>)
    %dma_start3A_24 = arith.constant 2 : i32
    %dma_start3A_25 = arith.constant 0 : i32
    %dma_start3A_26 = tpu.memref_slice %arg6[%dma_start3A_24, %dma_start3A_25] : memref<256x80xi32, #tpu.memory_space<vmem>> -> memref<1x80xi32, #tpu.memory_space<vmem>>
    %dma_start3A_27 = tpu.memref_squeeze %dma_start3A_26 : memref<1x80xi32, #tpu.memory_space<vmem>> -> memref<80xi32, #tpu.memory_space<vmem>>
    %dma_start3A_28 = arith.constant 0 : i32
    %dma_start3A_29 = arith.constant 0 : i32
    %dma_start3A_30 = tpu.memref_slice %arg4[%arg0, %dma_start3A_28, %dma_start3A_29] : memref<2x10240x64xf32, #tpu.memory_space<hbm>> -> memref<1x10240x64xf32, #tpu.memory_space<hbm>>
    %dma_start3A_31 = tpu.memref_squeeze %dma_start3A_30 : memref<1x10240x64xf32, #tpu.memory_space<hbm>> -> memref<10240x64xf32, #tpu.memory_space<hbm>>
    %dma_start3A_32 = arith.constant 0 : i32
    %dma_start3A_33 = arith.constant 0 : i32
    %dma_start3A_34 = tpu.memref_slice %dma_start3A_31[%dma_start3A_32, %dma_start3A_33] : memref<10240x64xf32, #tpu.memory_space<hbm>> -> memref<10240x64xf32, #tpu.memory_space<hbm>>
    tpu.enqueue_indirect_dma source(%dma_start3A_34 : memref<10240x64xf32, #tpu.memory_space<hbm>>) target(%arg10 : memref<80x64xf32, #tpu.memory_space<vmem>>) offsets(%dma_start3A_27 : memref<80xi32, #tpu.memory_space<vmem>>) semaphore(%arg19 : memref<!tpu.dma_semaphore, #tpu.memory_space<semaphore_mem>>)
    %dma_start3A_35 = arith.constant 3 : i32
    %dma_start3A_36 = arith.constant 0 : i32
    %dma_start3A_37 = tpu.memref_slice %arg6[%dma_start3A_35, %dma_start3A_36] : memref<256x80xi32, #tpu.memory_space<vmem>> -> memref<1x80xi32, #tpu.memory_space<vmem>>
    %dma_start3A_38 = tpu.memref_squeeze %dma_start3A_37 : memref<1x80xi32, #tpu.memory_space<vmem>> -> memref<80xi32, #tpu.memory_space<vmem>>
    %dma_start3A_39 = arith.constant 0 : i32
    %dma_start3A_40 = arith.constant 0 : i32
    %dma_start3A_41 = tpu.memref_slice %arg4[%arg0, %dma_start3A_39, %dma_start3A_40] : memref<2x10240x64xf32, #tpu.memory_space<hbm>> -> memref<1x10240x64xf32, #tpu.memory_space<hbm>>
    %dma_start3A_42 = tpu.memref_squeeze %dma_start3A_41 : memref<1x10240x64xf32, #tpu.memory_space<hbm>> -> memref<10240x64xf32, #tpu.memory_space<hbm>>
    %dma_start3A_43 = arith.constant 0 : i32
    %dma_start3A_44 = arith.constant 0 : i32
    %dma_start3A_45 = tpu.memref_slice %dma_start3A_42[%dma_start3A_43, %dma_start3A_44] : memref<10240x64xf32, #tpu.memory_space<hbm>> -> memref<10240x64xf32, #tpu.memory_space<hbm>>
    tpu.enqueue_indirect_dma source(%dma_start3A_45 : memref<10240x64xf32, #tpu.memory_space<hbm>>) target(%arg11 : memref<80x64xf32, #tpu.memory_space<vmem>>) offsets(%dma_start3A_38 : memref<80xi32, #tpu.memory_space<vmem>>) semaphore(%arg20 : memref<!tpu.dma_semaphore, #tpu.memory_space<semaphore_mem>>)
    %dma_start3A_46 = arith.constant 4 : i32
    %dma_start3A_47 = arith.constant 0 : i32
    %dma_start3A_48 = tpu.memref_slice %arg6[%dma_start3A_46, %dma_start3A_47] : memref<256x80xi32, #tpu.memory_space<vmem>> -> memref<1x80xi32, #tpu.memory_space<vmem>>
    %dma_start3A_49 = tpu.memref_squeeze %dma_start3A_48 : memref<1x80xi32, #tpu.memory_space<vmem>> -> memref<80xi32, #tpu.memory_space<vmem>>
    %dma_start3A_50 = arith.constant 0 : i32
    %dma_start3A_51 = arith.constant 0 : i32
    %dma_start3A_52 = tpu.memref_slice %arg4[%arg0, %dma_start3A_50, %dma_start3A_51] : memref<2x10240x64xf32, #tpu.memory_space<hbm>> -> memref<1x10240x64xf32, #tpu.memory_space<hbm>>
    %dma_start3A_53 = tpu.memref_squeeze %dma_start3A_52 : memref<1x10240x64xf32, #tpu.memory_space<hbm>> -> memref<10240x64xf32, #tpu.memory_space<hbm>>
    %dma_start3A_54 = arith.constant 0 : i32
    %dma_start3A_55 = arith.constant 0 : i32
    %dma_start3A_56 = tpu.memref_slice %dma_start3A_53[%dma_start3A_54, %dma_start3A_55] : memref<10240x64xf32, #tpu.memory_space<hbm>> -> memref<10240x64xf32, #tpu.memory_space<hbm>>
    tpu.enqueue_indirect_dma source(%dma_start3A_56 : memref<10240x64xf32, #tpu.memory_space<hbm>>) target(%arg12 : memref<80x64xf32, #tpu.memory_space<vmem>>) offsets(%dma_start3A_49 : memref<80xi32, #tpu.memory_space<vmem>>) semaphore(%arg21 : memref<!tpu.dma_semaphore, #tpu.memory_space<semaphore_mem>>)
    %dma_start3A_57 = arith.constant 5 : i32
    %dma_start3A_58 = arith.constant 0 : i32
    %dma_start3A_59 = tpu.memref_slice %arg6[%dma_start3A_57, %dma_start3A_58] : memref<256x80xi32, #tpu.memory_space<vmem>> -> memref<1x80xi32, #tpu.memory_space<vmem>>
    %dma_start3A_60 = tpu.memref_squeeze %dma_start3A_59 : memref<1x80xi32, #tpu.memory_space<vmem>> -> memref<80xi32, #tpu.memory_space<vmem>>
    %dma_start3A_61 = arith.constant 0 : i32
    %dma_start3A_62 = arith.constant 0 : i32
    %dma_start3A_63 = tpu.memref_slice %arg4[%arg0, %dma_start3A_61, %dma_start3A_62] : memref<2x10240x64xf32, #tpu.memory_space<hbm>> -> memref<1x10240x64xf32, #tpu.memory_space<hbm>>
    %dma_start3A_64 = tpu.memref_squeeze %dma_start3A_63 : memref<1x10240x64xf32, #tpu.memory_space<hbm>> -> memref<10240x64xf32, #tpu.memory_space<hbm>>
    %dma_start3A_65 = arith.constant 0 : i32
    %dma_start3A_66 = arith.constant 0 : i32
    %dma_start3A_67 = tpu.memref_slice %dma_start3A_64[%dma_start3A_65, %dma_start3A_66] : memref<10240x64xf32, #tpu.memory_space<hbm>> -> memref<10240x64xf32, #tpu.memory_space<hbm>>
    tpu.enqueue_indirect_dma source(%dma_start3A_67 : memref<10240x64xf32, #tpu.memory_space<hbm>>) target(%arg13 : memref<80x64xf32, #tpu.memory_space<vmem>>) offsets(%dma_start3A_60 : memref<80xi32, #tpu.memory_space<vmem>>) semaphore(%arg22 : memref<!tpu.dma_semaphore, #tpu.memory_space<semaphore_mem>>)
    %dma_start3A_68 = arith.constant 6 : i32
    %dma_start3A_69 = arith.constant 0 : i32
    %dma_start3A_70 = tpu.memref_slice %arg6[%dma_start3A_68, %dma_start3A_69] : memref<256x80xi32, #tpu.memory_space<vmem>> -> memref<1x80xi32, #tpu.memory_space<vmem>>
    %dma_start3A_71 = tpu.memref_squeeze %dma_start3A_70 : memref<1x80xi32, #tpu.memory_space<vmem>> -> memref<80xi32, #tpu.memory_space<vmem>>
    %dma_start3A_72 = arith.constant 0 : i32
    %dma_start3A_73 = arith.constant 0 : i32
    %dma_start3A_74 = tpu.memref_slice %arg4[%arg0, %dma_start3A_72, %dma_start3A_73] : memref<2x10240x64xf32, #tpu.memory_space<hbm>> -> memref<1x10240x64xf32, #tpu.memory_space<hbm>>
    %dma_start3A_75 = tpu.memref_squeeze %dma_start3A_74 : memref<1x10240x64xf32, #tpu.memory_space<hbm>> -> memref<10240x64xf32, #tpu.memory_space<hbm>>
    %dma_start3A_76 = arith.constant 0 : i32
    %dma_start3A_77 = arith.constant 0 : i32
    %dma_start3A_78 = tpu.memref_slice %dma_start3A_75[%dma_start3A_76, %dma_start3A_77] : memref<10240x64xf32, #tpu.memory_space<hbm>> -> memref<10240x64xf32, #tpu.memory_space<hbm>>
    tpu.enqueue_indirect_dma source(%dma_start3A_78 : memref<10240x64xf32, #tpu.memory_space<hbm>>) target(%arg14 : memref<80x64xf32, #tpu.memory_space<vmem>>) offsets(%dma_start3A_71 : memref<80xi32, #tpu.memory_space<vmem>>) semaphore(%arg23 : memref<!tpu.dma_semaphore, #tpu.memory_space<semaphore_mem>>)
    %scan3A = arith.constant 0 : i32
    %scan3A_79 = arith.constant 0 : i32
    %scan3A_80 = arith.constant 80 : i32
    %scan3A_81 = arith.addi %scan3A_79, %scan3A_80 : i32
    %scan3A_82 = arith.constant 1 : i32
    %scan3A_83 = scf.for %scan3A_314 = %scan3A_79 to %scan3A_81 step %scan3A_82 iter_args(%scan3A_315 = %scan3A) -> (i32)  : i32 {
      %broadcast_in_dim3A = arith.constant 0.000000e+00 : f32
      %broadcast_in_dim3A_316 = vector.broadcast %broadcast_in_dim3A : f32 to vector<16xf32>
      %swap3A = arith.index_cast %scan3A_314 : i32 to index
      %swap3A_317 = arith.constant 0 : index
      %swap3A_318 = tpu.vector_load %arg15[%swap3A, %swap3A_317] {strides = array<i32>} : memref<80x64xf32, #tpu.memory_space<vmem>>, vector<1x16xf32>,
      %swap3A_319 = vector.shape_cast %swap3A_318 : vector<1x16xf32> to vector<16xf32>
      %swap3A_320 = vector.shape_cast %broadcast_in_dim3A_316 : vector<16xf32> to vector<1x16xf32>
      tpu.vector_store %arg15[%swap3A, %swap3A_317], %swap3A_320 {strides = array<i32>} : memref<80x64xf32, #tpu.memory_space<vmem>>, vector<1x16xf32>,
      %broadcast_in_dim3A_321 = arith.constant 0.000000e+00 : f32
      %broadcast_in_dim3A_322 = vector.broadcast %broadcast_in_dim3A_321 : f32 to vector<16xf32>
      %swap3A_323 = arith.index_cast %scan3A_314 : i32 to index
      %swap3A_324 = arith.constant 16 : index
      %swap3A_325 = tpu.vector_load %arg15[%swap3A_323, %swap3A_324] {strides = array<i32>} : memref<80x64xf32, #tpu.memory_space<vmem>>, vector<1x16xf32>,
      %swap3A_326 = vector.shape_cast %swap3A_325 : vector<1x16xf32> to vector<16xf32>
      %swap3A_327 = vector.shape_cast %broadcast_in_dim3A_322 : vector<16xf32> to vector<1x16xf32>
      tpu.vector_store %arg15[%swap3A_323, %swap3A_324], %swap3A_327 {strides = array<i32>} : memref<80x64xf32, #tpu.memory_space<vmem>>, vector<1x16xf32>,
      %broadcast_in_dim3A_328 = arith.constant 0.000000e+00 : f32
      %broadcast_in_dim3A_329 = vector.broadcast %broadcast_in_dim3A_328 : f32 to vector<16xf32>
      %swap3A_330 = arith.index_cast %scan3A_314 : i32 to index
      %swap3A_331 = arith.constant 32 : index
      %swap3A_332 = tpu.vector_load %arg15[%swap3A_330, %swap3A_331] {strides = array<i32>} : memref<80x64xf32, #tpu.memory_space<vmem>>, vector<1x16xf32>,
      %swap3A_333 = vector.shape_cast %swap3A_332 : vector<1x16xf32> to vector<16xf32>
      %swap3A_334 = vector.shape_cast %broadcast_in_dim3A_329 : vector<16xf32> to vector<1x16xf32>
      tpu.vector_store %arg15[%swap3A_330, %swap3A_331], %swap3A_334 {strides = array<i32>} : memref<80x64xf32, #tpu.memory_space<vmem>>, vector<1x16xf32>,
      %broadcast_in_dim3A_335 = arith.constant 0.000000e+00 : f32
      %broadcast_in_dim3A_336 = vector.broadcast %broadcast_in_dim3A_335 : f32 to vector<16xf32>
      %swap3A_337 = arith.index_cast %scan3A_314 : i32 to index
      %swap3A_338 = arith.constant 48 : index
      %swap3A_339 = tpu.vector_load %arg15[%swap3A_337, %swap3A_338] {strides = array<i32>} : memref<80x64xf32, #tpu.memory_space<vmem>>, vector<1x16xf32>,
      %swap3A_340 = vector.shape_cast %swap3A_339 : vector<1x16xf32> to vector<16xf32>
      %swap3A_341 = vector.shape_cast %broadcast_in_dim3A_336 : vector<16xf32> to vector<1x16xf32>
      tpu.vector_store %arg15[%swap3A_337, %swap3A_338], %swap3A_341 {strides = array<i32>} : memref<80x64xf32, #tpu.memory_space<vmem>>, vector<1x16xf32>,
      %scan3A_342 = arith.constant 0 : i32
      scf.yield %scan3A_342 : i32
    }
    %scan3A_84 = arith.constant 80 : i32
    %scan3A_85 = arith.constant 0 : i32
    %scan3A_86 = arith.constant 0 : i32
    %scan3A_87 = arith.constant 8 : i32
    %scan3A_88 = arith.addi %scan3A_86, %scan3A_87 : i32
    %scan3A_89 = arith.constant 1 : i32
    %scan3A_90 = scf.for %scan3A_314 = %scan3A_86 to %scan3A_88 step %scan3A_89 iter_args(%scan3A_315 = %scan3A_85) -> (i32)  : i32 {
      %mul3A_316 = arith.constant 640 : i32
      %mul3A_317 = arith.muli %arg1, %mul3A_316 : i32
      %mul3A_318 = arith.constant 80 : i32
      %mul3A_319 = arith.muli %scan3A_314, %mul3A_318 : i32
      %add3A = arith.addi %mul3A_317, %mul3A_319 : i32
      "tpu.region"() ({
        %run_scoped3A = tpu.sem_alloc : memref<!tpu.dma_semaphore, #tpu.memory_space<semaphore_mem>>
        %dma_start3A_321 = arith.constant 0 : i32
        %dma_start3A_322 = tpu.memref_slice %arg16[%add3A, %dma_start3A_321] : memref<10240x64xf32, #tpu.memory_space<vmem_shared>> -> memref<80x64xf32, #tpu.memory_space<vmem_shared>>
        %dma_start3A_323 = arith.constant 0 : i32
        %dma_start3A_324 = tpu.memref_slice %arg16[%add3A, %dma_start3A_323] : memref<10240x64xf32, #tpu.memory_space<vmem_shared>> -> memref<80x64xf32, #tpu.memory_space<vmem_shared>>
        tpu.enqueue_dma source(%arg15 : memref<80x64xf32, #tpu.memory_space<vmem>>) target(%dma_start3A_324 : memref<80x64xf32, #tpu.memory_space<vmem_shared>>) target_semaphore(%run_scoped3A : memref<!tpu.dma_semaphore, #tpu.memory_space<semaphore_mem>>)
        %dma_wait3A_325 = arith.constant 0 : i32
        %dma_wait3A_326 = tpu.memref_slice %arg16[%add3A, %dma_wait3A_325] : memref<10240x64xf32, #tpu.memory_space<vmem_shared>> -> memref<80x64xf32, #tpu.memory_space<vmem_shared>>
        %dma_wait3A_327 = arith.constant 0 : i32
        %dma_wait3A_328 = tpu.memref_slice %arg16[%add3A, %dma_wait3A_327] : memref<10240x64xf32, #tpu.memory_space<vmem_shared>> -> memref<80x64xf32, #tpu.memory_space<vmem_shared>>
        tpu.wait_dma2 semaphore(%run_scoped3A : memref<!tpu.dma_semaphore, #tpu.memory_space<semaphore_mem>>) src(%arg15 : memref<80x64xf32, #tpu.memory_space<vmem>>) dst(%dma_wait3A_328 : memref<80x64xf32, #tpu.memory_space<vmem_shared>>)
        tpu.yield
      }) : () -> ()
      %scan3A_320 = arith.constant 0 : i32
      scf.yield %scan3A_320 : i32
    }
    %scan3A_91 = arith.constant 8 : i32
    %barrier3A = arith.constant 0 : index
    tpu.barrier barrier_id(%barrier3A)
    %dma_start3A_92 = arith.constant 7 : i32
    %dma_start3A_93 = arith.constant 0 : i32
    %dma_start3A_94 = tpu.memref_slice %arg6[%dma_start3A_92, %dma_start3A_93] : memref<256x80xi32, #tpu.memory_space<vmem>> -> memref<1x80xi32, #tpu.memory_space<vmem>>
    %dma_start3A_95 = tpu.memref_squeeze %dma_start3A_94 : memref<1x80xi32, #tpu.memory_space<vmem>> -> memref<80xi32, #tpu.memory_space<vmem>>
    %dma_start3A_96 = arith.constant 0 : i32
    %dma_start3A_97 = arith.constant 0 : i32
    %dma_start3A_98 = tpu.memref_slice %arg4[%arg0, %dma_start3A_96, %dma_start3A_97] : memref<2x10240x64xf32, #tpu.memory_space<hbm>> -> memref<1x10240x64xf32, #tpu.memory_space<hbm>>
    %dma_start3A_99 = tpu.memref_squeeze %dma_start3A_98 : memref<1x10240x64xf32, #tpu.memory_space<hbm>> -> memref<10240x64xf32, #tpu.memory_space<hbm>>
    %dma_start3A_100 = arith.constant 0 : i32
    %dma_start3A_101 = arith.constant 0 : i32
    %dma_start3A_102 = tpu.memref_slice %dma_start3A_99[%dma_start3A_100, %dma_start3A_101] : memref<10240x64xf32, #tpu.memory_space<hbm>> -> memref<10240x64xf32, #tpu.memory_space<hbm>>
    tpu.enqueue_indirect_dma source(%dma_start3A_102 : memref<10240x64xf32, #tpu.memory_space<hbm>>) target(%arg15 : memref<80x64xf32, #tpu.memory_space<vmem>>) offsets(%dma_start3A_95 : memref<80xi32, #tpu.memory_space<vmem>>) semaphore(%arg24 : memref<!tpu.dma_semaphore, #tpu.memory_space<semaphore_mem>>)
    %scan3A_103 = arith.constant 0 : i32
    %scan3A_104 = arith.constant 0 : i32
    %scan3A_105 = arith.constant 31 : i32
    %scan3A_106 = arith.addi %scan3A_104, %scan3A_105 : i32
    %scan3A_107 = arith.constant 1 : i32
    %scan3A_108 = scf.for %scan3A_314 = %scan3A_104 to %scan3A_106 step %scan3A_107 iter_args(%scan3A_315 = %scan3A_103) -> (i32)  : i32 {
      %mul3A_316 = arith.constant 8 : i32
      %mul3A_317 = arith.muli %scan3A_314, %mul3A_316 : i32
      %add3A = arith.constant 0 : i32
      %add3A_318 = arith.addi %mul3A_317, %add3A : i32
      %dma_wait3A_319 = arith.constant 0 : i32
      %dma_wait3A_320 = tpu.memref_slice %arg6[%add3A_318, %dma_wait3A_319] : memref<256x80xi32, #tpu.memory_space<vmem>> -> memref<1x80xi32, #tpu.memory_space<vmem>>
      %dma_wait3A_321 = tpu.memref_squeeze %dma_wait3A_320 : memref<1x80xi32, #tpu.memory_space<vmem>> -> memref<80xi32, #tpu.memory_space<vmem>>
      %dma_wait3A_322 = arith.constant 0 : i32
      %dma_wait3A_323 = arith.constant 0 : i32
      %dma_wait3A_324 = tpu.memref_slice %arg4[%arg0, %dma_wait3A_322, %dma_wait3A_323] : memref<2x10240x64xf32, #tpu.memory_space<hbm>> -> memref<1x10240x64xf32, #tpu.memory_space<hbm>>
      %dma_wait3A_325 = tpu.memref_squeeze %dma_wait3A_324 : memref<1x10240x64xf32, #tpu.memory_space<hbm>> -> memref<10240x64xf32, #tpu.memory_space<hbm>>
      %dma_wait3A_326 = arith.constant 0 : i32
      %dma_wait3A_327 = arith.constant 0 : i32
      %dma_wait3A_328 = tpu.memref_slice %dma_wait3A_325[%dma_wait3A_326, %dma_wait3A_327] : memref<10240x64xf32, #tpu.memory_space<hbm>> -> memref<10240x64xf32, #tpu.memory_space<hbm>>
      tpu.wait_indirect_dma semaphore(%arg17 : memref<!tpu.dma_semaphore, #tpu.memory_space<semaphore_mem>>) src(%dma_wait3A_328 : memref<10240x64xf32, #tpu.memory_space<hbm>>) dst(%arg8 : memref<80x64xf32, #tpu.memory_space<vmem>>)
      %add3A_329 = arith.constant 0 : i32
      %add3A_330 = arith.addi %mul3A_317, %add3A_329 : i32
      %dma_start3A_331 = arith.constant 0 : i32
      %dma_start3A_332 = tpu.memref_slice %arg7[%add3A_330, %dma_start3A_331] : memref<256x80xi32, #tpu.memory_space<vmem>> -> memref<1x80xi32, #tpu.memory_space<vmem>>
      %dma_start3A_333 = tpu.memref_squeeze %dma_start3A_332 : memref<1x80xi32, #tpu.memory_space<vmem>> -> memref<80xi32, #tpu.memory_space<vmem>>
      %dma_start3A_334 = arith.constant 0 : i32
      %dma_start3A_335 = arith.constant 0 : i32
      %dma_start3A_336 = tpu.memref_slice %arg16[%dma_start3A_334, %dma_start3A_335] : memref<10240x64xf32, #tpu.memory_space<vmem_shared>> -> memref<10240x64xf32, #tpu.memory_space<vmem_shared>>
      tpu.enqueue_indirect_dma source(%arg8 : memref<80x64xf32, #tpu.memory_space<vmem>>) target(%dma_start3A_336 : memref<10240x64xf32, #tpu.memory_space<vmem_shared>>) offsets(%dma_start3A_333 : memref<80xi32, #tpu.memory_space<vmem>>) semaphore(%arg25 : memref<!tpu.dma_semaphore, #tpu.memory_space<semaphore_mem>>) {add = true}
      %add3A_337 = arith.constant 1 : i32
      %add3A_338 = arith.addi %mul3A_317, %add3A_337 : i32
      %dma_wait3A_339 = arith.constant 0 : i32
      %dma_wait3A_340 = tpu.memref_slice %arg6[%add3A_338, %dma_wait3A_339] : memref<256x80xi32, #tpu.memory_space<vmem>> -> memref<1x80xi32, #tpu.memory_space<vmem>>
      %dma_wait3A_341 = tpu.memref_squeeze %dma_wait3A_340 : memref<1x80xi32, #tpu.memory_space<vmem>> -> memref<80xi32, #tpu.memory_space<vmem>>
      %dma_wait3A_342 = arith.constant 0 : i32
      %dma_wait3A_343 = arith.constant 0 : i32
      %dma_wait3A_344 = tpu.memref_slice %arg4[%arg0, %dma_wait3A_342, %dma_wait3A_343] : memref<2x10240x64xf32, #tpu.memory_space<hbm>> -> memref<1x10240x64xf32, #tpu.memory_space<hbm>>
      %dma_wait3A_345 = tpu.memref_squeeze %dma_wait3A_344 : memref<1x10240x64xf32, #tpu.memory_space<hbm>> -> memref<10240x64xf32, #tpu.memory_space<hbm>>
      %dma_wait3A_346 = arith.constant 0 : i32
      %dma_wait3A_347 = arith.constant 0 : i32
      %dma_wait3A_348 = tpu.memref_slice %dma_wait3A_345[%dma_wait3A_346, %dma_wait3A_347] : memref<10240x64xf32, #tpu.memory_space<hbm>> -> memref<10240x64xf32, #tpu.memory_space<hbm>>
      tpu.wait_indirect_dma semaphore(%arg18 : memref<!tpu.dma_semaphore, #tpu.memory_space<semaphore_mem>>) src(%dma_wait3A_348 : memref<10240x64xf32, #tpu.memory_space<hbm>>) dst(%arg9 : memref<80x64xf32, #tpu.memory_space<vmem>>)
      %add3A_349 = arith.constant 1 : i32
      %add3A_350 = arith.addi %mul3A_317, %add3A_349 : i32
      %dma_start3A_351 = arith.constant 0 : i32
      %dma_start3A_352 = tpu.memref_slice %arg7[%add3A_350, %dma_start3A_351] : memref<256x80xi32, #tpu.memory_space<vmem>> -> memref<1x80xi32, #tpu.memory_space<vmem>>
      %dma_start3A_353 = tpu.memref_squeeze %dma_start3A_352 : memref<1x80xi32, #tpu.memory_space<vmem>> -> memref<80xi32, #tpu.memory_space<vmem>>
      %dma_start3A_354 = arith.constant 0 : i32
      %dma_start3A_355 = arith.constant 0 : i32
      %dma_start3A_356 = tpu.memref_slice %arg16[%dma_start3A_354, %dma_start3A_355] : memref<10240x64xf32, #tpu.memory_space<vmem_shared>> -> memref<10240x64xf32, #tpu.memory_space<vmem_shared>>
      tpu.enqueue_indirect_dma source(%arg9 : memref<80x64xf32, #tpu.memory_space<vmem>>) target(%dma_start3A_356 : memref<10240x64xf32, #tpu.memory_space<vmem_shared>>) offsets(%dma_start3A_353 : memref<80xi32, #tpu.memory_space<vmem>>) semaphore(%arg26 : memref<!tpu.dma_semaphore, #tpu.memory_space<semaphore_mem>>) {add = true}
      %add3A_357 = arith.constant 2 : i32
      %add3A_358 = arith.addi %mul3A_317, %add3A_357 : i32
      %dma_wait3A_359 = arith.constant 0 : i32
      %dma_wait3A_360 = tpu.memref_slice %arg6[%add3A_358, %dma_wait3A_359] : memref<256x80xi32, #tpu.memory_space<vmem>> -> memref<1x80xi32, #tpu.memory_space<vmem>>
      %dma_wait3A_361 = tpu.memref_squeeze %dma_wait3A_360 : memref<1x80xi32, #tpu.memory_space<vmem>> -> memref<80xi32, #tpu.memory_space<vmem>>
      %dma_wait3A_362 = arith.constant 0 : i32
      %dma_wait3A_363 = arith.constant 0 : i32
      %dma_wait3A_364 = tpu.memref_slice %arg4[%arg0, %dma_wait3A_362, %dma_wait3A_363] : memref<2x10240x64xf32, #tpu.memory_space<hbm>> -> memref<1x10240x64xf32, #tpu.memory_space<hbm>>
      %dma_wait3A_365 = tpu.memref_squeeze %dma_wait3A_364 : memref<1x10240x64xf32, #tpu.memory_space<hbm>> -> memref<10240x64xf32, #tpu.memory_space<hbm>>
      %dma_wait3A_366 = arith.constant 0 : i32
      %dma_wait3A_367 = arith.constant 0 : i32
      %dma_wait3A_368 = tpu.memref_slice %dma_wait3A_365[%dma_wait3A_366, %dma_wait3A_367] : memref<10240x64xf32, #tpu.memory_space<hbm>> -> memref<10240x64xf32, #tpu.memory_space<hbm>>
      tpu.wait_indirect_dma semaphore(%arg19 : memref<!tpu.dma_semaphore, #tpu.memory_space<semaphore_mem>>) src(%dma_wait3A_368 : memref<10240x64xf32, #tpu.memory_space<hbm>>) dst(%arg10 : memref<80x64xf32, #tpu.memory_space<vmem>>)
      %add3A_369 = arith.constant 2 : i32
      %add3A_370 = arith.addi %mul3A_317, %add3A_369 : i32
      %dma_start3A_371 = arith.constant 0 : i32
      %dma_start3A_372 = tpu.memref_slice %arg7[%add3A_370, %dma_start3A_371] : memref<256x80xi32, #tpu.memory_space<vmem>> -> memref<1x80xi32, #tpu.memory_space<vmem>>
      %dma_start3A_373 = tpu.memref_squeeze %dma_start3A_372 : memref<1x80xi32, #tpu.memory_space<vmem>> -> memref<80xi32, #tpu.memory_space<vmem>>
      %dma_start3A_374 = arith.constant 0 : i32
      %dma_start3A_375 = arith.constant 0 : i32
      %dma_start3A_376 = tpu.memref_slice %arg16[%dma_start3A_374, %dma_start3A_375] : memref<10240x64xf32, #tpu.memory_space<vmem_shared>> -> memref<10240x64xf32, #tpu.memory_space<vmem_shared>>
      tpu.enqueue_indirect_dma source(%arg10 : memref<80x64xf32, #tpu.memory_space<vmem>>) target(%dma_start3A_376 : memref<10240x64xf32, #tpu.memory_space<vmem_shared>>) offsets(%dma_start3A_373 : memref<80xi32, #tpu.memory_space<vmem>>) semaphore(%arg27 : memref<!tpu.dma_semaphore, #tpu.memory_space<semaphore_mem>>) {add = true}
      %add3A_377 = arith.constant 3 : i32
      %add3A_378 = arith.addi %mul3A_317, %add3A_377 : i32
      %dma_wait3A_379 = arith.constant 0 : i32
      %dma_wait3A_380 = tpu.memref_slice %arg6[%add3A_378, %dma_wait3A_379] : memref<256x80xi32, #tpu.memory_space<vmem>> -> memref<1x80xi32, #tpu.memory_space<vmem>>
      %dma_wait3A_381 = tpu.memref_squeeze %dma_wait3A_380 : memref<1x80xi32, #tpu.memory_space<vmem>> -> memref<80xi32, #tpu.memory_space<vmem>>
      %dma_wait3A_382 = arith.constant 0 : i32
      %dma_wait3A_383 = arith.constant 0 : i32
      %dma_wait3A_384 = tpu.memref_slice %arg4[%arg0, %dma_wait3A_382, %dma_wait3A_383] : memref<2x10240x64xf32, #tpu.memory_space<hbm>> -> memref<1x10240x64xf32, #tpu.memory_space<hbm>>
      %dma_wait3A_385 = tpu.memref_squeeze %dma_wait3A_384 : memref<1x10240x64xf32, #tpu.memory_space<hbm>> -> memref<10240x64xf32, #tpu.memory_space<hbm>>
      %dma_wait3A_386 = arith.constant 0 : i32
      %dma_wait3A_387 = arith.constant 0 : i32
      %dma_wait3A_388 = tpu.memref_slice %dma_wait3A_385[%dma_wait3A_386, %dma_wait3A_387] : memref<10240x64xf32, #tpu.memory_space<hbm>> -> memref<10240x64xf32, #tpu.memory_space<hbm>>
      tpu.wait_indirect_dma semaphore(%arg20 : memref<!tpu.dma_semaphore, #tpu.memory_space<semaphore_mem>>) src(%dma_wait3A_388 : memref<10240x64xf32, #tpu.memory_space<hbm>>) dst(%arg11 : memref<80x64xf32, #tpu.memory_space<vmem>>)
      %add3A_389 = arith.constant 3 : i32
      %add3A_390 = arith.addi %mul3A_317, %add3A_389 : i32
      %dma_start3A_391 = arith.constant 0 : i32
      %dma_start3A_392 = tpu.memref_slice %arg7[%add3A_390, %dma_start3A_391] : memref<256x80xi32, #tpu.memory_space<vmem>> -> memref<1x80xi32, #tpu.memory_space<vmem>>
      %dma_start3A_393 = tpu.memref_squeeze %dma_start3A_392 : memref<1x80xi32, #tpu.memory_space<vmem>> -> memref<80xi32, #tpu.memory_space<vmem>>
      %dma_start3A_394 = arith.constant 0 : i32
      %dma_start3A_395 = arith.constant 0 : i32
      %dma_start3A_396 = tpu.memref_slice %arg16[%dma_start3A_394, %dma_start3A_395] : memref<10240x64xf32, #tpu.memory_space<vmem_shared>> -> memref<10240x64xf32, #tpu.memory_space<vmem_shared>>
      tpu.enqueue_indirect_dma source(%arg11 : memref<80x64xf32, #tpu.memory_space<vmem>>) target(%dma_start3A_396 : memref<10240x64xf32, #tpu.memory_space<vmem_shared>>) offsets(%dma_start3A_393 : memref<80xi32, #tpu.memory_space<vmem>>) semaphore(%arg28 : memref<!tpu.dma_semaphore, #tpu.memory_space<semaphore_mem>>) {add = true}
      %add3A_397 = arith.constant 4 : i32
      %add3A_398 = arith.addi %mul3A_317, %add3A_397 : i32
      %dma_wait3A_399 = arith.constant 0 : i32
      %dma_wait3A_400 = tpu.memref_slice %arg6[%add3A_398, %dma_wait3A_399] : memref<256x80xi32, #tpu.memory_space<vmem>> -> memref<1x80xi32, #tpu.memory_space<vmem>>
      %dma_wait3A_401 = tpu.memref_squeeze %dma_wait3A_400 : memref<1x80xi32, #tpu.memory_space<vmem>> -> memref<80xi32, #tpu.memory_space<vmem>>
      %dma_wait3A_402 = arith.constant 0 : i32
      %dma_wait3A_403 = arith.constant 0 : i32
      %dma_wait3A_404 = tpu.memref_slice %arg4[%arg0, %dma_wait3A_402, %dma_wait3A_403] : memref<2x10240x64xf32, #tpu.memory_space<hbm>> -> memref<1x10240x64xf32, #tpu.memory_space<hbm>>
      %dma_wait3A_405 = tpu.memref_squeeze %dma_wait3A_404 : memref<1x10240x64xf32, #tpu.memory_space<hbm>> -> memref<10240x64xf32, #tpu.memory_space<hbm>>
      %dma_wait3A_406 = arith.constant 0 : i32
      %dma_wait3A_407 = arith.constant 0 : i32
      %dma_wait3A_408 = tpu.memref_slice %dma_wait3A_405[%dma_wait3A_406, %dma_wait3A_407] : memref<10240x64xf32, #tpu.memory_space<hbm>> -> memref<10240x64xf32, #tpu.memory_space<hbm>>
      tpu.wait_indirect_dma semaphore(%arg21 : memref<!tpu.dma_semaphore, #tpu.memory_space<semaphore_mem>>) src(%dma_wait3A_408 : memref<10240x64xf32, #tpu.memory_space<hbm>>) dst(%arg12 : memref<80x64xf32, #tpu.memory_space<vmem>>)
      %add3A_409 = arith.constant 4 : i32
      %add3A_410 = arith.addi %mul3A_317, %add3A_409 : i32
      %dma_start3A_411 = arith.constant 0 : i32
      %dma_start3A_412 = tpu.memref_slice %arg7[%add3A_410, %dma_start3A_411] : memref<256x80xi32, #tpu.memory_space<vmem>> -> memref<1x80xi32, #tpu.memory_space<vmem>>
      %dma_start3A_413 = tpu.memref_squeeze %dma_start3A_412 : memref<1x80xi32, #tpu.memory_space<vmem>> -> memref<80xi32, #tpu.memory_space<vmem>>
      %dma_start3A_414 = arith.constant 0 : i32
      %dma_start3A_415 = arith.constant 0 : i32
      %dma_start3A_416 = tpu.memref_slice %arg16[%dma_start3A_414, %dma_start3A_415] : memref<10240x64xf32, #tpu.memory_space<vmem_shared>> -> memref<10240x64xf32, #tpu.memory_space<vmem_shared>>
      tpu.enqueue_indirect_dma source(%arg12 : memref<80x64xf32, #tpu.memory_space<vmem>>) target(%dma_start3A_416 : memref<10240x64xf32, #tpu.memory_space<vmem_shared>>) offsets(%dma_start3A_413 : memref<80xi32, #tpu.memory_space<vmem>>) semaphore(%arg29 : memref<!tpu.dma_semaphore, #tpu.memory_space<semaphore_mem>>) {add = true}
      %add3A_417 = arith.constant 5 : i32
      %add3A_418 = arith.addi %mul3A_317, %add3A_417 : i32
      %dma_wait3A_419 = arith.constant 0 : i32
      %dma_wait3A_420 = tpu.memref_slice %arg6[%add3A_418, %dma_wait3A_419] : memref<256x80xi32, #tpu.memory_space<vmem>> -> memref<1x80xi32, #tpu.memory_space<vmem>>
      %dma_wait3A_421 = tpu.memref_squeeze %dma_wait3A_420 : memref<1x80xi32, #tpu.memory_space<vmem>> -> memref<80xi32, #tpu.memory_space<vmem>>
      %dma_wait3A_422 = arith.constant 0 : i32
      %dma_wait3A_423 = arith.constant 0 : i32
      %dma_wait3A_424 = tpu.memref_slice %arg4[%arg0, %dma_wait3A_422, %dma_wait3A_423] : memref<2x10240x64xf32, #tpu.memory_space<hbm>> -> memref<1x10240x64xf32, #tpu.memory_space<hbm>>
      %dma_wait3A_425 = tpu.memref_squeeze %dma_wait3A_424 : memref<1x10240x64xf32, #tpu.memory_space<hbm>> -> memref<10240x64xf32, #tpu.memory_space<hbm>>
      %dma_wait3A_426 = arith.constant 0 : i32
      %dma_wait3A_427 = arith.constant 0 : i32
      %dma_wait3A_428 = tpu.memref_slice %dma_wait3A_425[%dma_wait3A_426, %dma_wait3A_427] : memref<10240x64xf32, #tpu.memory_space<hbm>> -> memref<10240x64xf32, #tpu.memory_space<hbm>>
      tpu.wait_indirect_dma semaphore(%arg22 : memref<!tpu.dma_semaphore, #tpu.memory_space<semaphore_mem>>) src(%dma_wait3A_428 : memref<10240x64xf32, #tpu.memory_space<hbm>>) dst(%arg13 : memref<80x64xf32, #tpu.memory_space<vmem>>)
      %add3A_429 = arith.constant 5 : i32
      %add3A_430 = arith.addi %mul3A_317, %add3A_429 : i32
      %dma_start3A_431 = arith.constant 0 : i32
      %dma_start3A_432 = tpu.memref_slice %arg7[%add3A_430, %dma_start3A_431] : memref<256x80xi32, #tpu.memory_space<vmem>> -> memref<1x80xi32, #tpu.memory_space<vmem>>
      %dma_start3A_433 = tpu.memref_squeeze %dma_start3A_432 : memref<1x80xi32, #tpu.memory_space<vmem>> -> memref<80xi32, #tpu.memory_space<vmem>>
      %dma_start3A_434 = arith.constant 0 : i32
      %dma_start3A_435 = arith.constant 0 : i32
      %dma_start3A_436 = tpu.memref_slice %arg16[%dma_start3A_434, %dma_start3A_435] : memref<10240x64xf32, #tpu.memory_space<vmem_shared>> -> memref<10240x64xf32, #tpu.memory_space<vmem_shared>>
      tpu.enqueue_indirect_dma source(%arg13 : memref<80x64xf32, #tpu.memory_space<vmem>>) target(%dma_start3A_436 : memref<10240x64xf32, #tpu.memory_space<vmem_shared>>) offsets(%dma_start3A_433 : memref<80xi32, #tpu.memory_space<vmem>>) semaphore(%arg30 : memref<!tpu.dma_semaphore, #tpu.memory_space<semaphore_mem>>) {add = true}
      %add3A_437 = arith.constant 6 : i32
      %add3A_438 = arith.addi %mul3A_317, %add3A_437 : i32
      %dma_wait3A_439 = arith.constant 0 : i32
      %dma_wait3A_440 = tpu.memref_slice %arg6[%add3A_438, %dma_wait3A_439] : memref<256x80xi32, #tpu.memory_space<vmem>> -> memref<1x80xi32, #tpu.memory_space<vmem>>
      %dma_wait3A_441 = tpu.memref_squeeze %dma_wait3A_440 : memref<1x80xi32, #tpu.memory_space<vmem>> -> memref<80xi32, #tpu.memory_space<vmem>>
      %dma_wait3A_442 = arith.constant 0 : i32
      %dma_wait3A_443 = arith.constant 0 : i32
      %dma_wait3A_444 = tpu.memref_slice %arg4[%arg0, %dma_wait3A_442, %dma_wait3A_443] : memref<2x10240x64xf32, #tpu.memory_space<hbm>> -> memref<1x10240x64xf32, #tpu.memory_space<hbm>>
      %dma_wait3A_445 = tpu.memref_squeeze %dma_wait3A_444 : memref<1x10240x64xf32, #tpu.memory_space<hbm>> -> memref<10240x64xf32, #tpu.memory_space<hbm>>
      %dma_wait3A_446 = arith.constant 0 : i32
      %dma_wait3A_447 = arith.constant 0 : i32
      %dma_wait3A_448 = tpu.memref_slice %dma_wait3A_445[%dma_wait3A_446, %dma_wait3A_447] : memref<10240x64xf32, #tpu.memory_space<hbm>> -> memref<10240x64xf32, #tpu.memory_space<hbm>>
      tpu.wait_indirect_dma semaphore(%arg23 : memref<!tpu.dma_semaphore, #tpu.memory_space<semaphore_mem>>) src(%dma_wait3A_448 : memref<10240x64xf32, #tpu.memory_space<hbm>>) dst(%arg14 : memref<80x64xf32, #tpu.memory_space<vmem>>)
      %add3A_449 = arith.constant 6 : i32
      %add3A_450 = arith.addi %mul3A_317, %add3A_449 : i32
      %dma_start3A_451 = arith.constant 0 : i32
      %dma_start3A_452 = tpu.memref_slice %arg7[%add3A_450, %dma_start3A_451] : memref<256x80xi32, #tpu.memory_space<vmem>> -> memref<1x80xi32, #tpu.memory_space<vmem>>
      %dma_start3A_453 = tpu.memref_squeeze %dma_start3A_452 : memref<1x80xi32, #tpu.memory_space<vmem>> -> memref<80xi32, #tpu.memory_space<vmem>>
      %dma_start3A_454 = arith.constant 0 : i32
      %dma_start3A_455 = arith.constant 0 : i32
      %dma_start3A_456 = tpu.memref_slice %arg16[%dma_start3A_454, %dma_start3A_455] : memref<10240x64xf32, #tpu.memory_space<vmem_shared>> -> memref<10240x64xf32, #tpu.memory_space<vmem_shared>>
      tpu.enqueue_indirect_dma source(%arg14 : memref<80x64xf32, #tpu.memory_space<vmem>>) target(%dma_start3A_456 : memref<10240x64xf32, #tpu.memory_space<vmem_shared>>) offsets(%dma_start3A_453 : memref<80xi32, #tpu.memory_space<vmem>>) semaphore(%arg31 : memref<!tpu.dma_semaphore, #tpu.memory_space<semaphore_mem>>) {add = true}
      %add3A_457 = arith.constant 7 : i32
      %add3A_458 = arith.addi %mul3A_317, %add3A_457 : i32
      %dma_wait3A_459 = arith.constant 0 : i32
      %dma_wait3A_460 = tpu.memref_slice %arg6[%add3A_458, %dma_wait3A_459] : memref<256x80xi32, #tpu.memory_space<vmem>> -> memref<1x80xi32, #tpu.memory_space<vmem>>
      %dma_wait3A_461 = tpu.memref_squeeze %dma_wait3A_460 : memref<1x80xi32, #tpu.memory_space<vmem>> -> memref<80xi32, #tpu.memory_space<vmem>>
      %dma_wait3A_462 = arith.constant 0 : i32
      %dma_wait3A_463 = arith.constant 0 : i32
      %dma_wait3A_464 = tpu.memref_slice %arg4[%arg0, %dma_wait3A_462, %dma_wait3A_463] : memref<2x10240x64xf32, #tpu.memory_space<hbm>> -> memref<1x10240x64xf32, #tpu.memory_space<hbm>>
      %dma_wait3A_465 = tpu.memref_squeeze %dma_wait3A_464 : memref<1x10240x64xf32, #tpu.memory_space<hbm>> -> memref<10240x64xf32, #tpu.memory_space<hbm>>
      %dma_wait3A_466 = arith.constant 0 : i32
      %dma_wait3A_467 = arith.constant 0 : i32
      %dma_wait3A_468 = tpu.memref_slice %dma_wait3A_465[%dma_wait3A_466, %dma_wait3A_467] : memref<10240x64xf32, #tpu.memory_space<hbm>> -> memref<10240x64xf32, #tpu.memory_space<hbm>>
      tpu.wait_indirect_dma semaphore(%arg24 : memref<!tpu.dma_semaphore, #tpu.memory_space<semaphore_mem>>) src(%dma_wait3A_468 : memref<10240x64xf32, #tpu.memory_space<hbm>>) dst(%arg15 : memref<80x64xf32, #tpu.memory_space<vmem>>)
      %add3A_469 = arith.constant 7 : i32
      %add3A_470 = arith.addi %mul3A_317, %add3A_469 : i32
      %dma_start3A_471 = arith.constant 0 : i32
      %dma_start3A_472 = tpu.memref_slice %arg7[%add3A_470, %dma_start3A_471] : memref<256x80xi32, #tpu.memory_space<vmem>> -> memref<1x80xi32, #tpu.memory_space<vmem>>
      %dma_start3A_473 = tpu.memref_squeeze %dma_start3A_472 : memref<1x80xi32, #tpu.memory_space<vmem>> -> memref<80xi32, #tpu.memory_space<vmem>>
      %dma_start3A_474 = arith.constant 0 : i32
      %dma_start3A_475 = arith.constant 0 : i32
      %dma_start3A_476 = tpu.memref_slice %arg16[%dma_start3A_474, %dma_start3A_475] : memref<10240x64xf32, #tpu.memory_space<vmem_shared>> -> memref<10240x64xf32, #tpu.memory_space<vmem_shared>>
      tpu.enqueue_indirect_dma source(%arg15 : memref<80x64xf32, #tpu.memory_space<vmem>>) target(%dma_start3A_476 : memref<10240x64xf32, #tpu.memory_space<vmem_shared>>) offsets(%dma_start3A_473 : memref<80xi32, #tpu.memory_space<vmem>>) semaphore(%arg32 : memref<!tpu.dma_semaphore, #tpu.memory_space<semaphore_mem>>) {add = true}
      %dma_wait3A_477 = arith.constant 0 : i32
      %dma_wait3A_478 = tpu.memref_slice %arg7[%add3A_330, %dma_wait3A_477] : memref<256x80xi32, #tpu.memory_space<vmem>> -> memref<1x80xi32, #tpu.memory_space<vmem>>
      %dma_wait3A_479 = tpu.memref_squeeze %dma_wait3A_478 : memref<1x80xi32, #tpu.memory_space<vmem>> -> memref<80xi32, #tpu.memory_space<vmem>>
      %dma_wait3A_480 = arith.constant 0 : i32
      %dma_wait3A_481 = arith.constant 0 : i32
      %dma_wait3A_482 = tpu.memref_slice %arg16[%dma_wait3A_480, %dma_wait3A_481] : memref<10240x64xf32, #tpu.memory_space<vmem_shared>> -> memref<10240x64xf32, #tpu.memory_space<vmem_shared>>
      tpu.wait_indirect_dma semaphore(%arg25 : memref<!tpu.dma_semaphore, #tpu.memory_space<semaphore_mem>>) src(%arg8 : memref<80x64xf32, #tpu.memory_space<vmem>>) dst(%dma_wait3A_482 : memref<10240x64xf32, #tpu.memory_space<vmem_shared>>)
      %add3A_483 = arith.constant 8 : i32
      %add3A_484 = arith.addi %mul3A_317, %add3A_483 : i32
      %add3A_485 = arith.constant 0 : i32
      %add3A_486 = arith.addi %add3A_484, %add3A_485 : i32
      %dma_start3A_487 = arith.constant 0 : i32
      %dma_start3A_488 = tpu.memref_slice %arg6[%add3A_486, %dma_start3A_487] : memref<256x80xi32, #tpu.memory_space<vmem>> -> memref<1x80xi32, #tpu.memory_space<vmem>>
      %dma_start3A_489 = tpu.memref_squeeze %dma_start3A_488 : memref<1x80xi32, #tpu.memory_space<vmem>> -> memref<80xi32, #tpu.memory_space<vmem>>
      %dma_start3A_490 = arith.constant 0 : i32
      %dma_start3A_491 = arith.constant 0 : i32
      %dma_start3A_492 = tpu.memref_slice %arg4[%arg0, %dma_start3A_490, %dma_start3A_491] : memref<2x10240x64xf32, #tpu.memory_space<hbm>> -> memref<1x10240x64xf32, #tpu.memory_space<hbm>>
      %dma_start3A_493 = tpu.memref_squeeze %dma_start3A_492 : memref<1x10240x64xf32, #tpu.memory_space<hbm>> -> memref<10240x64xf32, #tpu.memory_space<hbm>>
      %dma_start3A_494 = arith.constant 0 : i32
      %dma_start3A_495 = arith.constant 0 : i32
      %dma_start3A_496 = tpu.memref_slice %dma_start3A_493[%dma_start3A_494, %dma_start3A_495] : memref<10240x64xf32, #tpu.memory_space<hbm>> -> memref<10240x64xf32, #tpu.memory_space<hbm>>
      tpu.enqueue_indirect_dma source(%dma_start3A_496 : memref<10240x64xf32, #tpu.memory_space<hbm>>) target(%arg8 : memref<80x64xf32, #tpu.memory_space<vmem>>) offsets(%dma_start3A_489 : memref<80xi32, #tpu.memory_space<vmem>>) semaphore(%arg17 : memref<!tpu.dma_semaphore, #tpu.memory_space<semaphore_mem>>)
      %dma_wait3A_497 = arith.constant 0 : i32
      %dma_wait3A_498 = tpu.memref_slice %arg7[%add3A_350, %dma_wait3A_497] : memref<256x80xi32, #tpu.memory_space<vmem>> -> memref<1x80xi32, #tpu.memory_space<vmem>>
      %dma_wait3A_499 = tpu.memref_squeeze %dma_wait3A_498 : memref<1x80xi32, #tpu.memory_space<vmem>> -> memref<80xi32, #tpu.memory_space<vmem>>
      %dma_wait3A_500 = arith.constant 0 : i32
      %dma_wait3A_501 = arith.constant 0 : i32
      %dma_wait3A_502 = tpu.memref_slice %arg16[%dma_wait3A_500, %dma_wait3A_501] : memref<10240x64xf32, #tpu.memory_space<vmem_shared>> -> memref<10240x64xf32, #tpu.memory_space<vmem_shared>>
      tpu.wait_indirect_dma semaphore(%arg26 : memref<!tpu.dma_semaphore, #tpu.memory_space<semaphore_mem>>) src(%arg9 : memref<80x64xf32, #tpu.memory_space<vmem>>) dst(%dma_wait3A_502 : memref<10240x64xf32, #tpu.memory_space<vmem_shared>>)
      %add3A_503 = arith.constant 8 : i32
      %add3A_504 = arith.addi %mul3A_317, %add3A_503 : i32
      %add3A_505 = arith.constant 1 : i32
      %add3A_506 = arith.addi %add3A_504, %add3A_505 : i32
      %dma_start3A_507 = arith.constant 0 : i32
      %dma_start3A_508 = tpu.memref_slice %arg6[%add3A_506, %dma_start3A_507] : memref<256x80xi32, #tpu.memory_space<vmem>> -> memref<1x80xi32, #tpu.memory_space<vmem>>
      %dma_start3A_509 = tpu.memref_squeeze %dma_start3A_508 : memref<1x80xi32, #tpu.memory_space<vmem>> -> memref<80xi32, #tpu.memory_space<vmem>>
      %dma_start3A_510 = arith.constant 0 : i32
      %dma_start3A_511 = arith.constant 0 : i32
      %dma_start3A_512 = tpu.memref_slice %arg4[%arg0, %dma_start3A_510, %dma_start3A_511] : memref<2x10240x64xf32, #tpu.memory_space<hbm>> -> memref<1x10240x64xf32, #tpu.memory_space<hbm>>
      %dma_start3A_513 = tpu.memref_squeeze %dma_start3A_512 : memref<1x10240x64xf32, #tpu.memory_space<hbm>> -> memref<10240x64xf32, #tpu.memory_space<hbm>>
      %dma_start3A_514 = arith.constant 0 : i32
      %dma_start3A_515 = arith.constant 0 : i32
      %dma_start3A_516 = tpu.memref_slice %dma_start3A_513[%dma_start3A_514, %dma_start3A_515] : memref<10240x64xf32, #tpu.memory_space<hbm>> -> memref<10240x64xf32, #tpu.memory_space<hbm>>
      tpu.enqueue_indirect_dma source(%dma_start3A_516 : memref<10240x64xf32, #tpu.memory_space<hbm>>) target(%arg9 : memref<80x64xf32, #tpu.memory_space<vmem>>) offsets(%dma_start3A_509 : memref<80xi32, #tpu.memory_space<vmem>>) semaphore(%arg18 : memref<!tpu.dma_semaphore, #tpu.memory_space<semaphore_mem>>)
      %dma_wait3A_517 = arith.constant 0 : i32
      %dma_wait3A_518 = tpu.memref_slice %arg7[%add3A_370, %dma_wait3A_517] : memref<256x80xi32, #tpu.memory_space<vmem>> -> memref<1x80xi32, #tpu.memory_space<vmem>>
      %dma_wait3A_519 = tpu.memref_squeeze %dma_wait3A_518 : memref<1x80xi32, #tpu.memory_space<vmem>> -> memref<80xi32, #tpu.memory_space<vmem>>
      %dma_wait3A_520 = arith.constant 0 : i32
      %dma_wait3A_521 = arith.constant 0 : i32
      %dma_wait3A_522 = tpu.memref_slice %arg16[%dma_wait3A_520, %dma_wait3A_521] : memref<10240x64xf32, #tpu.memory_space<vmem_shared>> -> memref<10240x64xf32, #tpu.memory_space<vmem_shared>>
      tpu.wait_indirect_dma semaphore(%arg27 : memref<!tpu.dma_semaphore, #tpu.memory_space<semaphore_mem>>) src(%arg10 : memref<80x64xf32, #tpu.memory_space<vmem>>) dst(%dma_wait3A_522 : memref<10240x64xf32, #tpu.memory_space<vmem_shared>>)
      %add3A_523 = arith.constant 8 : i32
      %add3A_524 = arith.addi %mul3A_317, %add3A_523 : i32
      %add3A_525 = arith.constant 2 : i32
      %add3A_526 = arith.addi %add3A_524, %add3A_525 : i32
      %dma_start3A_527 = arith.constant 0 : i32
      %dma_start3A_528 = tpu.memref_slice %arg6[%add3A_526, %dma_start3A_527] : memref<256x80xi32, #tpu.memory_space<vmem>> -> memref<1x80xi32, #tpu.memory_space<vmem>>
      %dma_start3A_529 = tpu.memref_squeeze %dma_start3A_528 : memref<1x80xi32, #tpu.memory_space<vmem>> -> memref<80xi32, #tpu.memory_space<vmem>>
      %dma_start3A_530 = arith.constant 0 : i32
      %dma_start3A_531 = arith.constant 0 : i32
      %dma_start3A_532 = tpu.memref_slice %arg4[%arg0, %dma_start3A_530, %dma_start3A_531] : memref<2x10240x64xf32, #tpu.memory_space<hbm>> -> memref<1x10240x64xf32, #tpu.memory_space<hbm>>
      %dma_start3A_533 = tpu.memref_squeeze %dma_start3A_532 : memref<1x10240x64xf32, #tpu.memory_space<hbm>> -> memref<10240x64xf32, #tpu.memory_space<hbm>>
      %dma_start3A_534 = arith.constant 0 : i32
      %dma_start3A_535 = arith.constant 0 : i32
      %dma_start3A_536 = tpu.memref_slice %dma_start3A_533[%dma_start3A_534, %dma_start3A_535] : memref<10240x64xf32, #tpu.memory_space<hbm>> -> memref<10240x64xf32, #tpu.memory_space<hbm>>
      tpu.enqueue_indirect_dma source(%dma_start3A_536 : memref<10240x64xf32, #tpu.memory_space<hbm>>) target(%arg10 : memref<80x64xf32, #tpu.memory_space<vmem>>) offsets(%dma_start3A_529 : memref<80xi32, #tpu.memory_space<vmem>>) semaphore(%arg19 : memref<!tpu.dma_semaphore, #tpu.memory_space<semaphore_mem>>)
      %dma_wait3A_537 = arith.constant 0 : i32
      %dma_wait3A_538 = tpu.memref_slice %arg7[%add3A_390, %dma_wait3A_537] : memref<256x80xi32, #tpu.memory_space<vmem>> -> memref<1x80xi32, #tpu.memory_space<vmem>>
      %dma_wait3A_539 = tpu.memref_squeeze %dma_wait3A_538 : memref<1x80xi32, #tpu.memory_space<vmem>> -> memref<80xi32, #tpu.memory_space<vmem>>
      %dma_wait3A_540 = arith.constant 0 : i32
      %dma_wait3A_541 = arith.constant 0 : i32
      %dma_wait3A_542 = tpu.memref_slice %arg16[%dma_wait3A_540, %dma_wait3A_541] : memref<10240x64xf32, #tpu.memory_space<vmem_shared>> -> memref<10240x64xf32, #tpu.memory_space<vmem_shared>>
      tpu.wait_indirect_dma semaphore(%arg28 : memref<!tpu.dma_semaphore, #tpu.memory_space<semaphore_mem>>) src(%arg11 : memref<80x64xf32, #tpu.memory_space<vmem>>) dst(%dma_wait3A_542 : memref<10240x64xf32, #tpu.memory_space<vmem_shared>>)
      %add3A_543 = arith.constant 8 : i32
      %add3A_544 = arith.addi %mul3A_317, %add3A_543 : i32
      %add3A_545 = arith.constant 3 : i32
      %add3A_546 = arith.addi %add3A_544, %add3A_545 : i32
      %dma_start3A_547 = arith.constant 0 : i32
      %dma_start3A_548 = tpu.memref_slice %arg6[%add3A_546, %dma_start3A_547] : memref<256x80xi32, #tpu.memory_space<vmem>> -> memref<1x80xi32, #tpu.memory_space<vmem>>
      %dma_start3A_549 = tpu.memref_squeeze %dma_start3A_548 : memref<1x80xi32, #tpu.memory_space<vmem>> -> memref<80xi32, #tpu.memory_space<vmem>>
      %dma_start3A_550 = arith.constant 0 : i32
      %dma_start3A_551 = arith.constant 0 : i32
      %dma_start3A_552 = tpu.memref_slice %arg4[%arg0, %dma_start3A_550, %dma_start3A_551] : memref<2x10240x64xf32, #tpu.memory_space<hbm>> -> memref<1x10240x64xf32, #tpu.memory_space<hbm>>
      %dma_start3A_553 = tpu.memref_squeeze %dma_start3A_552 : memref<1x10240x64xf32, #tpu.memory_space<hbm>> -> memref<10240x64xf32, #tpu.memory_space<hbm>>
      %dma_start3A_554 = arith.constant 0 : i32
      %dma_start3A_555 = arith.constant 0 : i32
      %dma_start3A_556 = tpu.memref_slice %dma_start3A_553[%dma_start3A_554, %dma_start3A_555] : memref<10240x64xf32, #tpu.memory_space<hbm>> -> memref<10240x64xf32, #tpu.memory_space<hbm>>
      tpu.enqueue_indirect_dma source(%dma_start3A_556 : memref<10240x64xf32, #tpu.memory_space<hbm>>) target(%arg11 : memref<80x64xf32, #tpu.memory_space<vmem>>) offsets(%dma_start3A_549 : memref<80xi32, #tpu.memory_space<vmem>>) semaphore(%arg20 : memref<!tpu.dma_semaphore, #tpu.memory_space<semaphore_mem>>)
      %dma_wait3A_557 = arith.constant 0 : i32
      %dma_wait3A_558 = tpu.memref_slice %arg7[%add3A_410, %dma_wait3A_557] : memref<256x80xi32, #tpu.memory_space<vmem>> -> memref<1x80xi32, #tpu.memory_space<vmem>>
      %dma_wait3A_559 = tpu.memref_squeeze %dma_wait3A_558 : memref<1x80xi32, #tpu.memory_space<vmem>> -> memref<80xi32, #tpu.memory_space<vmem>>
      %dma_wait3A_560 = arith.constant 0 : i32
      %dma_wait3A_561 = arith.constant 0 : i32
      %dma_wait3A_562 = tpu.memref_slice %arg16[%dma_wait3A_560, %dma_wait3A_561] : memref<10240x64xf32, #tpu.memory_space<vmem_shared>> -> memref<10240x64xf32, #tpu.memory_space<vmem_shared>>
      tpu.wait_indirect_dma semaphore(%arg29 : memref<!tpu.dma_semaphore, #tpu.memory_space<semaphore_mem>>) src(%arg12 : memref<80x64xf32, #tpu.memory_space<vmem>>) dst(%dma_wait3A_562 : memref<10240x64xf32, #tpu.memory_space<vmem_shared>>)
      %add3A_563 = arith.constant 8 : i32
      %add3A_564 = arith.addi %mul3A_317, %add3A_563 : i32
      %add3A_565 = arith.constant 4 : i32
      %add3A_566 = arith.addi %add3A_564, %add3A_565 : i32
      %dma_start3A_567 = arith.constant 0 : i32
      %dma_start3A_568 = tpu.memref_slice %arg6[%add3A_566, %dma_start3A_567] : memref<256x80xi32, #tpu.memory_space<vmem>> -> memref<1x80xi32, #tpu.memory_space<vmem>>
      %dma_start3A_569 = tpu.memref_squeeze %dma_start3A_568 : memref<1x80xi32, #tpu.memory_space<vmem>> -> memref<80xi32, #tpu.memory_space<vmem>>
      %dma_start3A_570 = arith.constant 0 : i32
      %dma_start3A_571 = arith.constant 0 : i32
      %dma_start3A_572 = tpu.memref_slice %arg4[%arg0, %dma_start3A_570, %dma_start3A_571] : memref<2x10240x64xf32, #tpu.memory_space<hbm>> -> memref<1x10240x64xf32, #tpu.memory_space<hbm>>
      %dma_start3A_573 = tpu.memref_squeeze %dma_start3A_572 : memref<1x10240x64xf32, #tpu.memory_space<hbm>> -> memref<10240x64xf32, #tpu.memory_space<hbm>>
      %dma_start3A_574 = arith.constant 0 : i32
      %dma_start3A_575 = arith.constant 0 : i32
      %dma_start3A_576 = tpu.memref_slice %dma_start3A_573[%dma_start3A_574, %dma_start3A_575] : memref<10240x64xf32, #tpu.memory_space<hbm>> -> memref<10240x64xf32, #tpu.memory_space<hbm>>
      tpu.enqueue_indirect_dma source(%dma_start3A_576 : memref<10240x64xf32, #tpu.memory_space<hbm>>) target(%arg12 : memref<80x64xf32, #tpu.memory_space<vmem>>) offsets(%dma_start3A_569 : memref<80xi32, #tpu.memory_space<vmem>>) semaphore(%arg21 : memref<!tpu.dma_semaphore, #tpu.memory_space<semaphore_mem>>)
      %dma_wait3A_577 = arith.constant 0 : i32
      %dma_wait3A_578 = tpu.memref_slice %arg7[%add3A_430, %dma_wait3A_577] : memref<256x80xi32, #tpu.memory_space<vmem>> -> memref<1x80xi32, #tpu.memory_space<vmem>>
      %dma_wait3A_579 = tpu.memref_squeeze %dma_wait3A_578 : memref<1x80xi32, #tpu.memory_space<vmem>> -> memref<80xi32, #tpu.memory_space<vmem>>
      %dma_wait3A_580 = arith.constant 0 : i32
      %dma_wait3A_581 = arith.constant 0 : i32
      %dma_wait3A_582 = tpu.memref_slice %arg16[%dma_wait3A_580, %dma_wait3A_581] : memref<10240x64xf32, #tpu.memory_space<vmem_shared>> -> memref<10240x64xf32, #tpu.memory_space<vmem_shared>>
      tpu.wait_indirect_dma semaphore(%arg30 : memref<!tpu.dma_semaphore, #tpu.memory_space<semaphore_mem>>) src(%arg13 : memref<80x64xf32, #tpu.memory_space<vmem>>) dst(%dma_wait3A_582 : memref<10240x64xf32, #tpu.memory_space<vmem_shared>>)
      %add3A_583 = arith.constant 8 : i32
      %add3A_584 = arith.addi %mul3A_317, %add3A_583 : i32
      %add3A_585 = arith.constant 5 : i32
      %add3A_586 = arith.addi %add3A_584, %add3A_585 : i32
      %dma_start3A_587 = arith.constant 0 : i32
      %dma_start3A_588 = tpu.memref_slice %arg6[%add3A_586, %dma_start3A_587] : memref<256x80xi32, #tpu.memory_space<vmem>> -> memref<1x80xi32, #tpu.memory_space<vmem>>
      %dma_start3A_589 = tpu.memref_squeeze %dma_start3A_588 : memref<1x80xi32, #tpu.memory_space<vmem>> -> memref<80xi32, #tpu.memory_space<vmem>>
      %dma_start3A_590 = arith.constant 0 : i32
      %dma_start3A_591 = arith.constant 0 : i32
      %dma_start3A_592 = tpu.memref_slice %arg4[%arg0, %dma_start3A_590, %dma_start3A_591] : memref<2x10240x64xf32, #tpu.memory_space<hbm>> -> memref<1x10240x64xf32, #tpu.memory_space<hbm>>
      %dma_start3A_593 = tpu.memref_squeeze %dma_start3A_592 : memref<1x10240x64xf32, #tpu.memory_space<hbm>> -> memref<10240x64xf32, #tpu.memory_space<hbm>>
      %dma_start3A_594 = arith.constant 0 : i32
      %dma_start3A_595 = arith.constant 0 : i32
      %dma_start3A_596 = tpu.memref_slice %dma_start3A_593[%dma_start3A_594, %dma_start3A_595] : memref<10240x64xf32, #tpu.memory_space<hbm>> -> memref<10240x64xf32, #tpu.memory_space<hbm>>
      tpu.enqueue_indirect_dma source(%dma_start3A_596 : memref<10240x64xf32, #tpu.memory_space<hbm>>) target(%arg13 : memref<80x64xf32, #tpu.memory_space<vmem>>) offsets(%dma_start3A_589 : memref<80xi32, #tpu.memory_space<vmem>>) semaphore(%arg22 : memref<!tpu.dma_semaphore, #tpu.memory_space<semaphore_mem>>)
      %dma_wait3A_597 = arith.constant 0 : i32
      %dma_wait3A_598 = tpu.memref_slice %arg7[%add3A_450, %dma_wait3A_597] : memref<256x80xi32, #tpu.memory_space<vmem>> -> memref<1x80xi32, #tpu.memory_space<vmem>>
      %dma_wait3A_599 = tpu.memref_squeeze %dma_wait3A_598 : memref<1x80xi32, #tpu.memory_space<vmem>> -> memref<80xi32, #tpu.memory_space<vmem>>
      %dma_wait3A_600 = arith.constant 0 : i32
      %dma_wait3A_601 = arith.constant 0 : i32
      %dma_wait3A_602 = tpu.memref_slice %arg16[%dma_wait3A_600, %dma_wait3A_601] : memref<10240x64xf32, #tpu.memory_space<vmem_shared>> -> memref<10240x64xf32, #tpu.memory_space<vmem_shared>>
      tpu.wait_indirect_dma semaphore(%arg31 : memref<!tpu.dma_semaphore, #tpu.memory_space<semaphore_mem>>) src(%arg14 : memref<80x64xf32, #tpu.memory_space<vmem>>) dst(%dma_wait3A_602 : memref<10240x64xf32, #tpu.memory_space<vmem_shared>>)
      %add3A_603 = arith.constant 8 : i32
      %add3A_604 = arith.addi %mul3A_317, %add3A_603 : i32
      %add3A_605 = arith.constant 6 : i32
      %add3A_606 = arith.addi %add3A_604, %add3A_605 : i32
      %dma_start3A_607 = arith.constant 0 : i32
      %dma_start3A_608 = tpu.memref_slice %arg6[%add3A_606, %dma_start3A_607] : memref<256x80xi32, #tpu.memory_space<vmem>> -> memref<1x80xi32, #tpu.memory_space<vmem>>
      %dma_start3A_609 = tpu.memref_squeeze %dma_start3A_608 : memref<1x80xi32, #tpu.memory_space<vmem>> -> memref<80xi32, #tpu.memory_space<vmem>>
      %dma_start3A_610 = arith.constant 0 : i32
      %dma_start3A_611 = arith.constant 0 : i32
      %dma_start3A_612 = tpu.memref_slice %arg4[%arg0, %dma_start3A_610, %dma_start3A_611] : memref<2x10240x64xf32, #tpu.memory_space<hbm>> -> memref<1x10240x64xf32, #tpu.memory_space<hbm>>
      %dma_start3A_613 = tpu.memref_squeeze %dma_start3A_612 : memref<1x10240x64xf32, #tpu.memory_space<hbm>> -> memref<10240x64xf32, #tpu.memory_space<hbm>>
      %dma_start3A_614 = arith.constant 0 : i32
      %dma_start3A_615 = arith.constant 0 : i32
      %dma_start3A_616 = tpu.memref_slice %dma_start3A_613[%dma_start3A_614, %dma_start3A_615] : memref<10240x64xf32, #tpu.memory_space<hbm>> -> memref<10240x64xf32, #tpu.memory_space<hbm>>
      tpu.enqueue_indirect_dma source(%dma_start3A_616 : memref<10240x64xf32, #tpu.memory_space<hbm>>) target(%arg14 : memref<80x64xf32, #tpu.memory_space<vmem>>) offsets(%dma_start3A_609 : memref<80xi32, #tpu.memory_space<vmem>>) semaphore(%arg23 : memref<!tpu.dma_semaphore, #tpu.memory_space<semaphore_mem>>)
      %dma_wait3A_617 = arith.constant 0 : i32
      %dma_wait3A_618 = tpu.memref_slice %arg7[%add3A_470, %dma_wait3A_617] : memref<256x80xi32, #tpu.memory_space<vmem>> -> memref<1x80xi32, #tpu.memory_space<vmem>>
      %dma_wait3A_619 = tpu.memref_squeeze %dma_wait3A_618 : memref<1x80xi32, #tpu.memory_space<vmem>> -> memref<80xi32, #tpu.memory_space<vmem>>
      %dma_wait3A_620 = arith.constant 0 : i32
      %dma_wait3A_621 = arith.constant 0 : i32
      %dma_wait3A_622 = tpu.memref_slice %arg16[%dma_wait3A_620, %dma_wait3A_621] : memref<10240x64xf32, #tpu.memory_space<vmem_shared>> -> memref<10240x64xf32, #tpu.memory_space<vmem_shared>>
      tpu.wait_indirect_dma semaphore(%arg32 : memref<!tpu.dma_semaphore, #tpu.memory_space<semaphore_mem>>) src(%arg15 : memref<80x64xf32, #tpu.memory_space<vmem>>) dst(%dma_wait3A_622 : memref<10240x64xf32, #tpu.memory_space<vmem_shared>>)
      %add3A_623 = arith.constant 8 : i32
      %add3A_624 = arith.addi %mul3A_317, %add3A_623 : i32
      %add3A_625 = arith.constant 7 : i32
      %add3A_626 = arith.addi %add3A_624, %add3A_625 : i32
      %dma_start3A_627 = arith.constant 0 : i32
      %dma_start3A_628 = tpu.memref_slice %arg6[%add3A_626, %dma_start3A_627] : memref<256x80xi32, #tpu.memory_space<vmem>> -> memref<1x80xi32, #tpu.memory_space<vmem>>
      %dma_start3A_629 = tpu.memref_squeeze %dma_start3A_628 : memref<1x80xi32, #tpu.memory_space<vmem>> -> memref<80xi32, #tpu.memory_space<vmem>>
      %dma_start3A_630 = arith.constant 0 : i32
      %dma_start3A_631 = arith.constant 0 : i32
      %dma_start3A_632 = tpu.memref_slice %arg4[%arg0, %dma_start3A_630, %dma_start3A_631] : memref<2x10240x64xf32, #tpu.memory_space<hbm>> -> memref<1x10240x64xf32, #tpu.memory_space<hbm>>
      %dma_start3A_633 = tpu.memref_squeeze %dma_start3A_632 : memref<1x10240x64xf32, #tpu.memory_space<hbm>> -> memref<10240x64xf32, #tpu.memory_space<hbm>>
      %dma_start3A_634 = arith.constant 0 : i32
      %dma_start3A_635 = arith.constant 0 : i32
      %dma_start3A_636 = tpu.memref_slice %dma_start3A_633[%dma_start3A_634, %dma_start3A_635] : memref<10240x64xf32, #tpu.memory_space<hbm>> -> memref<10240x64xf32, #tpu.memory_space<hbm>>
      tpu.enqueue_indirect_dma source(%dma_start3A_636 : memref<10240x64xf32, #tpu.memory_space<hbm>>) target(%arg15 : memref<80x64xf32, #tpu.memory_space<vmem>>) offsets(%dma_start3A_629 : memref<80xi32, #tpu.memory_space<vmem>>) semaphore(%arg24 : memref<!tpu.dma_semaphore, #tpu.memory_space<semaphore_mem>>)
      %scan3A_637 = arith.constant 0 : i32
      scf.yield %scan3A_637 : i32
    }
    %scan3A_109 = arith.constant 31 : i32
    %dma_wait3A = arith.constant 248 : i32
    %dma_wait3A_110 = arith.constant 0 : i32
    %dma_wait3A_111 = tpu.memref_slice %arg6[%dma_wait3A, %dma_wait3A_110] : memref<256x80xi32, #tpu.memory_space<vmem>> -> memref<1x80xi32, #tpu.memory_space<vmem>>
    %dma_wait3A_112 = tpu.memref_squeeze %dma_wait3A_111 : memref<1x80xi32, #tpu.memory_space<vmem>> -> memref<80xi32, #tpu.memory_space<vmem>>
    %dma_wait3A_113 = arith.constant 0 : i32
    %dma_wait3A_114 = arith.constant 0 : i32
    %dma_wait3A_115 = tpu.memref_slice %arg4[%arg0, %dma_wait3A_113, %dma_wait3A_114] : memref<2x10240x64xf32, #tpu.memory_space<hbm>> -> memref<1x10240x64xf32, #tpu.memory_space<hbm>>
    %dma_wait3A_116 = tpu.memref_squeeze %dma_wait3A_115 : memref<1x10240x64xf32, #tpu.memory_space<hbm>> -> memref<10240x64xf32, #tpu.memory_space<hbm>>
    %dma_wait3A_117 = arith.constant 0 : i32
    %dma_wait3A_118 = arith.constant 0 : i32
    %dma_wait3A_119 = tpu.memref_slice %dma_wait3A_116[%dma_wait3A_117, %dma_wait3A_118] : memref<10240x64xf32, #tpu.memory_space<hbm>> -> memref<10240x64xf32, #tpu.memory_space<hbm>>
    tpu.wait_indirect_dma semaphore(%arg17 : memref<!tpu.dma_semaphore, #tpu.memory_space<semaphore_mem>>) src(%dma_wait3A_119 : memref<10240x64xf32, #tpu.memory_space<hbm>>) dst(%arg8 : memref<80x64xf32, #tpu.memory_space<vmem>>)
    %dma_start3A_120 = arith.constant 248 : i32
    %dma_start3A_121 = arith.constant 0 : i32
    %dma_start3A_122 = tpu.memref_slice %arg7[%dma_start3A_120, %dma_start3A_121] : memref<256x80xi32, #tpu.memory_space<vmem>> -> memref<1x80xi32, #tpu.memory_space<vmem>>
    %dma_start3A_123 = tpu.memref_squeeze %dma_start3A_122 : memref<1x80xi32, #tpu.memory_space<vmem>> -> memref<80xi32, #tpu.memory_space<vmem>>
    %dma_start3A_124 = arith.constant 0 : i32
    %dma_start3A_125 = arith.constant 0 : i32
    %dma_start3A_126 = tpu.memref_slice %arg16[%dma_start3A_124, %dma_start3A_125] : memref<10240x64xf32, #tpu.memory_space<vmem_shared>> -> memref<10240x64xf32, #tpu.memory_space<vmem_shared>>
    tpu.enqueue_indirect_dma source(%arg8 : memref<80x64xf32, #tpu.memory_space<vmem>>) target(%dma_start3A_126 : memref<10240x64xf32, #tpu.memory_space<vmem_shared>>) offsets(%dma_start3A_123 : memref<80xi32, #tpu.memory_space<vmem>>) semaphore(%arg25 : memref<!tpu.dma_semaphore, #tpu.memory_space<semaphore_mem>>) {add = true}
    %dma_wait3A_127 = arith.constant 249 : i32
    %dma_wait3A_128 = arith.constant 0 : i32
    %dma_wait3A_129 = tpu.memref_slice %arg6[%dma_wait3A_127, %dma_wait3A_128] : memref<256x80xi32, #tpu.memory_space<vmem>> -> memref<1x80xi32, #tpu.memory_space<vmem>>
    %dma_wait3A_130 = tpu.memref_squeeze %dma_wait3A_129 : memref<1x80xi32, #tpu.memory_space<vmem>> -> memref<80xi32, #tpu.memory_space<vmem>>
    %dma_wait3A_131 = arith.constant 0 : i32
    %dma_wait3A_132 = arith.constant 0 : i32
    %dma_wait3A_133 = tpu.memref_slice %arg4[%arg0, %dma_wait3A_131, %dma_wait3A_132] : memref<2x10240x64xf32, #tpu.memory_space<hbm>> -> memref<1x10240x64xf32, #tpu.memory_space<hbm>>
    %dma_wait3A_134 = tpu.memref_squeeze %dma_wait3A_133 : memref<1x10240x64xf32, #tpu.memory_space<hbm>> -> memref<10240x64xf32, #tpu.memory_space<hbm>>
    %dma_wait3A_135 = arith.constant 0 : i32
    %dma_wait3A_136 = arith.constant 0 : i32
    %dma_wait3A_137 = tpu.memref_slice %dma_wait3A_134[%dma_wait3A_135, %dma_wait3A_136] : memref<10240x64xf32, #tpu.memory_space<hbm>> -> memref<10240x64xf32, #tpu.memory_space<hbm>>
    tpu.wait_indirect_dma semaphore(%arg18 : memref<!tpu.dma_semaphore, #tpu.memory_space<semaphore_mem>>) src(%dma_wait3A_137 : memref<10240x64xf32, #tpu.memory_space<hbm>>) dst(%arg9 : memref<80x64xf32, #tpu.memory_space<vmem>>)
    %dma_start3A_138 = arith.constant 249 : i32
    %dma_start3A_139 = arith.constant 0 : i32
    %dma_start3A_140 = tpu.memref_slice %arg7[%dma_start3A_138, %dma_start3A_139] : memref<256x80xi32, #tpu.memory_space<vmem>> -> memref<1x80xi32, #tpu.memory_space<vmem>>
    %dma_start3A_141 = tpu.memref_squeeze %dma_start3A_140 : memref<1x80xi32, #tpu.memory_space<vmem>> -> memref<80xi32, #tpu.memory_space<vmem>>
    %dma_start3A_142 = arith.constant 0 : i32
    %dma_start3A_143 = arith.constant 0 : i32
    %dma_start3A_144 = tpu.memref_slice %arg16[%dma_start3A_142, %dma_start3A_143] : memref<10240x64xf32, #tpu.memory_space<vmem_shared>> -> memref<10240x64xf32, #tpu.memory_space<vmem_shared>>
    tpu.enqueue_indirect_dma source(%arg9 : memref<80x64xf32, #tpu.memory_space<vmem>>) target(%dma_start3A_144 : memref<10240x64xf32, #tpu.memory_space<vmem_shared>>) offsets(%dma_start3A_141 : memref<80xi32, #tpu.memory_space<vmem>>) semaphore(%arg26 : memref<!tpu.dma_semaphore, #tpu.memory_space<semaphore_mem>>) {add = true}
    %dma_wait3A_145 = arith.constant 250 : i32
    %dma_wait3A_146 = arith.constant 0 : i32
    %dma_wait3A_147 = tpu.memref_slice %arg6[%dma_wait3A_145, %dma_wait3A_146] : memref<256x80xi32, #tpu.memory_space<vmem>> -> memref<1x80xi32, #tpu.memory_space<vmem>>
    %dma_wait3A_148 = tpu.memref_squeeze %dma_wait3A_147 : memref<1x80xi32, #tpu.memory_space<vmem>> -> memref<80xi32, #tpu.memory_space<vmem>>
    %dma_wait3A_149 = arith.constant 0 : i32
    %dma_wait3A_150 = arith.constant 0 : i32
    %dma_wait3A_151 = tpu.memref_slice %arg4[%arg0, %dma_wait3A_149, %dma_wait3A_150] : memref<2x10240x64xf32, #tpu.memory_space<hbm>> -> memref<1x10240x64xf32, #tpu.memory_space<hbm>>
    %dma_wait3A_152 = tpu.memref_squeeze %dma_wait3A_151 : memref<1x10240x64xf32, #tpu.memory_space<hbm>> -> memref<10240x64xf32, #tpu.memory_space<hbm>>
    %dma_wait3A_153 = arith.constant 0 : i32
    %dma_wait3A_154 = arith.constant 0 : i32
    %dma_wait3A_155 = tpu.memref_slice %dma_wait3A_152[%dma_wait3A_153, %dma_wait3A_154] : memref<10240x64xf32, #tpu.memory_space<hbm>> -> memref<10240x64xf32, #tpu.memory_space<hbm>>
    tpu.wait_indirect_dma semaphore(%arg19 : memref<!tpu.dma_semaphore, #tpu.memory_space<semaphore_mem>>) src(%dma_wait3A_155 : memref<10240x64xf32, #tpu.memory_space<hbm>>) dst(%arg10 : memref<80x64xf32, #tpu.memory_space<vmem>>)
    %dma_start3A_156 = arith.constant 250 : i32
    %dma_start3A_157 = arith.constant 0 : i32
    %dma_start3A_158 = tpu.memref_slice %arg7[%dma_start3A_156, %dma_start3A_157] : memref<256x80xi32, #tpu.memory_space<vmem>> -> memref<1x80xi32, #tpu.memory_space<vmem>>
    %dma_start3A_159 = tpu.memref_squeeze %dma_start3A_158 : memref<1x80xi32, #tpu.memory_space<vmem>> -> memref<80xi32, #tpu.memory_space<vmem>>
    %dma_start3A_160 = arith.constant 0 : i32
    %dma_start3A_161 = arith.constant 0 : i32
    %dma_start3A_162 = tpu.memref_slice %arg16[%dma_start3A_160, %dma_start3A_161] : memref<10240x64xf32, #tpu.memory_space<vmem_shared>> -> memref<10240x64xf32, #tpu.memory_space<vmem_shared>>
    tpu.enqueue_indirect_dma source(%arg10 : memref<80x64xf32, #tpu.memory_space<vmem>>) target(%dma_start3A_162 : memref<10240x64xf32, #tpu.memory_space<vmem_shared>>) offsets(%dma_start3A_159 : memref<80xi32, #tpu.memory_space<vmem>>) semaphore(%arg27 : memref<!tpu.dma_semaphore, #tpu.memory_space<semaphore_mem>>) {add = true}
    %dma_wait3A_163 = arith.constant 251 : i32
    %dma_wait3A_164 = arith.constant 0 : i32
    %dma_wait3A_165 = tpu.memref_slice %arg6[%dma_wait3A_163, %dma_wait3A_164] : memref<256x80xi32, #tpu.memory_space<vmem>> -> memref<1x80xi32, #tpu.memory_space<vmem>>
    %dma_wait3A_166 = tpu.memref_squeeze %dma_wait3A_165 : memref<1x80xi32, #tpu.memory_space<vmem>> -> memref<80xi32, #tpu.memory_space<vmem>>
    %dma_wait3A_167 = arith.constant 0 : i32
    %dma_wait3A_168 = arith.constant 0 : i32
    %dma_wait3A_169 = tpu.memref_slice %arg4[%arg0, %dma_wait3A_167, %dma_wait3A_168] : memref<2x10240x64xf32, #tpu.memory_space<hbm>> -> memref<1x10240x64xf32, #tpu.memory_space<hbm>>
    %dma_wait3A_170 = tpu.memref_squeeze %dma_wait3A_169 : memref<1x10240x64xf32, #tpu.memory_space<hbm>> -> memref<10240x64xf32, #tpu.memory_space<hbm>>
    %dma_wait3A_171 = arith.constant 0 : i32
    %dma_wait3A_172 = arith.constant 0 : i32
    %dma_wait3A_173 = tpu.memref_slice %dma_wait3A_170[%dma_wait3A_171, %dma_wait3A_172] : memref<10240x64xf32, #tpu.memory_space<hbm>> -> memref<10240x64xf32, #tpu.memory_space<hbm>>
    tpu.wait_indirect_dma semaphore(%arg20 : memref<!tpu.dma_semaphore, #tpu.memory_space<semaphore_mem>>) src(%dma_wait3A_173 : memref<10240x64xf32, #tpu.memory_space<hbm>>) dst(%arg11 : memref<80x64xf32, #tpu.memory_space<vmem>>)
    %dma_start3A_174 = arith.constant 251 : i32
    %dma_start3A_175 = arith.constant 0 : i32
    %dma_start3A_176 = tpu.memref_slice %arg7[%dma_start3A_174, %dma_start3A_175] : memref<256x80xi32, #tpu.memory_space<vmem>> -> memref<1x80xi32, #tpu.memory_space<vmem>>
    %dma_start3A_177 = tpu.memref_squeeze %dma_start3A_176 : memref<1x80xi32, #tpu.memory_space<vmem>> -> memref<80xi32, #tpu.memory_space<vmem>>
    %dma_start3A_178 = arith.constant 0 : i32
    %dma_start3A_179 = arith.constant 0 : i32
    %dma_start3A_180 = tpu.memref_slice %arg16[%dma_start3A_178, %dma_start3A_179] : memref<10240x64xf32, #tpu.memory_space<vmem_shared>> -> memref<10240x64xf32, #tpu.memory_space<vmem_shared>>
    tpu.enqueue_indirect_dma source(%arg11 : memref<80x64xf32, #tpu.memory_space<vmem>>) target(%dma_start3A_180 : memref<10240x64xf32, #tpu.memory_space<vmem_shared>>) offsets(%dma_start3A_177 : memref<80xi32, #tpu.memory_space<vmem>>) semaphore(%arg28 : memref<!tpu.dma_semaphore, #tpu.memory_space<semaphore_mem>>) {add = true}
    %dma_wait3A_181 = arith.constant 252 : i32
    %dma_wait3A_182 = arith.constant 0 : i32
    %dma_wait3A_183 = tpu.memref_slice %arg6[%dma_wait3A_181, %dma_wait3A_182] : memref<256x80xi32, #tpu.memory_space<vmem>> -> memref<1x80xi32, #tpu.memory_space<vmem>>
    %dma_wait3A_184 = tpu.memref_squeeze %dma_wait3A_183 : memref<1x80xi32, #tpu.memory_space<vmem>> -> memref<80xi32, #tpu.memory_space<vmem>>
    %dma_wait3A_185 = arith.constant 0 : i32
    %dma_wait3A_186 = arith.constant 0 : i32
    %dma_wait3A_187 = tpu.memref_slice %arg4[%arg0, %dma_wait3A_185, %dma_wait3A_186] : memref<2x10240x64xf32, #tpu.memory_space<hbm>> -> memref<1x10240x64xf32, #tpu.memory_space<hbm>>
    %dma_wait3A_188 = tpu.memref_squeeze %dma_wait3A_187 : memref<1x10240x64xf32, #tpu.memory_space<hbm>> -> memref<10240x64xf32, #tpu.memory_space<hbm>>
    %dma_wait3A_189 = arith.constant 0 : i32
    %dma_wait3A_190 = arith.constant 0 : i32
    %dma_wait3A_191 = tpu.memref_slice %dma_wait3A_188[%dma_wait3A_189, %dma_wait3A_190] : memref<10240x64xf32, #tpu.memory_space<hbm>> -> memref<10240x64xf32, #tpu.memory_space<hbm>>
    tpu.wait_indirect_dma semaphore(%arg21 : memref<!tpu.dma_semaphore, #tpu.memory_space<semaphore_mem>>) src(%dma_wait3A_191 : memref<10240x64xf32, #tpu.memory_space<hbm>>) dst(%arg12 : memref<80x64xf32, #tpu.memory_space<vmem>>)
    %dma_start3A_192 = arith.constant 252 : i32
    %dma_start3A_193 = arith.constant 0 : i32
    %dma_start3A_194 = tpu.memref_slice %arg7[%dma_start3A_192, %dma_start3A_193] : memref<256x80xi32, #tpu.memory_space<vmem>> -> memref<1x80xi32, #tpu.memory_space<vmem>>
    %dma_start3A_195 = tpu.memref_squeeze %dma_start3A_194 : memref<1x80xi32, #tpu.memory_space<vmem>> -> memref<80xi32, #tpu.memory_space<vmem>>
    %dma_start3A_196 = arith.constant 0 : i32
    %dma_start3A_197 = arith.constant 0 : i32
    %dma_start3A_198 = tpu.memref_slice %arg16[%dma_start3A_196, %dma_start3A_197] : memref<10240x64xf32, #tpu.memory_space<vmem_shared>> -> memref<10240x64xf32, #tpu.memory_space<vmem_shared>>
    tpu.enqueue_indirect_dma source(%arg12 : memref<80x64xf32, #tpu.memory_space<vmem>>) target(%dma_start3A_198 : memref<10240x64xf32, #tpu.memory_space<vmem_shared>>) offsets(%dma_start3A_195 : memref<80xi32, #tpu.memory_space<vmem>>) semaphore(%arg29 : memref<!tpu.dma_semaphore, #tpu.memory_space<semaphore_mem>>) {add = true}
    %dma_wait3A_199 = arith.constant 253 : i32
    %dma_wait3A_200 = arith.constant 0 : i32
    %dma_wait3A_201 = tpu.memref_slice %arg6[%dma_wait3A_199, %dma_wait3A_200] : memref<256x80xi32, #tpu.memory_space<vmem>> -> memref<1x80xi32, #tpu.memory_space<vmem>>
    %dma_wait3A_202 = tpu.memref_squeeze %dma_wait3A_201 : memref<1x80xi32, #tpu.memory_space<vmem>> -> memref<80xi32, #tpu.memory_space<vmem>>
    %dma_wait3A_203 = arith.constant 0 : i32
    %dma_wait3A_204 = arith.constant 0 : i32
    %dma_wait3A_205 = tpu.memref_slice %arg4[%arg0, %dma_wait3A_203, %dma_wait3A_204] : memref<2x10240x64xf32, #tpu.memory_space<hbm>> -> memref<1x10240x64xf32, #tpu.memory_space<hbm>>
    %dma_wait3A_206 = tpu.memref_squeeze %dma_wait3A_205 : memref<1x10240x64xf32, #tpu.memory_space<hbm>> -> memref<10240x64xf32, #tpu.memory_space<hbm>>
    %dma_wait3A_207 = arith.constant 0 : i32
    %dma_wait3A_208 = arith.constant 0 : i32
    %dma_wait3A_209 = tpu.memref_slice %dma_wait3A_206[%dma_wait3A_207, %dma_wait3A_208] : memref<10240x64xf32, #tpu.memory_space<hbm>> -> memref<10240x64xf32, #tpu.memory_space<hbm>>
    tpu.wait_indirect_dma semaphore(%arg22 : memref<!tpu.dma_semaphore, #tpu.memory_space<semaphore_mem>>) src(%dma_wait3A_209 : memref<10240x64xf32, #tpu.memory_space<hbm>>) dst(%arg13 : memref<80x64xf32, #tpu.memory_space<vmem>>)
    %dma_start3A_210 = arith.constant 253 : i32
    %dma_start3A_211 = arith.constant 0 : i32
    %dma_start3A_212 = tpu.memref_slice %arg7[%dma_start3A_210, %dma_start3A_211] : memref<256x80xi32, #tpu.memory_space<vmem>> -> memref<1x80xi32, #tpu.memory_space<vmem>>
    %dma_start3A_213 = tpu.memref_squeeze %dma_start3A_212 : memref<1x80xi32, #tpu.memory_space<vmem>> -> memref<80xi32, #tpu.memory_space<vmem>>
    %dma_start3A_214 = arith.constant 0 : i32
    %dma_start3A_215 = arith.constant 0 : i32
    %dma_start3A_216 = tpu.memref_slice %arg16[%dma_start3A_214, %dma_start3A_215] : memref<10240x64xf32, #tpu.memory_space<vmem_shared>> -> memref<10240x64xf32, #tpu.memory_space<vmem_shared>>
    tpu.enqueue_indirect_dma source(%arg13 : memref<80x64xf32, #tpu.memory_space<vmem>>) target(%dma_start3A_216 : memref<10240x64xf32, #tpu.memory_space<vmem_shared>>) offsets(%dma_start3A_213 : memref<80xi32, #tpu.memory_space<vmem>>) semaphore(%arg30 : memref<!tpu.dma_semaphore, #tpu.memory_space<semaphore_mem>>) {add = true}
    %dma_wait3A_217 = arith.constant 254 : i32
    %dma_wait3A_218 = arith.constant 0 : i32
    %dma_wait3A_219 = tpu.memref_slice %arg6[%dma_wait3A_217, %dma_wait3A_218] : memref<256x80xi32, #tpu.memory_space<vmem>> -> memref<1x80xi32, #tpu.memory_space<vmem>>
    %dma_wait3A_220 = tpu.memref_squeeze %dma_wait3A_219 : memref<1x80xi32, #tpu.memory_space<vmem>> -> memref<80xi32, #tpu.memory_space<vmem>>
    %dma_wait3A_221 = arith.constant 0 : i32
    %dma_wait3A_222 = arith.constant 0 : i32
    %dma_wait3A_223 = tpu.memref_slice %arg4[%arg0, %dma_wait3A_221, %dma_wait3A_222] : memref<2x10240x64xf32, #tpu.memory_space<hbm>> -> memref<1x10240x64xf32, #tpu.memory_space<hbm>>
    %dma_wait3A_224 = tpu.memref_squeeze %dma_wait3A_223 : memref<1x10240x64xf32, #tpu.memory_space<hbm>> -> memref<10240x64xf32, #tpu.memory_space<hbm>>
    %dma_wait3A_225 = arith.constant 0 : i32
    %dma_wait3A_226 = arith.constant 0 : i32
    %dma_wait3A_227 = tpu.memref_slice %dma_wait3A_224[%dma_wait3A_225, %dma_wait3A_226] : memref<10240x64xf32, #tpu.memory_space<hbm>> -> memref<10240x64xf32, #tpu.memory_space<hbm>>
    tpu.wait_indirect_dma semaphore(%arg23 : memref<!tpu.dma_semaphore, #tpu.memory_space<semaphore_mem>>) src(%dma_wait3A_227 : memref<10240x64xf32, #tpu.memory_space<hbm>>) dst(%arg14 : memref<80x64xf32, #tpu.memory_space<vmem>>)
    %dma_start3A_228 = arith.constant 254 : i32
    %dma_start3A_229 = arith.constant 0 : i32
    %dma_start3A_230 = tpu.memref_slice %arg7[%dma_start3A_228, %dma_start3A_229] : memref<256x80xi32, #tpu.memory_space<vmem>> -> memref<1x80xi32, #tpu.memory_space<vmem>>
    %dma_start3A_231 = tpu.memref_squeeze %dma_start3A_230 : memref<1x80xi32, #tpu.memory_space<vmem>> -> memref<80xi32, #tpu.memory_space<vmem>>
    %dma_start3A_232 = arith.constant 0 : i32
    %dma_start3A_233 = arith.constant 0 : i32
    %dma_start3A_234 = tpu.memref_slice %arg16[%dma_start3A_232, %dma_start3A_233] : memref<10240x64xf32, #tpu.memory_space<vmem_shared>> -> memref<10240x64xf32, #tpu.memory_space<vmem_shared>>
    tpu.enqueue_indirect_dma source(%arg14 : memref<80x64xf32, #tpu.memory_space<vmem>>) target(%dma_start3A_234 : memref<10240x64xf32, #tpu.memory_space<vmem_shared>>) offsets(%dma_start3A_231 : memref<80xi32, #tpu.memory_space<vmem>>) semaphore(%arg31 : memref<!tpu.dma_semaphore, #tpu.memory_space<semaphore_mem>>) {add = true}
    %dma_wait3A_235 = arith.constant 255 : i32
    %dma_wait3A_236 = arith.constant 0 : i32
    %dma_wait3A_237 = tpu.memref_slice %arg6[%dma_wait3A_235, %dma_wait3A_236] : memref<256x80xi32, #tpu.memory_space<vmem>> -> memref<1x80xi32, #tpu.memory_space<vmem>>
    %dma_wait3A_238 = tpu.memref_squeeze %dma_wait3A_237 : memref<1x80xi32, #tpu.memory_space<vmem>> -> memref<80xi32, #tpu.memory_space<vmem>>
    %dma_wait3A_239 = arith.constant 0 : i32
    %dma_wait3A_240 = arith.constant 0 : i32
    %dma_wait3A_241 = tpu.memref_slice %arg4[%arg0, %dma_wait3A_239, %dma_wait3A_240] : memref<2x10240x64xf32, #tpu.memory_space<hbm>> -> memref<1x10240x64xf32, #tpu.memory_space<hbm>>
    %dma_wait3A_242 = tpu.memref_squeeze %dma_wait3A_241 : memref<1x10240x64xf32, #tpu.memory_space<hbm>> -> memref<10240x64xf32, #tpu.memory_space<hbm>>
    %dma_wait3A_243 = arith.constant 0 : i32
    %dma_wait3A_244 = arith.constant 0 : i32
    %dma_wait3A_245 = tpu.memref_slice %dma_wait3A_242[%dma_wait3A_243, %dma_wait3A_244] : memref<10240x64xf32, #tpu.memory_space<hbm>> -> memref<10240x64xf32, #tpu.memory_space<hbm>>
    tpu.wait_indirect_dma semaphore(%arg24 : memref<!tpu.dma_semaphore, #tpu.memory_space<semaphore_mem>>) src(%dma_wait3A_245 : memref<10240x64xf32, #tpu.memory_space<hbm>>) dst(%arg15 : memref<80x64xf32, #tpu.memory_space<vmem>>)
    %dma_start3A_246 = arith.constant 255 : i32
    %dma_start3A_247 = arith.constant 0 : i32
    %dma_start3A_248 = tpu.memref_slice %arg7[%dma_start3A_246, %dma_start3A_247] : memref<256x80xi32, #tpu.memory_space<vmem>> -> memref<1x80xi32, #tpu.memory_space<vmem>>
    %dma_start3A_249 = tpu.memref_squeeze %dma_start3A_248 : memref<1x80xi32, #tpu.memory_space<vmem>> -> memref<80xi32, #tpu.memory_space<vmem>>
    %dma_start3A_250 = arith.constant 0 : i32
    %dma_start3A_251 = arith.constant 0 : i32
    %dma_start3A_252 = tpu.memref_slice %arg16[%dma_start3A_250, %dma_start3A_251] : memref<10240x64xf32, #tpu.memory_space<vmem_shared>> -> memref<10240x64xf32, #tpu.memory_space<vmem_shared>>
    tpu.enqueue_indirect_dma source(%arg15 : memref<80x64xf32, #tpu.memory_space<vmem>>) target(%dma_start3A_252 : memref<10240x64xf32, #tpu.memory_space<vmem_shared>>) offsets(%dma_start3A_249 : memref<80xi32, #tpu.memory_space<vmem>>) semaphore(%arg32 : memref<!tpu.dma_semaphore, #tpu.memory_space<semaphore_mem>>) {add = true}
    %dma_wait3A_253 = arith.constant 248 : i32
    %dma_wait3A_254 = arith.constant 0 : i32
    %dma_wait3A_255 = tpu.memref_slice %arg7[%dma_wait3A_253, %dma_wait3A_254] : memref<256x80xi32, #tpu.memory_space<vmem>> -> memref<1x80xi32, #tpu.memory_space<vmem>>
    %dma_wait3A_256 = tpu.memref_squeeze %dma_wait3A_255 : memref<1x80xi32, #tpu.memory_space<vmem>> -> memref<80xi32, #tpu.memory_space<vmem>>
    %dma_wait3A_257 = arith.constant 0 : i32
    %dma_wait3A_258 = arith.constant 0 : i32
    %dma_wait3A_259 = tpu.memref_slice %arg16[%dma_wait3A_257, %dma_wait3A_258] : memref<10240x64xf32, #tpu.memory_space<vmem_shared>> -> memref<10240x64xf32, #tpu.memory_space<vmem_shared>>
    tpu.wait_indirect_dma semaphore(%arg25 : memref<!tpu.dma_semaphore, #tpu.memory_space<semaphore_mem>>) src(%arg8 : memref<80x64xf32, #tpu.memory_space<vmem>>) dst(%dma_wait3A_259 : memref<10240x64xf32, #tpu.memory_space<vmem_shared>>)
    %dma_wait3A_260 = arith.constant 249 : i32
    %dma_wait3A_261 = arith.constant 0 : i32
    %dma_wait3A_262 = tpu.memref_slice %arg7[%dma_wait3A_260, %dma_wait3A_261] : memref<256x80xi32, #tpu.memory_space<vmem>> -> memref<1x80xi32, #tpu.memory_space<vmem>>
    %dma_wait3A_263 = tpu.memref_squeeze %dma_wait3A_262 : memref<1x80xi32, #tpu.memory_space<vmem>> -> memref<80xi32, #tpu.memory_space<vmem>>
    %dma_wait3A_264 = arith.constant 0 : i32
    %dma_wait3A_265 = arith.constant 0 : i32
    %dma_wait3A_266 = tpu.memref_slice %arg16[%dma_wait3A_264, %dma_wait3A_265] : memref<10240x64xf32, #tpu.memory_space<vmem_shared>> -> memref<10240x64xf32, #tpu.memory_space<vmem_shared>>
    tpu.wait_indirect_dma semaphore(%arg26 : memref<!tpu.dma_semaphore, #tpu.memory_space<semaphore_mem>>) src(%arg9 : memref<80x64xf32, #tpu.memory_space<vmem>>) dst(%dma_wait3A_266 : memref<10240x64xf32, #tpu.memory_space<vmem_shared>>)
    %dma_wait3A_267 = arith.constant 250 : i32
    %dma_wait3A_268 = arith.constant 0 : i32
    %dma_wait3A_269 = tpu.memref_slice %arg7[%dma_wait3A_267, %dma_wait3A_268] : memref<256x80xi32, #tpu.memory_space<vmem>> -> memref<1x80xi32, #tpu.memory_space<vmem>>
    %dma_wait3A_270 = tpu.memref_squeeze %dma_wait3A_269 : memref<1x80xi32, #tpu.memory_space<vmem>> -> memref<80xi32, #tpu.memory_space<vmem>>
    %dma_wait3A_271 = arith.constant 0 : i32
    %dma_wait3A_272 = arith.constant 0 : i32
    %dma_wait3A_273 = tpu.memref_slice %arg16[%dma_wait3A_271, %dma_wait3A_272] : memref<10240x64xf32, #tpu.memory_space<vmem_shared>> -> memref<10240x64xf32, #tpu.memory_space<vmem_shared>>
    tpu.wait_indirect_dma semaphore(%arg27 : memref<!tpu.dma_semaphore, #tpu.memory_space<semaphore_mem>>) src(%arg10 : memref<80x64xf32, #tpu.memory_space<vmem>>) dst(%dma_wait3A_273 : memref<10240x64xf32, #tpu.memory_space<vmem_shared>>)
    %dma_wait3A_274 = arith.constant 251 : i32
    %dma_wait3A_275 = arith.constant 0 : i32
    %dma_wait3A_276 = tpu.memref_slice %arg7[%dma_wait3A_274, %dma_wait3A_275] : memref<256x80xi32, #tpu.memory_space<vmem>> -> memref<1x80xi32, #tpu.memory_space<vmem>>
    %dma_wait3A_277 = tpu.memref_squeeze %dma_wait3A_276 : memref<1x80xi32, #tpu.memory_space<vmem>> -> memref<80xi32, #tpu.memory_space<vmem>>
    %dma_wait3A_278 = arith.constant 0 : i32
    %dma_wait3A_279 = arith.constant 0 : i32
    %dma_wait3A_280 = tpu.memref_slice %arg16[%dma_wait3A_278, %dma_wait3A_279] : memref<10240x64xf32, #tpu.memory_space<vmem_shared>> -> memref<10240x64xf32, #tpu.memory_space<vmem_shared>>
    tpu.wait_indirect_dma semaphore(%arg28 : memref<!tpu.dma_semaphore, #tpu.memory_space<semaphore_mem>>) src(%arg11 : memref<80x64xf32, #tpu.memory_space<vmem>>) dst(%dma_wait3A_280 : memref<10240x64xf32, #tpu.memory_space<vmem_shared>>)
    %dma_wait3A_281 = arith.constant 252 : i32
    %dma_wait3A_282 = arith.constant 0 : i32
    %dma_wait3A_283 = tpu.memref_slice %arg7[%dma_wait3A_281, %dma_wait3A_282] : memref<256x80xi32, #tpu.memory_space<vmem>> -> memref<1x80xi32, #tpu.memory_space<vmem>>
    %dma_wait3A_284 = tpu.memref_squeeze %dma_wait3A_283 : memref<1x80xi32, #tpu.memory_space<vmem>> -> memref<80xi32, #tpu.memory_space<vmem>>
    %dma_wait3A_285 = arith.constant 0 : i32
    %dma_wait3A_286 = arith.constant 0 : i32
    %dma_wait3A_287 = tpu.memref_slice %arg16[%dma_wait3A_285, %dma_wait3A_286] : memref<10240x64xf32, #tpu.memory_space<vmem_shared>> -> memref<10240x64xf32, #tpu.memory_space<vmem_shared>>
    tpu.wait_indirect_dma semaphore(%arg29 : memref<!tpu.dma_semaphore, #tpu.memory_space<semaphore_mem>>) src(%arg12 : memref<80x64xf32, #tpu.memory_space<vmem>>) dst(%dma_wait3A_287 : memref<10240x64xf32, #tpu.memory_space<vmem_shared>>)
    %dma_wait3A_288 = arith.constant 253 : i32
    %dma_wait3A_289 = arith.constant 0 : i32
    %dma_wait3A_290 = tpu.memref_slice %arg7[%dma_wait3A_288, %dma_wait3A_289] : memref<256x80xi32, #tpu.memory_space<vmem>> -> memref<1x80xi32, #tpu.memory_space<vmem>>
    %dma_wait3A_291 = tpu.memref_squeeze %dma_wait3A_290 : memref<1x80xi32, #tpu.memory_space<vmem>> -> memref<80xi32, #tpu.memory_space<vmem>>
    %dma_wait3A_292 = arith.constant 0 : i32
    %dma_wait3A_293 = arith.constant 0 : i32
    %dma_wait3A_294 = tpu.memref_slice %arg16[%dma_wait3A_292, %dma_wait3A_293] : memref<10240x64xf32, #tpu.memory_space<vmem_shared>> -> memref<10240x64xf32, #tpu.memory_space<vmem_shared>>
    tpu.wait_indirect_dma semaphore(%arg30 : memref<!tpu.dma_semaphore, #tpu.memory_space<semaphore_mem>>) src(%arg13 : memref<80x64xf32, #tpu.memory_space<vmem>>) dst(%dma_wait3A_294 : memref<10240x64xf32, #tpu.memory_space<vmem_shared>>)
    %dma_wait3A_295 = arith.constant 254 : i32
    %dma_wait3A_296 = arith.constant 0 : i32
    %dma_wait3A_297 = tpu.memref_slice %arg7[%dma_wait3A_295, %dma_wait3A_296] : memref<256x80xi32, #tpu.memory_space<vmem>> -> memref<1x80xi32, #tpu.memory_space<vmem>>
    %dma_wait3A_298 = tpu.memref_squeeze %dma_wait3A_297 : memref<1x80xi32, #tpu.memory_space<vmem>> -> memref<80xi32, #tpu.memory_space<vmem>>
    %dma_wait3A_299 = arith.constant 0 : i32
    %dma_wait3A_300 = arith.constant 0 : i32
    %dma_wait3A_301 = tpu.memref_slice %arg16[%dma_wait3A_299, %dma_wait3A_300] : memref<10240x64xf32, #tpu.memory_space<vmem_shared>> -> memref<10240x64xf32, #tpu.memory_space<vmem_shared>>
    tpu.wait_indirect_dma semaphore(%arg31 : memref<!tpu.dma_semaphore, #tpu.memory_space<semaphore_mem>>) src(%arg14 : memref<80x64xf32, #tpu.memory_space<vmem>>) dst(%dma_wait3A_301 : memref<10240x64xf32, #tpu.memory_space<vmem_shared>>)
    %dma_wait3A_302 = arith.constant 255 : i32
    %dma_wait3A_303 = arith.constant 0 : i32
    %dma_wait3A_304 = tpu.memref_slice %arg7[%dma_wait3A_302, %dma_wait3A_303] : memref<256x80xi32, #tpu.memory_space<vmem>> -> memref<1x80xi32, #tpu.memory_space<vmem>>
    %dma_wait3A_305 = tpu.memref_squeeze %dma_wait3A_304 : memref<1x80xi32, #tpu.memory_space<vmem>> -> memref<80xi32, #tpu.memory_space<vmem>>
    %dma_wait3A_306 = arith.constant 0 : i32
    %dma_wait3A_307 = arith.constant 0 : i32
    %dma_wait3A_308 = tpu.memref_slice %arg16[%dma_wait3A_306, %dma_wait3A_307] : memref<10240x64xf32, #tpu.memory_space<vmem_shared>> -> memref<10240x64xf32, #tpu.memory_space<vmem_shared>>
    tpu.wait_indirect_dma semaphore(%arg32 : memref<!tpu.dma_semaphore, #tpu.memory_space<semaphore_mem>>) src(%arg15 : memref<80x64xf32, #tpu.memory_space<vmem>>) dst(%dma_wait3A_308 : memref<10240x64xf32, #tpu.memory_space<vmem_shared>>)
    %barrier3A_309 = arith.constant 0 : index
    tpu.barrier barrier_id(%barrier3A_309)
    %mul3A_310 = arith.constant 640 : i32
    %mul3A_311 = arith.muli %arg1, %mul3A_310 : i32
    %mul3A_312 = arith.constant 640 : i32
    %mul3A_313 = arith.muli %arg1, %mul3A_312 : i32
    "tpu.region"() ({
      %run_scoped3A = tpu.sem_alloc : memref<!tpu.dma_semaphore, #tpu.memory_space<semaphore_mem>>
      %dma_start3A_314 = arith.constant 0 : i32
      %dma_start3A_315 = tpu.memref_slice %arg5[%arg0, %mul3A_313, %dma_start3A_314] : memref<2x10240x64xf32, #tpu.memory_space<hbm>> -> memref<1x640x64xf32, #tpu.memory_space<hbm>>
      %dma_start3A_316 = tpu.memref_squeeze %dma_start3A_315 : memref<1x640x64xf32, #tpu.memory_space<hbm>> -> memref<640x64xf32, #tpu.memory_space<hbm>>
      %dma_start3A_317 = arith.constant 0 : i32
      %dma_start3A_318 = tpu.memref_slice %arg16[%mul3A_311, %dma_start3A_317] : memref<10240x64xf32, #tpu.memory_space<vmem_shared>> -> memref<640x64xf32, #tpu.memory_space<vmem_shared>>
      tpu.enqueue_dma source(%dma_start3A_318 : memref<640x64xf32, #tpu.memory_space<vmem_shared>>) target(%dma_start3A_316 : memref<640x64xf32, #tpu.memory_space<hbm>>) target_semaphore(%run_scoped3A : memref<!tpu.dma_semaphore, #tpu.memory_space<semaphore_mem>>)
      %dma_wait3A_319 = arith.constant 0 : i32
      %dma_wait3A_320 = tpu.memref_slice %arg5[%arg0, %mul3A_313, %dma_wait3A_319] : memref<2x10240x64xf32, #tpu.memory_space<hbm>> -> memref<1x640x64xf32, #tpu.memory_space<hbm>>
      %dma_wait3A_321 = tpu.memref_squeeze %dma_wait3A_320 : memref<1x640x64xf32, #tpu.memory_space<hbm>> -> memref<640x64xf32, #tpu.memory_space<hbm>>
      %dma_wait3A_322 = arith.constant 0 : i32
      %dma_wait3A_323 = tpu.memref_slice %arg16[%mul3A_311, %dma_wait3A_322] : memref<10240x64xf32, #tpu.memory_space<vmem_shared>> -> memref<640x64xf32, #tpu.memory_space<vmem_shared>>
      tpu.wait_dma2 semaphore(%run_scoped3A : memref<!tpu.dma_semaphore, #tpu.memory_space<semaphore_mem>>) src(%dma_wait3A_323 : memref<640x64xf32, #tpu.memory_space<vmem_shared>>) dst(%dma_wait3A_321 : memref<640x64xf32, #tpu.memory_space<hbm>>)
      tpu.yield
    }) : () -> ()
    return
  }
}

module attributes {stable_mosaic.version = 14 : i64} {
  func.func @_mm1_body(%arg0: i32, %arg1: memref<1024x128xf32, #tpu.memory_space<vmem>>, %arg2: memref<128x128xf32, #tpu.memory_space<vmem>>, %arg3: memref<2x1024x1xf32, #tpu.memory_space<vmem>>, %arg4: memref<2x1024x64xf32, #tpu.memory_space<vmem>>) attributes {dimension_semantics = [#tpu.dimension_semantics<arbitrary>], iteration_bounds = array<i64: 10>, scalar_prefetch = 0 : i64, scratch_operands = 0 : i64, tpu.core_type = #tpu.core_type<tc>, window_params = [{transform_indices = @transform_0, window_bounds = array<i64: 1024, 128>}, {pipeline_mode = #tpu.pipeline_mode<synchronous>, transform_indices = @transform_1, window_bounds = array<i64: 128, 128>}, {transform_indices = @transform_2, window_bounds = array<i64: 2, 1024, 1>}, {transform_indices = @transform_3, window_bounds = array<i64: 2, 1024, 64>}]} {
    %get3A = arith.constant 0 : index
    %get3A_0 = arith.constant 0 : index
    %get3A_1 = arith.constant 0 : index
    %get3A_2 = vector.load %arg3[%get3A, %get3A_0, %get3A_1] : memref<2x1024x1xf32, #tpu.memory_space<vmem>>, vector<1x1024x1xf32>
    %get3A_3 = vector.shape_cast %get3A_2 : vector<1x1024x1xf32> to vector<1024x1xf32>
    %get3A_4 = arith.constant 1 : index
    %get3A_5 = arith.constant 0 : index
    %get3A_6 = arith.constant 0 : index
    %get3A_7 = vector.load %arg3[%get3A_4, %get3A_5, %get3A_6] : memref<2x1024x1xf32, #tpu.memory_space<vmem>>, vector<1x1024x1xf32>
    %get3A_8 = vector.shape_cast %get3A_7 : vector<1x1024x1xf32> to vector<1024x1xf32>
    %add3A = arith.addf %get3A_3, %get3A_8 : vector<1024x1xf32>
    %gt3A = arith.constant 0.000000e+00 : f32
    %gt3A_9 = vector.broadcast %gt3A : f32 to vector<1024x1xf32>
    %gt3A_10 = arith.cmpf ogt, %add3A, %gt3A_9 : vector<1024x1xf32>
    %rsqrt3A = math.rsqrt %add3A : vector<1024x1xf32>
    %jit3A = arith.constant 0.000000e+00 : f32
    %broadcast_in_dim3A = vector.broadcast %jit3A : f32 to vector<1024x1xf32>
    %select_n3A = arith.select %gt3A_10, %rsqrt3A, %broadcast_in_dim3A : vector<1024x1xi1>, vector<1024x1xf32>
    %get3A_11 = arith.constant 0 : index
    %get3A_12 = arith.constant 0 : index
    %get3A_13 = vector.load %arg1[%get3A_11, %get3A_12] : memref<1024x128xf32, #tpu.memory_space<vmem>>, vector<1024x128xf32>
    %get3A_14 = arith.constant 0 : index
    %get3A_15 = arith.constant 0 : index
    %get3A_16 = vector.load %arg2[%get3A_14, %get3A_15] : memref<128x128xf32, #tpu.memory_space<vmem>>, vector<128x128xf32>
    %dot_general3A = arith.constant dense<0.000000e+00> : vector<1024x128xf32>
    %dot_general3A_17 = tpu.matmul %get3A_13, %get3A_16, %dot_general3A {dimension_numbers = #tpu.dot_dimension_numbers<[1], [0], [0], [1], [0, 0, 1, 1], [], []>, transpose_lhs_hint = false} : vector<1024x128xf32>, vector<128x128xf32>, vector<1024x128xf32> -> vector<1024x128xf32>
    %mul3A = vector.broadcast %select_n3A : vector<1024x1xf32> to vector<1024x128xf32>
    %mul3A_18 = arith.mulf %dot_general3A_17, %mul3A : vector<1024x128xf32>
    %slice3A = vector.extract_strided_slice %mul3A_18 {offsets = [0, 0], sizes = [1024, 64], strides = [1, 1]} : vector<1024x128xf32> to vector<1024x64xf32>
    %swap3A = arith.constant 0 : index
    %swap3A_19 = arith.constant 0 : index
    %swap3A_20 = arith.constant 0 : index
    %swap3A_21 = vector.load %arg4[%swap3A, %swap3A_19, %swap3A_20] : memref<2x1024x64xf32, #tpu.memory_space<vmem>>, vector<1x1024x64xf32>
    %swap3A_22 = vector.shape_cast %swap3A_21 : vector<1x1024x64xf32> to vector<1024x64xf32>
    %swap3A_23 = vector.shape_cast %slice3A : vector<1024x64xf32> to vector<1x1024x64xf32>
    tpu.vector_store %arg4[%swap3A, %swap3A_19, %swap3A_20], %swap3A_23 {strides = array<i32>} : memref<2x1024x64xf32, #tpu.memory_space<vmem>>, vector<1x1024x64xf32>,
    %slice3A_24 = vector.extract_strided_slice %mul3A_18 {offsets = [0, 64], sizes = [1024, 64], strides = [1, 1]} : vector<1024x128xf32> to vector<1024x64xf32>
    %swap3A_25 = arith.constant 1 : index
    %swap3A_26 = arith.constant 0 : index
    %swap3A_27 = arith.constant 0 : index
    %swap3A_28 = vector.load %arg4[%swap3A_25, %swap3A_26, %swap3A_27] : memref<2x1024x64xf32, #tpu.memory_space<vmem>>, vector<1x1024x64xf32>
    %swap3A_29 = vector.shape_cast %swap3A_28 : vector<1x1024x64xf32> to vector<1024x64xf32>
    %swap3A_30 = vector.shape_cast %slice3A_24 : vector<1024x64xf32> to vector<1x1024x64xf32>
    tpu.vector_store %arg4[%swap3A_25, %swap3A_26, %swap3A_27], %swap3A_30 {strides = array<i32>} : memref<2x1024x64xf32, #tpu.memory_space<vmem>>, vector<1x1024x64xf32>,
    return
  }
  func.func @transform_0(%arg0: i32) -> (i32, i32) {
    %c0_i32 = arith.constant 0 : i32
    %c0_i32_0 = arith.constant 0 : i32
    return %arg0, %c0_i32 : i32, i32
  }
  func.func @transform_1(%arg0: i32) -> (i32, i32) {
    %c0_i32 = arith.constant 0 : i32
    %c0_i32_0 = arith.constant 0 : i32
    %c0_i32_1 = arith.constant 0 : i32
    return %c0_i32, %c0_i32_0 : i32, i32
  }
  func.func @transform_2(%arg0: i32) -> (i32, i32, i32) {
    %c0_i32 = arith.constant 0 : i32
    %c0_i32_0 = arith.constant 0 : i32
    %c0_i32_1 = arith.constant 0 : i32
    return %c0_i32, %arg0, %c0_i32_0 : i32, i32, i32
  }
  func.func @transform_3(%arg0: i32) -> (i32, i32, i32) {
    %c0_i32 = arith.constant 0 : i32
    %c0_i32_0 = arith.constant 0 : i32
    %c0_i32_1 = arith.constant 0 : i32
    return %c0_i32, %arg0, %c0_i32_0 : i32, i32, i32
  }
}

module attributes {stable_mosaic.version = 14 : i64} {
  func.func @_mm2_body(%arg0: i32, %arg1: memref<2x1024x64xf32, #tpu.memory_space<vmem>>, %arg2: memref<2x1024x1xf32, #tpu.memory_space<vmem>>, %arg3: memref<1x128xf32, #tpu.memory_space<vmem>>, %arg4: memref<128x128xf32, #tpu.memory_space<vmem>>, %arg5: memref<2x1024x64xf32, #tpu.memory_space<vmem>>) attributes {dimension_semantics = [#tpu.dimension_semantics<arbitrary>], iteration_bounds = array<i64: 10>, scalar_prefetch = 0 : i64, scratch_operands = 0 : i64, tpu.core_type = #tpu.core_type<tc>, window_params = [{transform_indices = @transform_0, window_bounds = array<i64: 2, 1024, 64>}, {transform_indices = @transform_1, window_bounds = array<i64: 2, 1024, 1>}, {pipeline_mode = #tpu.pipeline_mode<synchronous>, transform_indices = @transform_2, window_bounds = array<i64: 1, 128>}, {pipeline_mode = #tpu.pipeline_mode<synchronous>, transform_indices = @transform_3, window_bounds = array<i64: 128, 128>}, {transform_indices = @transform_4, window_bounds = array<i64: 2, 1024, 64>}]} {
    %get3A = arith.constant 0 : index
    %get3A_0 = arith.constant 0 : index
    %get3A_1 = arith.constant 0 : index
    %get3A_2 = vector.load %arg2[%get3A, %get3A_0, %get3A_1] : memref<2x1024x1xf32, #tpu.memory_space<vmem>>, vector<1x1024x1xf32>
    %get3A_3 = vector.shape_cast %get3A_2 : vector<1x1024x1xf32> to vector<1024x1xf32>
    %get3A_4 = arith.constant 1 : index
    %get3A_5 = arith.constant 0 : index
    %get3A_6 = arith.constant 0 : index
    %get3A_7 = vector.load %arg2[%get3A_4, %get3A_5, %get3A_6] : memref<2x1024x1xf32, #tpu.memory_space<vmem>>, vector<1x1024x1xf32>
    %get3A_8 = vector.shape_cast %get3A_7 : vector<1x1024x1xf32> to vector<1024x1xf32>
    %add3A = arith.addf %get3A_3, %get3A_8 : vector<1024x1xf32>
    %gt3A = arith.constant 0.000000e+00 : f32
    %gt3A_9 = vector.broadcast %gt3A : f32 to vector<1024x1xf32>
    %gt3A_10 = arith.cmpf ogt, %add3A, %gt3A_9 : vector<1024x1xf32>
    %rsqrt3A = math.rsqrt %add3A : vector<1024x1xf32>
    %jit3A = arith.constant 0.000000e+00 : f32
    %broadcast_in_dim3A = vector.broadcast %jit3A : f32 to vector<1024x1xf32>
    %select_n3A = arith.select %gt3A_10, %rsqrt3A, %broadcast_in_dim3A : vector<1024x1xi1>, vector<1024x1xf32>
    %get3A_11 = arith.constant 0 : index
    %get3A_12 = arith.constant 0 : index
    %get3A_13 = arith.constant 0 : index
    %get3A_14 = vector.load %arg1[%get3A_11, %get3A_12, %get3A_13] : memref<2x1024x64xf32, #tpu.memory_space<vmem>>, vector<1x1024x64xf32>
    %get3A_15 = vector.shape_cast %get3A_14 : vector<1x1024x64xf32> to vector<1024x64xf32>
    %get3A_16 = arith.constant 1 : index
    %get3A_17 = arith.constant 0 : index
    %get3A_18 = arith.constant 0 : index
    %get3A_19 = vector.load %arg1[%get3A_16, %get3A_17, %get3A_18] : memref<2x1024x64xf32, #tpu.memory_space<vmem>>, vector<1x1024x64xf32>
    %get3A_20 = vector.shape_cast %get3A_19 : vector<1x1024x64xf32> to vector<1024x64xf32>
    %concatenate3A = tpu.concatenate %get3A_15, %get3A_20 in 1 : vector<1024x64xf32>, vector<1024x64xf32> -> vector<1024x128xf32>
    %mul3A = vector.broadcast %select_n3A : vector<1024x1xf32> to vector<1024x128xf32>
    %mul3A_21 = arith.mulf %concatenate3A, %mul3A : vector<1024x128xf32>
    %get3A_22 = arith.constant 0 : index
    %get3A_23 = arith.constant 0 : index
    %get3A_24 = vector.load %arg3[%get3A_22, %get3A_23] : memref<1x128xf32, #tpu.memory_space<vmem>>, vector<1x128xf32>
    %add3A_25 = vector.broadcast %get3A_24 : vector<1x128xf32> to vector<1024x128xf32>
    %add3A_26 = arith.addf %mul3A_21, %add3A_25 : vector<1024x128xf32>
    %max3A = arith.constant 0.000000e+00 : f32
    %max3A_27 = vector.broadcast %max3A : f32 to vector<1024x128xf32>
    %max3A_28 = arith.maximumf %add3A_26, %max3A_27 : vector<1024x128xf32>
    %get3A_29 = arith.constant 0 : index
    %get3A_30 = arith.constant 0 : index
    %get3A_31 = vector.load %arg4[%get3A_29, %get3A_30] : memref<128x128xf32, #tpu.memory_space<vmem>>, vector<128x128xf32>
    %dot_general3A = arith.constant dense<0.000000e+00> : vector<1024x128xf32>
    %dot_general3A_32 = tpu.matmul %max3A_28, %get3A_31, %dot_general3A {dimension_numbers = #tpu.dot_dimension_numbers<[1], [0], [0], [1], [0, 0, 1, 1], [], []>, transpose_lhs_hint = false} : vector<1024x128xf32>, vector<128x128xf32>, vector<1024x128xf32> -> vector<1024x128xf32>
    %mul3A_33 = vector.broadcast %select_n3A : vector<1024x1xf32> to vector<1024x128xf32>
    %mul3A_34 = arith.mulf %dot_general3A_32, %mul3A_33 : vector<1024x128xf32>
    %slice3A = vector.extract_strided_slice %mul3A_34 {offsets = [0, 0], sizes = [1024, 64], strides = [1, 1]} : vector<1024x128xf32> to vector<1024x64xf32>
    %swap3A = arith.constant 0 : index
    %swap3A_35 = arith.constant 0 : index
    %swap3A_36 = arith.constant 0 : index
    %swap3A_37 = vector.load %arg5[%swap3A, %swap3A_35, %swap3A_36] : memref<2x1024x64xf32, #tpu.memory_space<vmem>>, vector<1x1024x64xf32>
    %swap3A_38 = vector.shape_cast %swap3A_37 : vector<1x1024x64xf32> to vector<1024x64xf32>
    %swap3A_39 = vector.shape_cast %slice3A : vector<1024x64xf32> to vector<1x1024x64xf32>
    tpu.vector_store %arg5[%swap3A, %swap3A_35, %swap3A_36], %swap3A_39 {strides = array<i32>} : memref<2x1024x64xf32, #tpu.memory_space<vmem>>, vector<1x1024x64xf32>,
    %slice3A_40 = vector.extract_strided_slice %mul3A_34 {offsets = [0, 64], sizes = [1024, 64], strides = [1, 1]} : vector<1024x128xf32> to vector<1024x64xf32>
    %swap3A_41 = arith.constant 1 : index
    %swap3A_42 = arith.constant 0 : index
    %swap3A_43 = arith.constant 0 : index
    %swap3A_44 = vector.load %arg5[%swap3A_41, %swap3A_42, %swap3A_43] : memref<2x1024x64xf32, #tpu.memory_space<vmem>>, vector<1x1024x64xf32>
    %swap3A_45 = vector.shape_cast %swap3A_44 : vector<1x1024x64xf32> to vector<1024x64xf32>
    %swap3A_46 = vector.shape_cast %slice3A_40 : vector<1024x64xf32> to vector<1x1024x64xf32>
    tpu.vector_store %arg5[%swap3A_41, %swap3A_42, %swap3A_43], %swap3A_46 {strides = array<i32>} : memref<2x1024x64xf32, #tpu.memory_space<vmem>>, vector<1x1024x64xf32>,
    return
  }
  func.func @transform_0(%arg0: i32) -> (i32, i32, i32) {
    %c0_i32 = arith.constant 0 : i32
    %c0_i32_0 = arith.constant 0 : i32
    %c0_i32_1 = arith.constant 0 : i32
    return %c0_i32, %arg0, %c0_i32_0 : i32, i32, i32
  }
  func.func @transform_1(%arg0: i32) -> (i32, i32, i32) {
    %c0_i32 = arith.constant 0 : i32
    %c0_i32_0 = arith.constant 0 : i32
    %c0_i32_1 = arith.constant 0 : i32
    return %c0_i32, %arg0, %c0_i32_0 : i32, i32, i32
  }
  func.func @transform_2(%arg0: i32) -> (i32, i32) {
    %c0_i32 = arith.constant 0 : i32
    %c0_i32_0 = arith.constant 0 : i32
    %c0_i32_1 = arith.constant 0 : i32
    return %c0_i32, %c0_i32_0 : i32, i32
  }
  func.func @transform_3(%arg0: i32) -> (i32, i32) {
    %c0_i32 = arith.constant 0 : i32
    %c0_i32_0 = arith.constant 0 : i32
    %c0_i32_1 = arith.constant 0 : i32
    return %c0_i32, %c0_i32_0 : i32, i32
  }
  func.func @transform_4(%arg0: i32) -> (i32, i32, i32) {
    %c0_i32 = arith.constant 0 : i32
    %c0_i32_0 = arith.constant 0 : i32
    %c0_i32_1 = arith.constant 0 : i32
    return %c0_i32, %arg0, %c0_i32_0 : i32, i32, i32
  }
}

module attributes {stable_mosaic.version = 14 : i64} {
  func.func @_fin_body(%arg0: i32, %arg1: memref<2x1024x64xf32, #tpu.memory_space<vmem>>, %arg2: memref<2x1024x1xf32, #tpu.memory_space<vmem>>, %arg3: memref<1x128xf32, #tpu.memory_space<vmem>>, %arg4: memref<1024x128xf32, #tpu.memory_space<vmem>>) attributes {dimension_semantics = [#tpu.dimension_semantics<arbitrary>], iteration_bounds = array<i64: 10>, scalar_prefetch = 0 : i64, scratch_operands = 0 : i64, tpu.core_type = #tpu.core_type<tc>, window_params = [{transform_indices = @transform_0, window_bounds = array<i64: 2, 1024, 64>}, {transform_indices = @transform_1, window_bounds = array<i64: 2, 1024, 1>}, {pipeline_mode = #tpu.pipeline_mode<synchronous>, transform_indices = @transform_2, window_bounds = array<i64: 1, 128>}, {transform_indices = @transform_3, window_bounds = array<i64: 1024, 128>}]} {
    %get3A = arith.constant 0 : index
    %get3A_0 = arith.constant 0 : index
    %get3A_1 = arith.constant 0 : index
    %get3A_2 = vector.load %arg2[%get3A, %get3A_0, %get3A_1] : memref<2x1024x1xf32, #tpu.memory_space<vmem>>, vector<1x1024x1xf32>
    %get3A_3 = vector.shape_cast %get3A_2 : vector<1x1024x1xf32> to vector<1024x1xf32>
    %get3A_4 = arith.constant 1 : index
    %get3A_5 = arith.constant 0 : index
    %get3A_6 = arith.constant 0 : index
    %get3A_7 = vector.load %arg2[%get3A_4, %get3A_5, %get3A_6] : memref<2x1024x1xf32, #tpu.memory_space<vmem>>, vector<1x1024x1xf32>
    %get3A_8 = vector.shape_cast %get3A_7 : vector<1x1024x1xf32> to vector<1024x1xf32>
    %add3A = arith.addf %get3A_3, %get3A_8 : vector<1024x1xf32>
    %gt3A = arith.constant 0.000000e+00 : f32
    %gt3A_9 = vector.broadcast %gt3A : f32 to vector<1024x1xf32>
    %gt3A_10 = arith.cmpf ogt, %add3A, %gt3A_9 : vector<1024x1xf32>
    %rsqrt3A = math.rsqrt %add3A : vector<1024x1xf32>
    %jit3A = arith.constant 0.000000e+00 : f32
    %broadcast_in_dim3A = vector.broadcast %jit3A : f32 to vector<1024x1xf32>
    %select_n3A = arith.select %gt3A_10, %rsqrt3A, %broadcast_in_dim3A : vector<1024x1xi1>, vector<1024x1xf32>
    %get3A_11 = arith.constant 0 : index
    %get3A_12 = arith.constant 0 : index
    %get3A_13 = arith.constant 0 : index
    %get3A_14 = vector.load %arg1[%get3A_11, %get3A_12, %get3A_13] : memref<2x1024x64xf32, #tpu.memory_space<vmem>>, vector<1x1024x64xf32>
    %get3A_15 = vector.shape_cast %get3A_14 : vector<1x1024x64xf32> to vector<1024x64xf32>
    %get3A_16 = arith.constant 1 : index
    %get3A_17 = arith.constant 0 : index
    %get3A_18 = arith.constant 0 : index
    %get3A_19 = vector.load %arg1[%get3A_16, %get3A_17, %get3A_18] : memref<2x1024x64xf32, #tpu.memory_space<vmem>>, vector<1x1024x64xf32>
    %get3A_20 = vector.shape_cast %get3A_19 : vector<1x1024x64xf32> to vector<1024x64xf32>
    %concatenate3A = tpu.concatenate %get3A_15, %get3A_20 in 1 : vector<1024x64xf32>, vector<1024x64xf32> -> vector<1024x128xf32>
    %mul3A = vector.broadcast %select_n3A : vector<1024x1xf32> to vector<1024x128xf32>
    %mul3A_21 = arith.mulf %concatenate3A, %mul3A : vector<1024x128xf32>
    %get3A_22 = arith.constant 0 : index
    %get3A_23 = arith.constant 0 : index
    %get3A_24 = vector.load %arg3[%get3A_22, %get3A_23] : memref<1x128xf32, #tpu.memory_space<vmem>>, vector<1x128xf32>
    %add3A_25 = vector.broadcast %get3A_24 : vector<1x128xf32> to vector<1024x128xf32>
    %add3A_26 = arith.addf %mul3A_21, %add3A_25 : vector<1024x128xf32>
    %swap3A = arith.constant 0 : index
    %swap3A_27 = arith.constant 0 : index
    %swap3A_28 = vector.load %arg4[%swap3A, %swap3A_27] : memref<1024x128xf32, #tpu.memory_space<vmem>>, vector<1024x128xf32>
    tpu.vector_store %arg4[%swap3A, %swap3A_27], %add3A_26 {strides = array<i32>} : memref<1024x128xf32, #tpu.memory_space<vmem>>, vector<1024x128xf32>,
    return
  }
  func.func @transform_0(%arg0: i32) -> (i32, i32, i32) {
    %c0_i32 = arith.constant 0 : i32
    %c0_i32_0 = arith.constant 0 : i32
    %c0_i32_1 = arith.constant 0 : i32
    return %c0_i32, %arg0, %c0_i32_0 : i32, i32, i32
  }
  func.func @transform_1(%arg0: i32) -> (i32, i32, i32) {
    %c0_i32 = arith.constant 0 : i32
    %c0_i32_0 = arith.constant 0 : i32
    %c0_i32_1 = arith.constant 0 : i32
    return %c0_i32, %arg0, %c0_i32_0 : i32, i32, i32
  }
  func.func @transform_2(%arg0: i32) -> (i32, i32) {
    %c0_i32 = arith.constant 0 : i32
    %c0_i32_0 = arith.constant 0 : i32
    %c0_i32_1 = arith.constant 0 : i32
    return %c0_i32, %c0_i32_0 : i32, i32
  }
  func.func @transform_3(%arg0: i32) -> (i32, i32) {
    %c0_i32 = arith.constant 0 : i32
    %c0_i32_0 = arith.constant 0 : i32
    return %arg0, %c0_i32 : i32, i32
  }
}

</mosaic_0001>

<sc_bundles>
// kernel: kernel.11.cloned.1.call-start
scs
__scs_entry_jumppad:
0x0: {  	(pc) =	sbr.rel $0x88, $3  }
0x1: {  	(tag) =	ssettag $0x0;
	lr =	simm.s32 $0x1  }
0x2: {  	[smem:$0x3F9B] =	sst lr;
	_ =	strace $0xD0000000  }
0x3: {  	_ = 	snop  }
0x4: {  	_ = 	snop  }
0x5: {  	_ = 	snop  }
0x6: {  	_ = 	snop  }
0x7: {  	_ = 	snop  }
__scs_overlays_trampoline_lowered:
0x8: {  	[smem:$0x3FAA] =	sst s0  }
0x9: {  	[smem:$0x3FAB] =	sst s1  }
0xa: {  	[smem:$0x3FAC] =	sst s2  }
0xb: {  	[smem:$0x3FAD] =	sst s3  }
0xc: {  	[smem:$0x3FAE] =	sst s4  }
0xd: {  	[smem:$0x3FAF] =	sst s5  }
0xe: {  	[smem:$0x3FB0] =	sst s6  }
0xf: {  	[smem:$0x3FB1] =	sst s7  }
0x10: {  	[smem:$0x3FB2] =	sst s8  }
0x11: {  	[smem:$0x3FB3] =	sst s9;
	s0 =	simm.s32 @!p0 $0x0  }
0x12: {  	s1 =	sld [smem:$0x3F99];
	s0 =	simm.s32 @p0 $0x1  }
0x13: {  	[smem:$0x3FB4] =	sst s0;
	s0 =	simm.s32 @!p1 $0x0  }
0x14: {  	s2 =	sld [smem:$0x3F98];
	s0 =	simm.s32 @p1 $0x1  }
0x15: {  	[smem:$0x3FB5] =	sst s0;
	s0 =	simm.s32 @!p2 $0x0  }
0x16: {  	s3 =	sld [smem:$0x3FDB];
	s0 =	simm.s32 @p2 $0x1  }
0x17: {  	s4 =	simm.s32 $0x1BF5;
	[smem:$0x3FB7] =	sst s0  }
0x18: {  	s0 =	sld [smem:$0x3F9A];
	_ =	swait.ge [sflag:s4], $0x0  }
0x19: {  	s7 =	sld [smem:$0x3F9B]  }
0x1a: {  	s8 =	sadd.s32 $0xFFFFE003, lr  }
0x1b: {  	s9 =	sadd.s32 $0xFFFFFEF7, lr;
	s5 =	simm.s32 $0xFFFFFFFF;
	p2 =	slt.u32 s8, $0xFFFFF086  }
0x1c: {  	p1 =	slt.u32 s9, $0xF7A;
	s5 =	simm.s32 @!p2 $0x0  }
0x1d: {  	s5 =	simm.s32 @p1 $0x1;
	p0 =	seq.s32 s7, s2  }
0x1e: {  	s7 =	smul.u32 @!p0 $0xF7A, s2;
	p2 =	seq.s32 @!p0 s5, $0x0  }
0x1f: {  	s9 =	smul.u32 $0xF7A, s1;
	s8 =	simm.s32 @!p0 $0x1BF5;
	p2 =	por !p2, p0  }
0x20: {  	[sflag:s8] =	ssyncset.s32 @!p0 $0xFFFFF086;
	s6 =	sadd.s32 @!p0 s3, s7;
	s7 =	simm.s32 @!p0 $0x108  }
0x21: {  	s3 =	sadd.s32 s3, s9;
	s6 =	sadd.s32 @!p0 $0x88, s6;
	s7 =	simm.s32 @p2 $0x1082  }
0x22: {  	[simem:s7], [sflag:s8] =	dma.local @!p0 [hbm:s6], $0xF7A  }
0x23: {  	s9 =	sor.u32 $0xD0000000, s2;
	s6 =	simm.s32 $0x108;
	_ =	swait.ge @!p0 [sflag:s8], $0x0  }
0x24: {  	s3 =	sadd.s32 $0x88, s3;
	s6 =	simm.s32 @!p1 $0x1082;
	[sflag:s4] =	ssyncset.s32 $0xFFFFF086  }
0x25: {  	[simem:s6], [sflag:s4] =	dma.local [hbm:s3], $0xF7A  }
0x26: {  	[smem:$0x3F9B] =	sst s1;
	(tag) =	ssettag s2;
	_ =	strace s9  }
0x27: {  	s1 =	sld [smem:$0x3FAB]  }
0x28: {  	s2 =	sld [smem:$0x3FAC]  }
0x29: {  	s4 =	sld [smem:$0x3FAE]  }
0x2a: {  	p0 =	seq.s32 s5, $0x0;
	s5 =	sld [smem:$0x3FAF]  }
0x2b: {  	s6 =	sld [smem:$0x3FB0]  }
0x2c: {  	s7 =	sld [smem:$0x3FB1]  }
0x2d: {  	s3 =	simm.s32 $0x108;
	s8 =	sld [smem:$0x3FB2]  }
0x2e: {  	s3 =	simm.s32 @!p0 $0x1082;
	s9 =	sld [smem:$0x3FB3]  }
0x2f: {  	lr =	sadd.s32 s0, s3;
	s0 =	sld [smem:$0x3FAA]  }
0x30: {  	s3 =	sld [smem:$0x3FAD]  }
0x31: {  	[smem:$0x3FB6] =	sst s10  }
0x32: {  	s10 =	sld [smem:$0x3FB4];
	_ =	sdelay $0x3  }
0x33: {  	p0 =	seq.s32 s10, $0x1;
	s10 =	sld [smem:$0x3FB6];
	_ =	sdelay $0x3  }
0x34: {  	[smem:$0x3FB6] =	sst s10  }
0x35: {  	s10 =	sld [smem:$0x3FB5];
	_ =	sdelay $0x3  }
0x36: {  	p1 =	seq.s32 s10, $0x1;
	s10 =	sld [smem:$0x3FB6];
	_ =	sdelay $0x3  }
0x37: {  	[smem:$0x3FB6] =	sst s10  }
0x38: {  	s10 =	sld [smem:$0x3FB7]  }
0x39: {  	_ = 	snop;
	(pc) =	sbr.ind lr, $3  }
0x3a: {  	_ = 	snop  }
0x3b: {  	_ = 	snop  }
0x3c: {  	p2 =	seq.s32 s10, $0x1;
	s10 =	sld [smem:$0x3FB6]  }
0x3d: {  	_ =	shalt  }
0x3e: {  	_ =	shalt  }
0x3f: {  	_ =	shalt  }
0x40: {  	_ =	shalt  }
0x41: {  	_ =	shalt  }
0x42: {  	_ =	shalt  }
0x43: {  	_ =	shalt  }
0x44: {  	_ =	shalt  }
0x45: {  	_ =	shalt  }
0x46: {  	_ =	shalt  }
0x47: {  	_ =	shalt  }
0x48: {  	_ =	shalt  }
0x49: {  	_ =	shalt  }
0x4a: {  	_ =	shalt  }
0x4b: {  	_ =	shalt  }
0x4c: {  	_ =	shalt  }
0x4d: {  	_ =	shalt  }
0x4e: {  	_ =	shalt  }
0x4f: {  	_ =	shalt  }
0x50: {  	_ =	shalt  }
0x51: {  	_ =	shalt  }
0x52: {  	_ =	shalt  }
0x53: {  	_ =	shalt  }
0x54: {  	_ =	shalt  }
0x55: {  	_ =	shalt  }
0x56: {  	_ =	shalt  }
0x57: {  	_ =	shalt  }
0x58: {  	_ =	shalt  }
0x59: {  	_ =	shalt  }
0x5a: {  	_ =	shalt  }
0x5b: {  	_ =	shalt  }
0x5c: {  	_ =	shalt  }
0x5d: {  	_ =	shalt  }
0x5e: {  	_ =	shalt  }
0x5f: {  	_ =	shalt  }
0x60: {  	_ =	shalt  }
0x61: {  	_ =	shalt  }
0x62: {  	_ =	shalt  }
0x63: {  	_ =	shalt  }
0x64: {  	_ =	shalt  }
0x65: {  	_ =	shalt  }
0x66: {  	_ =	shalt  }
0x67: {  	_ =	shalt  }
0x68: {  	_ =	shalt  }
0x69: {  	_ =	shalt  }
0x6a: {  	_ =	shalt  }
0x6b: {  	_ =	shalt  }
0x6c: {  	_ =	shalt  }
0x6d: {  	_ =	shalt  }
0x6e: {  	_ =	shalt  }
0x6f: {  	_ =	shalt  }
0x70: {  	_ =	shalt  }
0x71: {  	_ =	shalt  }
0x72: {  	_ =	shalt  }
0x73: {  	_ =	shalt  }
0x74: {  	_ =	shalt  }
0x75: {  	_ =	shalt  }
0x76: {  	_ =	shalt  }
0x77: {  	_ =	shalt  }
0x78: {  	_ =	shalt  }
0x79: {  	_ =	shalt  }
0x7a: {  	_ =	shalt  }
0x7b: {  	_ =	shalt  }
0x7c: {  	_ =	shalt  }
0x7d: {  	_ =	shalt  }
0x7e: {  	_ =	shalt  }
0x7f: {  	_ =	shalt  }
0x80: {  	_ =	shalt  }
0x81: {  	_ =	shalt  }
0x82: {  	_ =	shalt  }
0x83: {  	_ =	shalt  }
0x84: {  	_ =	shalt  }
0x85: {  	_ =	shalt  }
0x86: {  	_ =	shalt  }
0x87: {  	_ =	shalt  }
.Lfunc_end0:
.L_simem_size_0:
called_computation.1_lowered:
.L_overlay_start_0:
0x88: {  	s2 =	sld [smem:$0x3FD9]  }
0x89: {  	s3 =	sld [smem:$0x3FFE];
	_ =	sdelay $0x1  }
0x8a: {  	s1 =	srdreg.scid  }
0x8b: {  	s0 =	sand.u32 $0x1, s1  }
0x8c: {  	s16 =	sshll.u32 s0, $0xA;
	s2 =	sadd.s32 s3, s2  }
0x8d: {  	s2 =	sadd.s32 s2, s16  }
0x8e: {  	[smem:$0x3FC2] =	sst s2  }
0x8f: {  	_ = 	snop  }
0x90: {  	(tm) =	ssettm $0x1  }
0x91: {  	s17 =	sld [smem:$0x3FFB];
	_ =	sdelay $0x3  }
0x92: {  	_ =	strace s17  }
0x93: {  	s2 =	sld [smem:$0x3FFC];
	_ =	sdelay $0x3  }
0x94: {  	_ =	strace s2  }
0x95: {  	s2 =	sld [smem:$0x3FFD];
	_ =	sdelay $0x3  }
0x96: {  	_ =	strace s2  }
0x97: {  	_ =	strace $0x8FFFFFFF  }
0x98: {  	s18 =	sld [smem:$0x3FDB];
	_ =	sdelay $0x1  }
0x99: {  	s19 =	simm.s32 $_scs_section_size  }
0x9a: {  	s4 =	simm.s32 $_size__tile_overlayer_lowered;
	s5 =	simm.s32 $_tile_overlayer_lowered  }
0x9b: {  	s22 =	simm.s32 $0x1BFF;
	s21 =	sshll.u32 s5, $0x1;
	s2 =	sadd.s32 s19, s18  }
0x9c: {  	s6 =	simm.s32 $0x0;
	s20 =	sshll.u32 s4, $0x1;
	s4 =	sadd.s32 s21, s2  }
0x9d: {  	[timem:s6], [sflag:s22] =	dma.local [hbm:s4], s20  }
0x9e: {  	_ =	swait.ge [sflag:s22], s20  }
0x9f: {  	s3 =	ssub.s32 $0x0, s20;
	[sflag:s22] =	ssyncset.done $0x0  }
0xa0: {  	[sflag:s22] =	ssyncadd.s32 s3;
	_ =	sdelay $0x1  }
0xa1: {  	s23 =	simm.s32 $0x1B8B  }
0xa2: {  	_ =	swait.ge [sflag:s23], $0x1  }
0xa3: {  	[sflag:s23] =	ssyncset.done $0x0  }
0xa4: {  	s25 =	simm.s32 $0x1B8E;
	s24 =	sld [smem:$0x3FFE];
	[sflag:s23] =	ssyncadd.s32 $0xFFFFFFFF  }
0xa5: {  	s26 =	simm.s32 $execute0_lowered;
	[smem:$0x3FD2] =	sst s25  }
0xa6: {  	s4 =	sshll.u32 s26, $0x1;
	_ =	strace $0x80000049;
	[dreg:$0x1] =	wrdreg $0xFFFFFFFF  }
0xa7: {  	s28 =	simm.s32 $_size_execute0_lowered;
	s2 =	sadd.s32 s2, s4;
	[dreg:$0x0] =	wrdreg $0x0  }
0xa8: {  	s4 =	sshll.u32 s28, $0x1;
	[dreg:$0x2] =	wrdreg s2  }
0xa9: {  	[dreg:$0x3] =	wrdreg s4  }
0xaa: {  	[dreg:$0x4] =	wrdreg $0xC0  }
0xab: {  	_ =	task [dreg:s6], $0x5FFFF  }
0xac: {  	[dreg:$0x1] =	wrdreg $0xFFFFFFFF  }
0xad: {  	[dreg:$0x0] =	wrdreg $0x60  }
0xae: {  	[dreg:$0x2] =	wrdreg s24  }
0xaf: {  	[dreg:$0x3] =	wrdreg $0x140000  }
0xb0: {  	[dreg:$0x4] =	wrdreg $0x9  }
0xb1: {  	_ =	task.clear_ibuf [dreg:s6], $0x5FFFF;
	_ =	strace $0x90000049  }
0xb2: {  	s29 =	simm.s32 $0x9;
	_ =	strace $0x8000004B  }
0xb3: {  	_ =	swait.ge [sflag:s29], $0x1  }
0xb4: {  	[sflag:s29] =	ssyncadd.s32 $0xFFFFFFFF  }
0xb5: {  	_ =	strace $0x9000004B  }
0xb6: {  	_ =	sfence  }
0xb7: {  	s30 =	sld [smem:$0x0];
	_ =	sdelay $0x2  }
0xb8: {  	s31 =	sshll.u32 s1, $0xD;
	s1 =	sshrl.u32 s1, $0x2  }
0xb9: {  	s3 =	sand.u32 $0x4000, s31;
	s1 =	sadd.s32 s1, s30  }
0xba: {  	s0 =	sor.u32 s3, s0;
	s1 =	sshll.u32 s1, $0x11  }
0xbb: {  	s0 =	sor.u32 s1, s0  }
0xbc: {  	s0 =	sadd.s32 $0x8F2B, s0  }
0xbd: {  	[sflag:s0] =	ssyncadd.remote.s32 $0x1  }
0xbe: {  	_ =	sfence.sel $0xFFFF  }
0xbf: {  	[dreg:$0x0] =	wrdreg $0xFFFFFFFF;
	(pc) =	sbr.abs _section_cstart, $3  }
0xc0: {  	[dreg:$0x1] =	wrdreg $0xFFFFFFFF  }
0xc1: {  	_ =	task.clear_ibuf [dreg:s6], $0x2FFFF;
	_ =	strace $0x9FFFFFFF  }
0xc2: {  	(tm) =	ssettm $0x7FFFFFFF  }
0xc3: {  	_ =	shalt  }
tec
execute0_lowered:
.L_overlay_start_1:
0x0: {  	(tag) =	ssettag $0x1  }
0x1: {  	s0 =	rddreg [dreg:$0x0];
	s8 =	stileid.u32  }
0x2: {  	s1 =	srdreg.scid;
	s2 =	rddreg [dreg:$0x1];
	s5 =	simm.s32 $0x0  }
0x3: {  	s19 =	simm.s32 $0x50;
	s29 =	simm.s32 $0xF000;
	s31 =	simm.s32 $0x10400  }
0x4: {  	s28 =	simm.s32 $0x1;
	s30 =	simm.s32 $0x2;
	s9 =	simm.s32 $0x9  }
0x5: {  	s10 =	simm.s32 $0xA;
	s11 =	simm.s32 $0xB;
	s3 =	smul.u32 $0xA00, s8  }
0x6: {  	s12 =	simm.s32 $0xC;
	s13 =	simm.s32 $0xD;
	s15 =	smul.u32 $0xA000, s8  }
0x7: {  	s14 =	simm.s32 $0xE;
	s1 =	sand.u32 $0x1, s1;
	s8 =	smul.u32 $0x28000, s8  }
0x8: {  	[smem:$0x7FF] =	sst s5;
	s5 =	simm.s32 $0x7;
	s4 =	smul.u32 $0xA0000, s1  }
0x9: {  	_ =	strace $0x8000004A;
	s1 =	ssub.s32 $0x2, s1;
	s3 =	sadd.s32 s3, s0  }
0xa: {  	s7 =	sshrl.u32 s1, $0x1;
	s17 =	sshrl.u32 s8, $0x2;
	s18 =	sadd.s32 s15, s2  }
0xb: {  	s8 =	simm.s32 $0x0;
	s6 =	sshrl.u32 s4, $0x3;
	s4 =	sadd.s32 s15, s4  }
0xc: {  	s1 =	ssub.s32 s1, s7;
	s16 =	sadd.s32 $0xC000, s3;
	s3 =	sadd.s32 $0x1600, s3  }
0xd: {  	s7 =	simm.s32 $0x8;
	s15 =	simm.s32 $0xF;
	[dreg:$0x3] =	wrdreg s16  }
0xe: {  	s6 =	sadd.s32 s6, s0;
	[dreg:$0x4] =	wrdreg s3;
	s1 =	smax.u32 s1, $0x1  }
0xf: {  	s4 =	sshrl.u32 s4, $0x3;
	s3 =	sadd.s32 s17, s2;
	[dreg:$0x7] =	wrdreg s1  }
0x10: {  	s17 =	simm.s32 $0x11;
	s20 =	sadd.s32 $0x1400, s3;
	[dreg:$0x6] =	wrdreg s3  }
0x11: {  	s16 =	simm.s32 $0x10;
	s21 =	sadd.s32 $0x2800, s3;
	[dreg:$0x8] =	wrdreg s20  }
0x12: {  	s0 =	sadd.s32 s4, s0;
	s22 =	sadd.s32 $0x3C00, s3;
	[dreg:$0x9] =	wrdreg s21  }
0x13: {  	s6 =	sadd.s32 $0x66000, s6;
	s23 =	sadd.s32 $0x5000, s3;
	[dreg:$0xa] =	wrdreg s22  }
0x14: {  	s24 =	sadd.s32 $0x6400, s3;
	s25 =	sadd.s32 $0x7800, s3;
	[dreg:$0xb] =	wrdreg s23  }
0x15: {  	s26 =	sadd.s32 $0x8C00, s3;
	s1 =	simm.s32 $0x4;
	[dreg:$0xc] =	wrdreg s24  }
0x16: {  	s4 =	simm.s32 $0x6;
	s0 =	sadd.s32 $0x8E000, s0;
	[dreg:$0xd] =	wrdreg s25  }
0x17: {  	[dreg:$0xe] =	wrdreg s26;
	s20 =	simm.s32 $0xA000;
	s21 =	simm.s32 $0xB400  }
0x18: {  	s23 =	simm.s32 $0xC800;
	s26 =	simm.s32 $0xDC00;
	s22 =	simm.s32 $0x12C00  }
0x19: {  	s24 =	simm.s32 $0x5;
	[dreg:$0x5] =	wrdreg s0;
	s0 =	sshrl.u32 s18, $0x3  }
0x1a: {  	v0 =	vimm.f32 $0.0e+00;
	s18 =	simm.s32 $0x11800;
	[dreg:$0xf] =	wrdreg s0;
	s0 =	simm.s32 $0x3  }
.LBB2_1:
0x1b: {  	[dreg:$0x10] =	wrdreg s8  }
0x1c: {  	s3 =	simm.s32 $0x0;
	s25 =	rddreg [dreg:$0x3]  }
0x1d: {  	[tilespmem:s3], [sflag:$0x11] =	stream.linear.gather [hbm4b:s25+s3], $0x5000, $0x38;
	[tilespmem:$0x1E000] =	vst v63  }
0x1e: {  	_ =	swait.ge [sflag:s17], $0x5000  }
0x1f: {  	[sflag:s17] =	ssyncset.done $0x0  }
0x20: {  	s25 =	simm.s32 $0x5000;
	s8 =	rddreg [dreg:$0x4];
	[sflag:s17] =	ssyncadd.s32 $0xFFFFB000  }
0x21: {  	[tilespmem:s25], [sflag:$0x11] =	stream.linear.gather [hbm4b:s8+s3], $0x5000, $0x38;
	[tilespmem:$0x1E000] =	vst v63  }
0x22: {  	_ =	swait.ge [sflag:s17], $0x5000  }
0x23: {  	[sflag:s17] =	ssyncset.done $0x0  }
0x24: {  	[sflag:s17] =	ssyncadd.s32 $0xFFFFB000  }
0x25: {  	[tilespmem:s20], [sflag:$0x1] =	stream.indirect.gather [hbm4b:s6+s19], $0x40, s3, s19, $0xb8;
	[tilespmem:$0x1E000] =	vst v63  }
0x26: {  	_ = 	snop  }
0x27: {  	[tilespmem:s21], [sflag:$0x2] =	stream.indirect.gather [hbm4b:s6+s19], $0x40, s19, s19, $0xb8;
	[tilespmem:$0x1E000] =	vst v63  }
0x28: {  	s25 =	simm.s32 $0xA0  }
0x29: {  	[tilespmem:s23], [sflag:$0x3] =	stream.indirect.gather [hbm4b:s6+s19], $0x40, s25, s19, $0xb8;
	[tilespmem:$0x1E000] =	vst v63  }
0x2a: {  	s8 =	simm.s32 $0xF0  }
0x2b: {  	[tilespmem:s26], [sflag:$0x4] =	stream.indirect.gather [hbm4b:s6+s19], $0x40, s8, s19, $0xb8;
	[tilespmem:$0x1E000] =	vst v63  }
0x2c: {  	s25 =	simm.s32 $0x140  }
0x2d: {  	[tilespmem:s29], [sflag:$0x5] =	stream.indirect.gather [hbm4b:s6+s19], $0x40, s25, s19, $0xb8;
	[tilespmem:$0x1E000] =	vst v63  }
0x2e: {  	s8 =	simm.s32 $0x190  }
0x2f: {  	[tilespmem:s31], [sflag:$0x6] =	stream.indirect.gather [hbm4b:s6+s19], $0x40, s8, s19, $0xb8;
	[tilespmem:$0x1E000] =	vst v63  }
0x30: {  	s3 =	simm.s32 $0x0;
	s25 =	simm.s32 $0x1E0;
	s8 =	simm.s32 $0x100  }
0x31: {  	[tilespmem:s18], [sflag:$0x7] =	stream.indirect.gather [hbm4b:s6+s19], $0x40, s25, s19, $0xb8;
	[tilespmem:$0x1E000] =	vst v63  }
.LBB2_2:
0x32: {  	p0 =	sne.s32 s8, $0x4F00;
	[tilespmem:s3+$0x12C30] =	vst v0;
	s25 =	smov.u32 s8;
	s8 =	sadd.s32 $0x100, s8  }
.Ltmp0:
0x33: {  	[tilespmem:s3+$0x12C20] =	vst v0;
	(pc) =	sbr.rel @p0 .LBB2_2-.Ltmp0, $3  }
0x34: {  	[tilespmem:s3+$0x12C00] =	vst v0  }
0x35: {  	[tilespmem:s3+$0x12C10] =	vst v0;
	_ =	sdelay $0x1  }
0x36: {  	s3 =	sshra.s32 s25, $0x2  }
0x37: {  	[tilespmem:s3+$0x12C30] =	vst v0  }
0x38: {  	[tilespmem:s3+$0x12C20] =	vst v0  }
0x39: {  	[tilespmem:s3+$0x12C00] =	vst v0  }
0x3a: {  	[tilespmem:s3+$0x12C10] =	vst v0;
	s8 =	rddreg [dreg:$0x6]  }
0x3b: {  	[spmem:s8] =	stream.linear.scatter [tilespmem:s22], [sflag:$0x11], $0x1400, $0x38;
	[tilespmem:$0x1E000] =	vst v63  }
0x3c: {  	_ =	swait.ge [sflag:s17], $0x1400  }
0x3d: {  	[sflag:s17] =	ssyncset.done $0x0  }
0x3e: {  	s25 =	rddreg [dreg:$0x8];
	[sflag:s17] =	ssyncadd.s32 $0xFFFFEC00  }
0x3f: {  	[spmem:s25] =	stream.linear.scatter [tilespmem:s22], [sflag:$0x11], $0x1400, $0x38;
	[tilespmem:$0x1E000] =	vst v63  }
0x40: {  	_ =	swait.ge [sflag:s17], $0x1400  }
0x41: {  	[sflag:s17] =	ssyncset.done $0x0  }
0x42: {  	s8 =	rddreg [dreg:$0x9];
	[sflag:s17] =	ssyncadd.s32 $0xFFFFEC00  }
0x43: {  	[spmem:s8] =	stream.linear.scatter [tilespmem:s22], [sflag:$0x11], $0x1400, $0x38;
	[tilespmem:$0x1E000] =	vst v63  }
0x44: {  	_ =	swait.ge [sflag:s17], $0x1400  }
0x45: {  	[sflag:s17] =	ssyncset.done $0x0  }
0x46: {  	s25 =	rddreg [dreg:$0xa];
	[sflag:s17] =	ssyncadd.s32 $0xFFFFEC00  }
0x47: {  	[spmem:s25] =	stream.linear.scatter [tilespmem:s22], [sflag:$0x11], $0x1400, $0x38;
	[tilespmem:$0x1E000] =	vst v63  }
0x48: {  	_ =	swait.ge [sflag:s17], $0x1400  }
0x49: {  	[sflag:s17] =	ssyncset.done $0x0  }
0x4a: {  	s8 =	rddreg [dreg:$0xb];
	[sflag:s17] =	ssyncadd.s32 $0xFFFFEC00  }
0x4b: {  	[spmem:s8] =	stream.linear.scatter [tilespmem:s22], [sflag:$0x11], $0x1400, $0x38;
	[tilespmem:$0x1E000] =	vst v63  }
0x4c: {  	_ =	swait.ge [sflag:s17], $0x1400  }
0x4d: {  	[sflag:s17] =	ssyncset.done $0x0  }
0x4e: {  	s25 =	rddreg [dreg:$0xc];
	[sflag:s17] =	ssyncadd.s32 $0xFFFFEC00  }
0x4f: {  	[spmem:s25] =	stream.linear.scatter [tilespmem:s22], [sflag:$0x11], $0x1400, $0x38;
	[tilespmem:$0x1E000] =	vst v63  }
0x50: {  	_ =	swait.ge [sflag:s17], $0x1400  }
0x51: {  	[sflag:s17] =	ssyncset.done $0x0  }
0x52: {  	s8 =	rddreg [dreg:$0xd];
	[sflag:s17] =	ssyncadd.s32 $0xFFFFEC00  }
0x53: {  	[spmem:s8] =	stream.linear.scatter [tilespmem:s22], [sflag:$0x11], $0x1400, $0x38;
	[tilespmem:$0x1E000] =	vst v63  }
0x54: {  	_ =	swait.ge [sflag:s17], $0x1400  }
0x55: {  	[sflag:s17] =	ssyncset.done $0x0  }
0x56: {  	s25 =	rddreg [dreg:$0xe];
	[sflag:s17] =	ssyncadd.s32 $0xFFFFEC00  }
0x57: {  	[spmem:s25] =	stream.linear.scatter [tilespmem:s22], [sflag:$0x11], $0x1400, $0x38;
	[tilespmem:$0x1E000] =	vst v63  }
0x58: {  	_ =	swait.ge [sflag:s17], $0x1400  }
0x59: {  	[sflag:s17] =	ssyncset.done $0x0  }
0x5a: {  	[sflag:s17] =	ssyncadd.s32 $0xFFFFEC00  }
0x5b: {  	s8 =	simm.s32 $0x230;
	[bflag:$0x0] =	sbarrier.arrive $0xFFFF  }
0x5c: {  	[tilespmem:s22], [sflag:$0x8] =	stream.indirect.gather [hbm4b:s6+s19], $0x40, s8, s19, $0xb8;
	[tilespmem:$0x1E000] =	vst v63  }
0x5d: {  	_ =	swait.ge [sflag:s28], $0x1400  }
0x5e: {  	[sflag:s28] =	ssyncset.done $0x0  }
0x5f: {  	s25 =	simm.s32 $0x5000;
	[sflag:s28] =	ssyncadd.s32 $0xFFFFEC00  }
0x60: {  	[spmem:s2] =	stream.indirect.scatter.add.f32 [tilespmem:s20], [sflag:$0x9], $0x40, s25, s19, $0xb8;
	[tilespmem:$0x1E000] =	vst v63  }
0x61: {  	_ =	swait.ge [sflag:s30], $0x1400  }
0x62: {  	[sflag:s30] =	ssyncset.done $0x0  }
0x63: {  	s8 =	simm.s32 $0x5050;
	[sflag:s30] =	ssyncadd.s32 $0xFFFFEC00  }
0x64: {  	[spmem:s2] =	stream.indirect.scatter.add.f32 [tilespmem:s21], [sflag:$0xA], $0x40, s8, s19, $0xb8;
	[tilespmem:$0x1E000] =	vst v63  }
0x65: {  	_ =	swait.ge [sflag:s0], $0x1400  }
0x66: {  	[sflag:s0] =	ssyncset.done $0x0  }
0x67: {  	s25 =	simm.s32 $0x50A0;
	[sflag:s0] =	ssyncadd.s32 $0xFFFFEC00  }
0x68: {  	[spmem:s2] =	stream.indirect.scatter.add.f32 [tilespmem:s23], [sflag:$0xB], $0x40, s25, s19, $0xb8;
	[tilespmem:$0x1E000] =	vst v63  }
0x69: {  	_ =	swait.ge [sflag:s1], $0x1400  }
0x6a: {  	[sflag:s1] =	ssyncset.done $0x0  }
0x6b: {  	s8 =	simm.s32 $0x50F0;
	[sflag:s1] =	ssyncadd.s32 $0xFFFFEC00  }
0x6c: {  	[spmem:s2] =	stream.indirect.scatter.add.f32 [tilespmem:s26], [sflag:$0xC], $0x40, s8, s19, $0xb8;
	[tilespmem:$0x1E000] =	vst v63  }
0x6d: {  	_ =	swait.ge [sflag:s24], $0x1400  }
0x6e: {  	[sflag:s24] =	ssyncset.done $0x0  }
0x6f: {  	s25 =	simm.s32 $0x5140;
	[sflag:s24] =	ssyncadd.s32 $0xFFFFEC00  }
0x70: {  	[spmem:s2] =	stream.indirect.scatter.add.f32 [tilespmem:s29], [sflag:$0xD], $0x40, s25, s19, $0xb8;
	[tilespmem:$0x1E000] =	vst v63  }
0x71: {  	_ =	swait.ge [sflag:s4], $0x1400  }
0x72: {  	[sflag:s4] =	ssyncset.done $0x0  }
0x73: {  	s8 =	simm.s32 $0x5190;
	[sflag:s4] =	ssyncadd.s32 $0xFFFFEC00  }
0x74: {  	[spmem:s2] =	stream.indirect.scatter.add.f32 [tilespmem:s31], [sflag:$0xE], $0x40, s8, s19, $0xb8;
	[tilespmem:$0x1E000] =	vst v63  }
0x75: {  	_ =	swait.ge [sflag:s5], $0x1400  }
0x76: {  	[sflag:s5] =	ssyncset.done $0x0  }
0x77: {  	s25 =	simm.s32 $0x51E0;
	[sflag:s5] =	ssyncadd.s32 $0xFFFFEC00  }
0x78: {  	[spmem:s2] =	stream.indirect.scatter.add.f32 [tilespmem:s18], [sflag:$0xF], $0x40, s25, s19, $0xb8;
	[tilespmem:$0x1E000] =	vst v63  }
0x79: {  	_ =	swait.ge [sflag:s7], $0x1400  }
0x7a: {  	[sflag:s7] =	ssyncset.done $0x0  }
0x7b: {  	s8 =	simm.s32 $0x5230;
	[sflag:s7] =	ssyncadd.s32 $0xFFFFEC00  }
0x7c: {  	[spmem:s2] =	stream.indirect.scatter.add.f32 [tilespmem:s22], [sflag:$0x10], $0x40, s8, s19, $0xb8;
	[tilespmem:$0x1E000] =	vst v63  }
0x7d: {  	_ =	swait.ge [sflag:s9], $0x1400  }
0x7e: {  	[sflag:s9] =	ssyncset.done $0x0  }
0x7f: {  	s25 =	simm.s32 $0x280;
	[sflag:s9] =	ssyncadd.s32 $0xFFFFEC00  }
0x80: {  	[tilespmem:s20], [sflag:$0x1] =	stream.indirect.gather [hbm4b:s6+s19], $0x40, s25, s19, $0xb8;
	[tilespmem:$0x1E000] =	vst v63  }
0x81: {  	_ =	swait.ge [sflag:s10], $0x1400  }
0x82: {  	[sflag:s10] =	ssyncset.done $0x0  }
0x83: {  	s8 =	simm.s32 $0x2D0;
	[sflag:s10] =	ssyncadd.s32 $0xFFFFEC00  }
0x84: {  	[tilespmem:s21], [sflag:$0x2] =	stream.indirect.gather [hbm4b:s6+s19], $0x40, s8, s19, $0xb8;
	[tilespmem:$0x1E000] =	vst v63  }
0x85: {  	_ =	swait.ge [sflag:s11], $0x1400  }
0x86: {  	[sflag:s11] =	ssyncset.done $0x0  }
0x87: {  	s25 =	simm.s32 $0x320;
	[sflag:s11] =	ssyncadd.s32 $0xFFFFEC00  }
0x88: {  	[tilespmem:s23], [sflag:$0x3] =	stream.indirect.gather [hbm4b:s6+s19], $0x40, s25, s19, $0xb8;
	[tilespmem:$0x1E000] =	vst v63  }
0x89: {  	_ =	swait.ge [sflag:s12], $0x1400  }
0x8a: {  	[sflag:s12] =	ssyncset.done $0x0  }
0x8b: {  	s8 =	simm.s32 $0x370;
	[sflag:s12] =	ssyncadd.s32 $0xFFFFEC00  }
0x8c: {  	[tilespmem:s26], [sflag:$0x4] =	stream.indirect.gather [hbm4b:s6+s19], $0x40, s8, s19, $0xb8;
	[tilespmem:$0x1E000] =	vst v63  }
0x8d: {  	_ =	swait.ge [sflag:s13], $0x1400  }
0x8e: {  	[sflag:s13] =	ssyncset.done $0x0  }
0x8f: {  	s25 =	simm.s32 $0x3C0;
	[sflag:s13] =	ssyncadd.s32 $0xFFFFEC00  }
0x90: {  	[tilespmem:s29], [sflag:$0x5] =	stream.indirect.gather [hbm4b:s6+s19], $0x40, s25, s19, $0xb8;
	[tilespmem:$0x1E000] =	vst v63  }
0x91: {  	_ =	swait.ge [sflag:s14], $0x1400  }
0x92: {  	[sflag:s14] =	ssyncset.done $0x0  }
0x93: {  	s8 =	simm.s32 $0x410;
	[sflag:s14] =	ssyncadd.s32 $0xFFFFEC00  }
0x94: {  	[tilespmem:s31], [sflag:$0x6] =	stream.indirect.gather [hbm4b:s6+s19], $0x40, s8, s19, $0xb8;
	[tilespmem:$0x1E000] =	vst v63  }
0x95: {  	_ =	swait.ge [sflag:s15], $0x1400  }
0x96: {  	[sflag:s15] =	ssyncset.done $0x0  }
0x97: {  	s25 =	simm.s32 $0x460;
	[sflag:s15] =	ssyncadd.s32 $0xFFFFEC00  }
0x98: {  	[tilespmem:s18], [sflag:$0x7] =	stream.indirect.gather [hbm4b:s6+s19], $0x40, s25, s19, $0xb8;
	[tilespmem:$0x1E000] =	vst v63  }
0x99: {  	_ =	swait.ge [sflag:s16], $0x1400  }
0x9a: {  	[sflag:s16] =	ssyncset.done $0x0  }
0x9b: {  	s3 =	simm.s32 $0x4B0;
	s8 =	simm.s32 $0xA00;
	[sflag:s16] =	ssyncadd.s32 $0xFFFFEC00  }
.LBB2_4:
0x9c: {  	[tilespmem:s22], [sflag:$0x8] =	stream.indirect.gather [hbm4b:s6+s19], $0x40, s3, s19, $0xb8;
	[tilespmem:$0x1E000] =	vst v63  }
0x9d: {  	s3 =	smov.u32 s8  }
0x9e: {  	p0 =	sne.s32 s8, $0x12C00;
	s8 =	sadd.s32 $0xA00, s8;
	_ =	swait.ge [sflag:s28], $0x1400  }
0x9f: {  	s3 =	sshra.s32 s3, $0x2;
	[sflag:s28] =	ssyncset.done $0x0  }
0xa0: {  	s25 =	sadd.s32 $0x5000, s3;
	[sflag:s28] =	ssyncadd.s32 $0xFFFFEC00  }
0xa1: {  	[spmem:s2] =	stream.indirect.scatter.add.f32 [tilespmem:s20], [sflag:$0x9], $0x40, s25, s19, $0xb8;
	[tilespmem:$0x1E000] =	vst v63  }
0xa2: {  	_ =	swait.ge [sflag:s30], $0x1400  }
0xa3: {  	[sflag:s30] =	ssyncset.done $0x0  }
0xa4: {  	s25 =	sadd.s32 $0x5050, s3;
	[sflag:s30] =	ssyncadd.s32 $0xFFFFEC00  }
0xa5: {  	[spmem:s2] =	stream.indirect.scatter.add.f32 [tilespmem:s21], [sflag:$0xA], $0x40, s25, s19, $0xb8;
	[tilespmem:$0x1E000] =	vst v63  }
0xa6: {  	_ =	swait.ge [sflag:s0], $0x1400  }
0xa7: {  	[sflag:s0] =	ssyncset.done $0x0  }
0xa8: {  	s25 =	sadd.s32 $0x50A0, s3;
	[sflag:s0] =	ssyncadd.s32 $0xFFFFEC00  }
0xa9: {  	[spmem:s2] =	stream.indirect.scatter.add.f32 [tilespmem:s23], [sflag:$0xB], $0x40, s25, s19, $0xb8;
	[tilespmem:$0x1E000] =	vst v63  }
0xaa: {  	_ =	swait.ge [sflag:s1], $0x1400  }
0xab: {  	[sflag:s1] =	ssyncset.done $0x0  }
0xac: {  	s25 =	sadd.s32 $0x50F0, s3;
	[sflag:s1] =	ssyncadd.s32 $0xFFFFEC00  }
0xad: {  	[spmem:s2] =	stream.indirect.scatter.add.f32 [tilespmem:s26], [sflag:$0xC], $0x40, s25, s19, $0xb8;
	[tilespmem:$0x1E000] =	vst v63  }
0xae: {  	_ =	swait.ge [sflag:s24], $0x1400  }
0xaf: {  	[sflag:s24] =	ssyncset.done $0x0  }
0xb0: {  	s25 =	sadd.s32 $0x5140, s3;
	[sflag:s24] =	ssyncadd.s32 $0xFFFFEC00  }
0xb1: {  	[spmem:s2] =	stream.indirect.scatter.add.f32 [tilespmem:s29], [sflag:$0xD], $0x40, s25, s19, $0xb8;
	[tilespmem:$0x1E000] =	vst v63  }
0xb2: {  	_ =	swait.ge [sflag:s4], $0x1400  }
0xb3: {  	[sflag:s4] =	ssyncset.done $0x0  }
0xb4: {  	s25 =	sadd.s32 $0x5190, s3;
	[sflag:s4] =	ssyncadd.s32 $0xFFFFEC00  }
0xb5: {  	[spmem:s2] =	stream.indirect.scatter.add.f32 [tilespmem:s31], [sflag:$0xE], $0x40, s25, s19, $0xb8;
	[tilespmem:$0x1E000] =	vst v63  }
0xb6: {  	_ =	swait.ge [sflag:s5], $0x1400  }
0xb7: {  	[sflag:s5] =	ssyncset.done $0x0  }
0xb8: {  	s25 =	sadd.s32 $0x51E0, s3;
	[sflag:s5] =	ssyncadd.s32 $0xFFFFEC00  }
0xb9: {  	[spmem:s2] =	stream.indirect.scatter.add.f32 [tilespmem:s18], [sflag:$0xF], $0x40, s25, s19, $0xb8;
	[tilespmem:$0x1E000] =	vst v63  }
0xba: {  	_ =	swait.ge [sflag:s7], $0x1400  }
0xbb: {  	[sflag:s7] =	ssyncset.done $0x0  }
0xbc: {  	s25 =	sadd.s32 $0x5230, s3;
	[sflag:s7] =	ssyncadd.s32 $0xFFFFEC00  }
0xbd: {  	[spmem:s2] =	stream.indirect.scatter.add.f32 [tilespmem:s22], [sflag:$0x10], $0x40, s25, s19, $0xb8;
	[tilespmem:$0x1E000] =	vst v63  }
0xbe: {  	_ =	swait.ge [sflag:s9], $0x1400  }
0xbf: {  	[sflag:s9] =	ssyncset.done $0x0  }
0xc0: {  	s25 =	sadd.s32 $0x280, s3;
	[sflag:s9] =	ssyncadd.s32 $0xFFFFEC00  }
0xc1: {  	[tilespmem:s20], [sflag:$0x1] =	stream.indirect.gather [hbm4b:s6+s19], $0x40, s25, s19, $0xb8;
	[tilespmem:$0x1E000] =	vst v63  }
0xc2: {  	_ =	swait.ge [sflag:s10], $0x1400  }
0xc3: {  	[sflag:s10] =	ssyncset.done $0x0  }
0xc4: {  	s25 =	sadd.s32 $0x2D0, s3;
	[sflag:s10] =	ssyncadd.s32 $0xFFFFEC00  }
0xc5: {  	[tilespmem:s21], [sflag:$0x2] =	stream.indirect.gather [hbm4b:s6+s19], $0x40, s25, s19, $0xb8;
	[tilespmem:$0x1E000] =	vst v63  }
0xc6: {  	_ =	swait.ge [sflag:s11], $0x1400  }
0xc7: {  	[sflag:s11] =	ssyncset.done $0x0  }
0xc8: {  	s25 =	sadd.s32 $0x320, s3;
	[sflag:s11] =	ssyncadd.s32 $0xFFFFEC00  }
0xc9: {  	[tilespmem:s23], [sflag:$0x3] =	stream.indirect.gather [hbm4b:s6+s19], $0x40, s25, s19, $0xb8;
	[tilespmem:$0x1E000] =	vst v63  }
0xca: {  	_ =	swait.ge [sflag:s12], $0x1400  }
0xcb: {  	[sflag:s12] =	ssyncset.done $0x0  }
0xcc: {  	s25 =	sadd.s32 $0x370, s3;
	[sflag:s12] =	ssyncadd.s32 $0xFFFFEC00  }
0xcd: {  	[tilespmem:s26], [sflag:$0x4] =	stream.indirect.gather [hbm4b:s6+s19], $0x40, s25, s19, $0xb8;
	[tilespmem:$0x1E000] =	vst v63  }
0xce: {  	_ =	swait.ge [sflag:s13], $0x1400  }
0xcf: {  	[sflag:s13] =	ssyncset.done $0x0  }
0xd0: {  	s25 =	sadd.s32 $0x3C0, s3;
	[sflag:s13] =	ssyncadd.s32 $0xFFFFEC00  }
0xd1: {  	[tilespmem:s29], [sflag:$0x5] =	stream.indirect.gather [hbm4b:s6+s19], $0x40, s25, s19, $0xb8;
	[tilespmem:$0x1E000] =	vst v63  }
0xd2: {  	_ =	swait.ge [sflag:s14], $0x1400  }
0xd3: {  	[sflag:s14] =	ssyncset.done $0x0  }
0xd4: {  	s25 =	sadd.s32 $0x410, s3;
	[sflag:s14] =	ssyncadd.s32 $0xFFFFEC00  }
0xd5: {  	[tilespmem:s31], [sflag:$0x6] =	stream.indirect.gather [hbm4b:s6+s19], $0x40, s25, s19, $0xb8;
	[tilespmem:$0x1E000] =	vst v63  }
0xd6: {  	_ =	swait.ge [sflag:s15], $0x1400  }
0xd7: {  	[sflag:s15] =	ssyncset.done $0x0  }
.Ltmp1:
0xd8: {  	s25 =	sadd.s32 $0x460, s3;
	[sflag:s15] =	ssyncadd.s32 $0xFFFFEC00;
	(pc) =	sbr.rel @p0 .LBB2_4-.Ltmp1, $4  }
0xd9: {  	[tilespmem:s18], [sflag:$0x7] =	stream.indirect.gather [hbm4b:s6+s19], $0x40, s25, s19, $0xb8;
	[tilespmem:$0x1E000] =	vst v63  }
0xda: {  	_ =	swait.ge [sflag:s16], $0x1400  }
0xdb: {  	[sflag:s16] =	ssyncset.done $0x0  }
0xdc: {  	s3 =	sadd.s32 $0x4B0, s3;
	[sflag:s16] =	ssyncadd.s32 $0xFFFFEC00  }
0xdd: {  	[tilespmem:s22], [sflag:$0x8] =	stream.indirect.gather [hbm4b:s6+s19], $0x40, s3, s19, $0xb8;
	[tilespmem:$0x1E000] =	vst v63  }
0xde: {  	_ =	swait.ge [sflag:s28], $0x1400  }
0xdf: {  	[sflag:s28] =	ssyncset.done $0x0  }
0xe0: {  	s25 =	simm.s32 $0x9D80;
	[sflag:s28] =	ssyncadd.s32 $0xFFFFEC00  }
0xe1: {  	[spmem:s2] =	stream.indirect.scatter.add.f32 [tilespmem:s20], [sflag:$0x9], $0x40, s25, s19, $0xb8;
	[tilespmem:$0x1E000] =	vst v63  }
0xe2: {  	_ =	swait.ge [sflag:s30], $0x1400  }
0xe3: {  	[sflag:s30] =	ssyncset.done $0x0  }
0xe4: {  	s8 =	simm.s32 $0x9DD0;
	[sflag:s30] =	ssyncadd.s32 $0xFFFFEC00  }
0xe5: {  	[spmem:s2] =	stream.indirect.scatter.add.f32 [tilespmem:s21], [sflag:$0xA], $0x40, s8, s19, $0xb8;
	[tilespmem:$0x1E000] =	vst v63  }
0xe6: {  	_ =	swait.ge [sflag:s0], $0x1400  }
0xe7: {  	[sflag:s0] =	ssyncset.done $0x0  }
0xe8: {  	s25 =	simm.s32 $0x9E20;
	[sflag:s0] =	ssyncadd.s32 $0xFFFFEC00  }
0xe9: {  	[spmem:s2] =	stream.indirect.scatter.add.f32 [tilespmem:s23], [sflag:$0xB], $0x40, s25, s19, $0xb8;
	[tilespmem:$0x1E000] =	vst v63  }
0xea: {  	_ =	swait.ge [sflag:s1], $0x1400  }
0xeb: {  	[sflag:s1] =	ssyncset.done $0x0  }
0xec: {  	s8 =	simm.s32 $0x9E70;
	[sflag:s1] =	ssyncadd.s32 $0xFFFFEC00  }
0xed: {  	[spmem:s2] =	stream.indirect.scatter.add.f32 [tilespmem:s26], [sflag:$0xC], $0x40, s8, s19, $0xb8;
	[tilespmem:$0x1E000] =	vst v63  }
0xee: {  	_ =	swait.ge [sflag:s24], $0x1400  }
0xef: {  	[sflag:s24] =	ssyncset.done $0x0  }
0xf0: {  	s25 =	simm.s32 $0x9EC0;
	[sflag:s24] =	ssyncadd.s32 $0xFFFFEC00  }
0xf1: {  	[spmem:s2] =	stream.indirect.scatter.add.f32 [tilespmem:s29], [sflag:$0xD], $0x40, s25, s19, $0xb8;
	[tilespmem:$0x1E000] =	vst v63  }
0xf2: {  	_ =	swait.ge [sflag:s4], $0x1400  }
0xf3: {  	[sflag:s4] =	ssyncset.done $0x0  }
0xf4: {  	s8 =	simm.s32 $0x9F10;
	[sflag:s4] =	ssyncadd.s32 $0xFFFFEC00  }
0xf5: {  	[spmem:s2] =	stream.indirect.scatter.add.f32 [tilespmem:s31], [sflag:$0xE], $0x40, s8, s19, $0xb8;
	[tilespmem:$0x1E000] =	vst v63  }
0xf6: {  	_ =	swait.ge [sflag:s5], $0x1400  }
0xf7: {  	[sflag:s5] =	ssyncset.done $0x0  }
0xf8: {  	s25 =	simm.s32 $0x9F60;
	[sflag:s5] =	ssyncadd.s32 $0xFFFFEC00  }
0xf9: {  	[spmem:s2] =	stream.indirect.scatter.add.f32 [tilespmem:s18], [sflag:$0xF], $0x40, s25, s19, $0xb8;
	[tilespmem:$0x1E000] =	vst v63  }
0xfa: {  	_ =	swait.ge [sflag:s7], $0x1400  }
0xfb: {  	[sflag:s7] =	ssyncset.done $0x0  }
0xfc: {  	s8 =	simm.s32 $0x9FB0;
	[sflag:s7] =	ssyncadd.s32 $0xFFFFEC00  }
0xfd: {  	[spmem:s2] =	stream.indirect.scatter.add.f32 [tilespmem:s22], [sflag:$0x10], $0x40, s8, s19, $0xb8;
	[tilespmem:$0x1E000] =	vst v63  }
0xfe: {  	_ =	swait.ge [sflag:s9], $0x1400  }
0xff: {  	[sflag:s9] =	ssyncset.done $0x0  }
0x100: {  	[sflag:s9] =	ssyncadd.s32 $0xFFFFEC00  }
0x101: {  	_ =	swait.ge [sflag:s10], $0x1400  }
0x102: {  	[sflag:s10] =	ssyncset.done $0x0  }
0x103: {  	[sflag:s10] =	ssyncadd.s32 $0xFFFFEC00  }
0x104: {  	_ =	swait.ge [sflag:s11], $0x1400  }
0x105: {  	[sflag:s11] =	ssyncset.done $0x0  }
0x106: {  	[sflag:s11] =	ssyncadd.s32 $0xFFFFEC00  }
0x107: {  	_ =	swait.ge [sflag:s12], $0x1400  }
0x108: {  	[sflag:s12] =	ssyncset.done $0x0  }
0x109: {  	[sflag:s12] =	ssyncadd.s32 $0xFFFFEC00  }
0x10a: {  	_ =	swait.ge [sflag:s13], $0x1400  }
0x10b: {  	[sflag:s13] =	ssyncset.done $0x0  }
0x10c: {  	[sflag:s13] =	ssyncadd.s32 $0xFFFFEC00  }
0x10d: {  	_ =	swait.ge [sflag:s14], $0x1400  }
0x10e: {  	[sflag:s14] =	ssyncset.done $0x0  }
0x10f: {  	[sflag:s14] =	ssyncadd.s32 $0xFFFFEC00  }
0x110: {  	_ =	swait.ge [sflag:s15], $0x1400  }
0x111: {  	[sflag:s15] =	ssyncset.done $0x0  }
0x112: {  	[sflag:s15] =	ssyncadd.s32 $0xFFFFEC00  }
0x113: {  	_ =	swait.ge [sflag:s16], $0x1400  }
0x114: {  	[sflag:s16] =	ssyncset.done $0x0  }
0x115: {  	[sflag:s16] =	ssyncadd.s32 $0xFFFFEC00  }
0x116: {  	s25 =	stileid.u32;
	[bflag:$0x0] =	sbarrier.arrive $0xFFFF  }
0x117: {  	s3 =	sshll.u32 s25, $0x6;
	s8 =	rddreg [dreg:$0x5]  }
0x118: {  	s3 =	sor.u32 $0x1C11, s3;
	s25 =	rddreg [dreg:$0xf]  }
0x119: {  	[hbm:s8], [sflag:s3] =	dma.local [spmem:s25], $0x1400  }
0x11a: {  	_ =	swait.ge [sflag:s17], $0x1400  }
0x11b: {  	s3 =	rddreg [dreg:$0x10]  }
0x11c: {  	s25 =	rddreg [dreg:$0x7];
	s8 =	sadd.s32 $0x1, s3  }
0x11d: {  	p0 =	sne.s32 s8, s25  }
.Ltmp2:
0x11e: {  	_ = 	snop;
	(pc) =	sbr.rel @p0 .LBB2_1-.Ltmp2, $3  }
0x11f: {  	_ =	sdelay $0x1  }
0x120: {  	[sflag:s17] =	ssyncset.done $0x0  }
0x121: {  	[sflag:s17] =	ssyncadd.s32 $0xFFFFEC00  }
0x122: {  	_ =	sfence.sel $0x180000  }
0x123: {  	[bflag:$0x0] =	sbarrier.arrive $0xFFFF  }
0x124: {  	_ =	strace $0x9000004A  }
0x125: {  	s0 =	stileid.u32;
	[bflag:$0x2] =	sbarrier.arrive $0xFFFF  }
0x126: {  	p0 =	sne.s32 s0, $0x0;
	s0 =	rddreg [dreg:$0x2]  }
0x127: {  	s0 =	sadd.s32 @!p0 $0x100000, s0  }
0x128: {  	[sflag:s0] =	ssyncadd.tile.s32 @!p0 $0x1;
	_ =	shalt  }
.Lfunc_end2:
_tile_overlayer_lowered:
.L_overlay_start_2:
0x129: {  	(tag) =	ssettag $0x2  }
0x12a: {  	s0 =	rddreg [dreg:$0x0];
	s2 =	stileid.u32  }
0x12b: {  	s1 =	rddreg [dreg:$0x1];
	p0 =	sne.s32 s2, $0x0  }
0x12c: {  	s3 =	rddreg [dreg:$0x2];
	[bflag:$0x3] =	sbarrier.arrive $0xFFFF;
	s2 =	simm.s32 @!p0 $0x1C11  }
0x12d: {  	[timem:s3], [sflag:s2] =	dma.local @!p0 [hbm:s0], s1  }
0x12e: {  	s0 =	simm.s32 @!p0 $0x11  }
0x12f: {  	_ =	swait.ge @!p0 [sflag:s0], s1  }
0x130: {  	s1 =	ssub.s32 @!p0 $0x0, s1;
	[sflag:s0] =	ssyncset.done @!p0 $0x0  }
0x131: {  	[sflag:s0] =	ssyncadd.s32 @!p0 s1  }
0x132: {  	[bflag:$0x3] =	sbarrier.arrive $0xFFFF  }
0x133: {  	_ =	shalt  }

// kernel: kernel.14.cloned.1.call-start
scs
__scs_entry_jumppad:
0x0: {  	(pc) =	sbr.rel $0x88, $3  }
0x1: {  	(tag) =	ssettag $0x0;
	lr =	simm.s32 $0x1  }
0x2: {  	[smem:$0x3F9B] =	sst lr;
	_ =	strace $0xD0000000  }
0x3: {  	_ = 	snop  }
0x4: {  	_ = 	snop  }
0x5: {  	_ = 	snop  }
0x6: {  	_ = 	snop  }
0x7: {  	_ = 	snop  }
__scs_overlays_trampoline_lowered:
0x8: {  	[smem:$0x3FAA] =	sst s0  }
0x9: {  	[smem:$0x3FAB] =	sst s1  }
0xa: {  	[smem:$0x3FAC] =	sst s2  }
0xb: {  	[smem:$0x3FAD] =	sst s3  }
0xc: {  	[smem:$0x3FAE] =	sst s4  }
0xd: {  	[smem:$0x3FAF] =	sst s5  }
0xe: {  	[smem:$0x3FB0] =	sst s6  }
0xf: {  	[smem:$0x3FB1] =	sst s7  }
0x10: {  	[smem:$0x3FB2] =	sst s8  }
0x11: {  	[smem:$0x3FB3] =	sst s9;
	s0 =	simm.s32 @!p0 $0x0  }
0x12: {  	s1 =	sld [smem:$0x3F99];
	s0 =	simm.s32 @p0 $0x1  }
0x13: {  	[smem:$0x3FB4] =	sst s0;
	s0 =	simm.s32 @!p1 $0x0  }
0x14: {  	s2 =	sld [smem:$0x3F98];
	s0 =	simm.s32 @p1 $0x1  }
0x15: {  	[smem:$0x3FB5] =	sst s0;
	s0 =	simm.s32 @!p2 $0x0  }
0x16: {  	s3 =	sld [smem:$0x3FDB];
	s0 =	simm.s32 @p2 $0x1  }
0x17: {  	s4 =	simm.s32 $0x1BF5;
	[smem:$0x3FB7] =	sst s0  }
0x18: {  	s0 =	sld [smem:$0x3F9A];
	_ =	swait.ge [sflag:s4], $0x0  }
0x19: {  	s7 =	sld [smem:$0x3F9B]  }
0x1a: {  	s8 =	sadd.s32 $0xFFFFE003, lr  }
0x1b: {  	s9 =	sadd.s32 $0xFFFFFEF7, lr;
	s5 =	simm.s32 $0xFFFFFFFF;
	p2 =	slt.u32 s8, $0xFFFFF086  }
0x1c: {  	p1 =	slt.u32 s9, $0xF7A;
	s5 =	simm.s32 @!p2 $0x0  }
0x1d: {  	s5 =	simm.s32 @p1 $0x1;
	p0 =	seq.s32 s7, s2  }
0x1e: {  	s7 =	smul.u32 @!p0 $0xF7A, s2;
	p2 =	seq.s32 @!p0 s5, $0x0  }
0x1f: {  	s9 =	smul.u32 $0xF7A, s1;
	s8 =	simm.s32 @!p0 $0x1BF5;
	p2 =	por !p2, p0  }
0x20: {  	[sflag:s8] =	ssyncset.s32 @!p0 $0xFFFFF086;
	s6 =	sadd.s32 @!p0 s3, s7;
	s7 =	simm.s32 @!p0 $0x108  }
0x21: {  	s3 =	sadd.s32 s3, s9;
	s6 =	sadd.s32 @!p0 $0x88, s6;
	s7 =	simm.s32 @p2 $0x1082  }
0x22: {  	[simem:s7], [sflag:s8] =	dma.local @!p0 [hbm:s6], $0xF7A  }
0x23: {  	s9 =	sor.u32 $0xD0000000, s2;
	s6 =	simm.s32 $0x108;
	_ =	swait.ge @!p0 [sflag:s8], $0x0  }
0x24: {  	s3 =	sadd.s32 $0x88, s3;
	s6 =	simm.s32 @!p1 $0x1082;
	[sflag:s4] =	ssyncset.s32 $0xFFFFF086  }
0x25: {  	[simem:s6], [sflag:s4] =	dma.local [hbm:s3], $0xF7A  }
0x26: {  	[smem:$0x3F9B] =	sst s1;
	(tag) =	ssettag s2;
	_ =	strace s9  }
0x27: {  	s1 =	sld [smem:$0x3FAB]  }
0x28: {  	s2 =	sld [smem:$0x3FAC]  }
0x29: {  	s4 =	sld [smem:$0x3FAE]  }
0x2a: {  	p0 =	seq.s32 s5, $0x0;
	s5 =	sld [smem:$0x3FAF]  }
0x2b: {  	s6 =	sld [smem:$0x3FB0]  }
0x2c: {  	s7 =	sld [smem:$0x3FB1]  }
0x2d: {  	s3 =	simm.s32 $0x108;
	s8 =	sld [smem:$0x3FB2]  }
0x2e: {  	s3 =	simm.s32 @!p0 $0x1082;
	s9 =	sld [smem:$0x3FB3]  }
0x2f: {  	lr =	sadd.s32 s0, s3;
	s0 =	sld [smem:$0x3FAA]  }
0x30: {  	s3 =	sld [smem:$0x3FAD]  }
0x31: {  	[smem:$0x3FB6] =	sst s10  }
0x32: {  	s10 =	sld [smem:$0x3FB4];
	_ =	sdelay $0x3  }
0x33: {  	p0 =	seq.s32 s10, $0x1;
	s10 =	sld [smem:$0x3FB6];
	_ =	sdelay $0x3  }
0x34: {  	[smem:$0x3FB6] =	sst s10  }
0x35: {  	s10 =	sld [smem:$0x3FB5];
	_ =	sdelay $0x3  }
0x36: {  	p1 =	seq.s32 s10, $0x1;
	s10 =	sld [smem:$0x3FB6];
	_ =	sdelay $0x3  }
0x37: {  	[smem:$0x3FB6] =	sst s10  }
0x38: {  	s10 =	sld [smem:$0x3FB7]  }
0x39: {  	_ = 	snop;
	(pc) =	sbr.ind lr, $3  }
0x3a: {  	_ = 	snop  }
0x3b: {  	_ = 	snop  }
0x3c: {  	p2 =	seq.s32 s10, $0x1;
	s10 =	sld [smem:$0x3FB6]  }
0x3d: {  	_ =	shalt  }
0x3e: {  	_ =	shalt  }
0x3f: {  	_ =	shalt  }
0x40: {  	_ =	shalt  }
0x41: {  	_ =	shalt  }
0x42: {  	_ =	shalt  }
0x43: {  	_ =	shalt  }
0x44: {  	_ =	shalt  }
0x45: {  	_ =	shalt  }
0x46: {  	_ =	shalt  }
0x47: {  	_ =	shalt  }
0x48: {  	_ =	shalt  }
0x49: {  	_ =	shalt  }
0x4a: {  	_ =	shalt  }
0x4b: {  	_ =	shalt  }
0x4c: {  	_ =	shalt  }
0x4d: {  	_ =	shalt  }
0x4e: {  	_ =	shalt  }
0x4f: {  	_ =	shalt  }
0x50: {  	_ =	shalt  }
0x51: {  	_ =	shalt  }
0x52: {  	_ =	shalt  }
0x53: {  	_ =	shalt  }
0x54: {  	_ =	shalt  }
0x55: {  	_ =	shalt  }
0x56: {  	_ =	shalt  }
0x57: {  	_ =	shalt  }
0x58: {  	_ =	shalt  }
0x59: {  	_ =	shalt  }
0x5a: {  	_ =	shalt  }
0x5b: {  	_ =	shalt  }
0x5c: {  	_ =	shalt  }
0x5d: {  	_ =	shalt  }
0x5e: {  	_ =	shalt  }
0x5f: {  	_ =	shalt  }
0x60: {  	_ =	shalt  }
0x61: {  	_ =	shalt  }
0x62: {  	_ =	shalt  }
0x63: {  	_ =	shalt  }
0x64: {  	_ =	shalt  }
0x65: {  	_ =	shalt  }
0x66: {  	_ =	shalt  }
0x67: {  	_ =	shalt  }
0x68: {  	_ =	shalt  }
0x69: {  	_ =	shalt  }
0x6a: {  	_ =	shalt  }
0x6b: {  	_ =	shalt  }
0x6c: {  	_ =	shalt  }
0x6d: {  	_ =	shalt  }
0x6e: {  	_ =	shalt  }
0x6f: {  	_ =	shalt  }
0x70: {  	_ =	shalt  }
0x71: {  	_ =	shalt  }
0x72: {  	_ =	shalt  }
0x73: {  	_ =	shalt  }
0x74: {  	_ =	shalt  }
0x75: {  	_ =	shalt  }
0x76: {  	_ =	shalt  }
0x77: {  	_ =	shalt  }
0x78: {  	_ =	shalt  }
0x79: {  	_ =	shalt  }
0x7a: {  	_ =	shalt  }
0x7b: {  	_ =	shalt  }
0x7c: {  	_ =	shalt  }
0x7d: {  	_ =	shalt  }
0x7e: {  	_ =	shalt  }
0x7f: {  	_ =	shalt  }
0x80: {  	_ =	shalt  }
0x81: {  	_ =	shalt  }
0x82: {  	_ =	shalt  }
0x83: {  	_ =	shalt  }
0x84: {  	_ =	shalt  }
0x85: {  	_ =	shalt  }
0x86: {  	_ =	shalt  }
0x87: {  	_ =	shalt  }
.Lfunc_end0:
.L_simem_size_0:
called_computation.2_lowered:
.L_overlay_start_0:
0x88: {  	s2 =	sld [smem:$0x3FD9]  }
0x89: {  	s3 =	sld [smem:$0x3FFE];
	_ =	sdelay $0x1  }
0x8a: {  	s1 =	srdreg.scid  }
0x8b: {  	s0 =	sand.u32 $0x1, s1  }
0x8c: {  	s16 =	sshll.u32 s0, $0xA;
	s2 =	sadd.s32 s3, s2  }
0x8d: {  	s2 =	sadd.s32 s2, s16  }
0x8e: {  	[smem:$0x3FC2] =	sst s2  }
0x8f: {  	_ = 	snop  }
0x90: {  	(tm) =	ssettm $0x1  }
0x91: {  	s17 =	sld [smem:$0x3FFB];
	_ =	sdelay $0x3  }
0x92: {  	_ =	strace s17  }
0x93: {  	s2 =	sld [smem:$0x3FFC];
	_ =	sdelay $0x3  }
0x94: {  	_ =	strace s2  }
0x95: {  	s2 =	sld [smem:$0x3FFD];
	_ =	sdelay $0x3  }
0x96: {  	_ =	strace s2  }
0x97: {  	_ =	strace $0x8FFFFFFF  }
0x98: {  	s18 =	sld [smem:$0x3FDB];
	_ =	sdelay $0x1  }
0x99: {  	s19 =	simm.s32 $_scs_section_size  }
0x9a: {  	s4 =	simm.s32 $_size__tile_overlayer_lowered;
	s5 =	simm.s32 $_tile_overlayer_lowered  }
0x9b: {  	s22 =	simm.s32 $0x1BFF;
	s21 =	sshll.u32 s5, $0x1;
	s2 =	sadd.s32 s19, s18  }
0x9c: {  	s6 =	simm.s32 $0x0;
	s20 =	sshll.u32 s4, $0x1;
	s4 =	sadd.s32 s21, s2  }
0x9d: {  	[timem:s6], [sflag:s22] =	dma.local [hbm:s4], s20  }
0x9e: {  	_ =	swait.ge [sflag:s22], s20  }
0x9f: {  	s3 =	ssub.s32 $0x0, s20;
	[sflag:s22] =	ssyncset.done $0x0  }
0xa0: {  	[sflag:s22] =	ssyncadd.s32 s3;
	_ =	sdelay $0x1  }
0xa1: {  	s23 =	simm.s32 $0x1B8B  }
0xa2: {  	_ =	swait.ge [sflag:s23], $0x1  }
0xa3: {  	[sflag:s23] =	ssyncset.done $0x0  }
0xa4: {  	s25 =	simm.s32 $0x1B8E;
	s24 =	sld [smem:$0x3FFE];
	[sflag:s23] =	ssyncadd.s32 $0xFFFFFFFF  }
0xa5: {  	s26 =	simm.s32 $execute0_lowered;
	[smem:$0x3FD2] =	sst s25  }
0xa6: {  	s4 =	sshll.u32 s26, $0x1;
	_ =	strace $0x8000004C;
	[dreg:$0x1] =	wrdreg $0xFFFFFFFF  }
0xa7: {  	s28 =	simm.s32 $_size_execute0_lowered;
	s2 =	sadd.s32 s2, s4;
	[dreg:$0x0] =	wrdreg $0x0  }
0xa8: {  	s4 =	sshll.u32 s28, $0x1;
	[dreg:$0x2] =	wrdreg s2  }
0xa9: {  	[dreg:$0x3] =	wrdreg s4  }
0xaa: {  	[dreg:$0x4] =	wrdreg $0xC0  }
0xab: {  	_ =	task [dreg:s6], $0x5FFFF  }
0xac: {  	[dreg:$0x1] =	wrdreg $0xFFFFFFFF  }
0xad: {  	[dreg:$0x0] =	wrdreg $0x60  }
0xae: {  	[dreg:$0x2] =	wrdreg s24  }
0xaf: {  	[dreg:$0x3] =	wrdreg $0x140000  }
0xb0: {  	[dreg:$0x4] =	wrdreg $0x9  }
0xb1: {  	_ =	task.clear_ibuf [dreg:s6], $0x5FFFF;
	_ =	strace $0x9000004C  }
0xb2: {  	s29 =	simm.s32 $0x9;
	_ =	strace $0x8000004E  }
0xb3: {  	_ =	swait.ge [sflag:s29], $0x1  }
0xb4: {  	[sflag:s29] =	ssyncadd.s32 $0xFFFFFFFF  }
0xb5: {  	_ =	strace $0x9000004E  }
0xb6: {  	_ =	sfence  }
0xb7: {  	s30 =	sld [smem:$0x0];
	_ =	sdelay $0x2  }
0xb8: {  	s31 =	sshll.u32 s1, $0xD;
	s1 =	sshrl.u32 s1, $0x2  }
0xb9: {  	s3 =	sand.u32 $0x4000, s31;
	s1 =	sadd.s32 s1, s30  }
0xba: {  	s0 =	sor.u32 s3, s0;
	s1 =	sshll.u32 s1, $0x11  }
0xbb: {  	s0 =	sor.u32 s1, s0  }
0xbc: {  	s0 =	sadd.s32 $0x8F2B, s0  }
0xbd: {  	[sflag:s0] =	ssyncadd.remote.s32 $0x1  }
0xbe: {  	_ =	sfence.sel $0xFFFF  }
0xbf: {  	[dreg:$0x0] =	wrdreg $0xFFFFFFFF;
	(pc) =	sbr.abs _section_cstart, $3  }
0xc0: {  	[dreg:$0x1] =	wrdreg $0xFFFFFFFF  }
0xc1: {  	_ =	task.clear_ibuf [dreg:s6], $0x2FFFF;
	_ =	strace $0x9FFFFFFF  }
0xc2: {  	(tm) =	ssettm $0x7FFFFFFF  }
0xc3: {  	_ =	shalt  }
tec
execute0_lowered:
.L_overlay_start_1:
0x0: {  	(tag) =	ssettag $0x1  }
0x1: {  	s0 =	rddreg [dreg:$0x0];
	s8 =	stileid.u32  }
0x2: {  	s1 =	srdreg.scid;
	s2 =	rddreg [dreg:$0x1];
	s5 =	simm.s32 $0x0  }
0x3: {  	s19 =	simm.s32 $0x50;
	s29 =	simm.s32 $0xF000;
	s31 =	simm.s32 $0x10400  }
0x4: {  	s28 =	simm.s32 $0x1;
	s30 =	simm.s32 $0x2;
	s9 =	simm.s32 $0x9  }
0x5: {  	s10 =	simm.s32 $0xA;
	s11 =	simm.s32 $0xB;
	s3 =	smul.u32 $0xA00, s8  }
0x6: {  	s12 =	simm.s32 $0xC;
	s13 =	simm.s32 $0xD;
	s15 =	smul.u32 $0xA000, s8  }
0x7: {  	s14 =	simm.s32 $0xE;
	s1 =	sand.u32 $0x1, s1;
	s8 =	smul.u32 $0x28000, s8  }
0x8: {  	[smem:$0x7FF] =	sst s5;
	s5 =	simm.s32 $0x7;
	s4 =	smul.u32 $0xA0000, s1  }
0x9: {  	_ =	strace $0x8000004D;
	s1 =	ssub.s32 $0x2, s1;
	s3 =	sadd.s32 s3, s0  }
0xa: {  	s7 =	sshrl.u32 s1, $0x1;
	s17 =	sshrl.u32 s8, $0x2;
	s18 =	sadd.s32 s15, s2  }
0xb: {  	s8 =	simm.s32 $0x0;
	s6 =	sshrl.u32 s4, $0x3;
	s4 =	sadd.s32 s15, s4  }
0xc: {  	s1 =	ssub.s32 s1, s7;
	s16 =	sadd.s32 $0xC000, s3;
	s3 =	sadd.s32 $0x1600, s3  }
0xd: {  	s7 =	simm.s32 $0x8;
	s15 =	simm.s32 $0xF;
	[dreg:$0x3] =	wrdreg s16  }
0xe: {  	s6 =	sadd.s32 s6, s0;
	[dreg:$0x4] =	wrdreg s3;
	s1 =	smax.u32 s1, $0x1  }
0xf: {  	s4 =	sshrl.u32 s4, $0x3;
	s3 =	sadd.s32 s17, s2;
	[dreg:$0x7] =	wrdreg s1  }
0x10: {  	s17 =	simm.s32 $0x11;
	s20 =	sadd.s32 $0x1400, s3;
	[dreg:$0x6] =	wrdreg s3  }
0x11: {  	s16 =	simm.s32 $0x10;
	s21 =	sadd.s32 $0x2800, s3;
	[dreg:$0x8] =	wrdreg s20  }
0x12: {  	s0 =	sadd.s32 s4, s0;
	s22 =	sadd.s32 $0x3C00, s3;
	[dreg:$0x9] =	wrdreg s21  }
0x13: {  	s6 =	sadd.s32 $0x66000, s6;
	s23 =	sadd.s32 $0x5000, s3;
	[dreg:$0xa] =	wrdreg s22  }
0x14: {  	s24 =	sadd.s32 $0x6400, s3;
	s25 =	sadd.s32 $0x7800, s3;
	[dreg:$0xb] =	wrdreg s23  }
0x15: {  	s26 =	sadd.s32 $0x8C00, s3;
	s1 =	simm.s32 $0x4;
	[dreg:$0xc] =	wrdreg s24  }
0x16: {  	s4 =	simm.s32 $0x6;
	s0 =	sadd.s32 $0x8E000, s0;
	[dreg:$0xd] =	wrdreg s25  }
0x17: {  	[dreg:$0xe] =	wrdreg s26;
	s20 =	simm.s32 $0xA000;
	s21 =	simm.s32 $0xB400  }
0x18: {  	s23 =	simm.s32 $0xC800;
	s26 =	simm.s32 $0xDC00;
	s22 =	simm.s32 $0x12C00  }
0x19: {  	s24 =	simm.s32 $0x5;
	[dreg:$0x5] =	wrdreg s0;
	s0 =	sshrl.u32 s18, $0x3  }
0x1a: {  	v0 =	vimm.f32 $0.0e+00;
	s18 =	simm.s32 $0x11800;
	[dreg:$0xf] =	wrdreg s0;
	s0 =	simm.s32 $0x3  }
.LBB2_1:
0x1b: {  	[dreg:$0x10] =	wrdreg s8  }
0x1c: {  	s3 =	simm.s32 $0x0;
	s25 =	rddreg [dreg:$0x3]  }
0x1d: {  	[tilespmem:s3], [sflag:$0x11] =	stream.linear.gather [hbm4b:s25+s3], $0x5000, $0x38;
	[tilespmem:$0x1E000] =	vst v63  }
0x1e: {  	_ =	swait.ge [sflag:s17], $0x5000  }
0x1f: {  	[sflag:s17] =	ssyncset.done $0x0  }
0x20: {  	s25 =	simm.s32 $0x5000;
	s8 =	rddreg [dreg:$0x4];
	[sflag:s17] =	ssyncadd.s32 $0xFFFFB000  }
0x21: {  	[tilespmem:s25], [sflag:$0x11] =	stream.linear.gather [hbm4b:s8+s3], $0x5000, $0x38;
	[tilespmem:$0x1E000] =	vst v63  }
0x22: {  	_ =	swait.ge [sflag:s17], $0x5000  }
0x23: {  	[sflag:s17] =	ssyncset.done $0x0  }
0x24: {  	[sflag:s17] =	ssyncadd.s32 $0xFFFFB000  }
0x25: {  	[tilespmem:s20], [sflag:$0x1] =	stream.indirect.gather [hbm4b:s6+s19], $0x40, s3, s19, $0xb8;
	[tilespmem:$0x1E000] =	vst v63  }
0x26: {  	_ = 	snop  }
0x27: {  	[tilespmem:s21], [sflag:$0x2] =	stream.indirect.gather [hbm4b:s6+s19], $0x40, s19, s19, $0xb8;
	[tilespmem:$0x1E000] =	vst v63  }
0x28: {  	s25 =	simm.s32 $0xA0  }
0x29: {  	[tilespmem:s23], [sflag:$0x3] =	stream.indirect.gather [hbm4b:s6+s19], $0x40, s25, s19, $0xb8;
	[tilespmem:$0x1E000] =	vst v63  }
0x2a: {  	s8 =	simm.s32 $0xF0  }
0x2b: {  	[tilespmem:s26], [sflag:$0x4] =	stream.indirect.gather [hbm4b:s6+s19], $0x40, s8, s19, $0xb8;
	[tilespmem:$0x1E000] =	vst v63  }
0x2c: {  	s25 =	simm.s32 $0x140  }
0x2d: {  	[tilespmem:s29], [sflag:$0x5] =	stream.indirect.gather [hbm4b:s6+s19], $0x40, s25, s19, $0xb8;
	[tilespmem:$0x1E000] =	vst v63  }
0x2e: {  	s8 =	simm.s32 $0x190  }
0x2f: {  	[tilespmem:s31], [sflag:$0x6] =	stream.indirect.gather [hbm4b:s6+s19], $0x40, s8, s19, $0xb8;
	[tilespmem:$0x1E000] =	vst v63  }
0x30: {  	s3 =	simm.s32 $0x0;
	s25 =	simm.s32 $0x1E0;
	s8 =	simm.s32 $0x100  }
0x31: {  	[tilespmem:s18], [sflag:$0x7] =	stream.indirect.gather [hbm4b:s6+s19], $0x40, s25, s19, $0xb8;
	[tilespmem:$0x1E000] =	vst v63  }
.LBB2_2:
0x32: {  	p0 =	sne.s32 s8, $0x4F00;
	[tilespmem:s3+$0x12C30] =	vst v0;
	s25 =	smov.u32 s8;
	s8 =	sadd.s32 $0x100, s8  }
.Ltmp0:
0x33: {  	[tilespmem:s3+$0x12C20] =	vst v0;
	(pc) =	sbr.rel @p0 .LBB2_2-.Ltmp0, $3  }
0x34: {  	[tilespmem:s3+$0x12C00] =	vst v0  }
0x35: {  	[tilespmem:s3+$0x12C10] =	vst v0;
	_ =	sdelay $0x1  }
0x36: {  	s3 =	sshra.s32 s25, $0x2  }
0x37: {  	[tilespmem:s3+$0x12C30] =	vst v0  }
0x38: {  	[tilespmem:s3+$0x12C20] =	vst v0  }
0x39: {  	[tilespmem:s3+$0x12C00] =	vst v0  }
0x3a: {  	[tilespmem:s3+$0x12C10] =	vst v0;
	s8 =	rddreg [dreg:$0x6]  }
0x3b: {  	[spmem:s8] =	stream.linear.scatter [tilespmem:s22], [sflag:$0x11], $0x1400, $0x38;
	[tilespmem:$0x1E000] =	vst v63  }
0x3c: {  	_ =	swait.ge [sflag:s17], $0x1400  }
0x3d: {  	[sflag:s17] =	ssyncset.done $0x0  }
0x3e: {  	s25 =	rddreg [dreg:$0x8];
	[sflag:s17] =	ssyncadd.s32 $0xFFFFEC00  }
0x3f: {  	[spmem:s25] =	stream.linear.scatter [tilespmem:s22], [sflag:$0x11], $0x1400, $0x38;
	[tilespmem:$0x1E000] =	vst v63  }
0x40: {  	_ =	swait.ge [sflag:s17], $0x1400  }
0x41: {  	[sflag:s17] =	ssyncset.done $0x0  }
0x42: {  	s8 =	rddreg [dreg:$0x9];
	[sflag:s17] =	ssyncadd.s32 $0xFFFFEC00  }
0x43: {  	[spmem:s8] =	stream.linear.scatter [tilespmem:s22], [sflag:$0x11], $0x1400, $0x38;
	[tilespmem:$0x1E000] =	vst v63  }
0x44: {  	_ =	swait.ge [sflag:s17], $0x1400  }
0x45: {  	[sflag:s17] =	ssyncset.done $0x0  }
0x46: {  	s25 =	rddreg [dreg:$0xa];
	[sflag:s17] =	ssyncadd.s32 $0xFFFFEC00  }
0x47: {  	[spmem:s25] =	stream.linear.scatter [tilespmem:s22], [sflag:$0x11], $0x1400, $0x38;
	[tilespmem:$0x1E000] =	vst v63  }
0x48: {  	_ =	swait.ge [sflag:s17], $0x1400  }
0x49: {  	[sflag:s17] =	ssyncset.done $0x0  }
0x4a: {  	s8 =	rddreg [dreg:$0xb];
	[sflag:s17] =	ssyncadd.s32 $0xFFFFEC00  }
0x4b: {  	[spmem:s8] =	stream.linear.scatter [tilespmem:s22], [sflag:$0x11], $0x1400, $0x38;
	[tilespmem:$0x1E000] =	vst v63  }
0x4c: {  	_ =	swait.ge [sflag:s17], $0x1400  }
0x4d: {  	[sflag:s17] =	ssyncset.done $0x0  }
0x4e: {  	s25 =	rddreg [dreg:$0xc];
	[sflag:s17] =	ssyncadd.s32 $0xFFFFEC00  }
0x4f: {  	[spmem:s25] =	stream.linear.scatter [tilespmem:s22], [sflag:$0x11], $0x1400, $0x38;
	[tilespmem:$0x1E000] =	vst v63  }
0x50: {  	_ =	swait.ge [sflag:s17], $0x1400  }
0x51: {  	[sflag:s17] =	ssyncset.done $0x0  }
0x52: {  	s8 =	rddreg [dreg:$0xd];
	[sflag:s17] =	ssyncadd.s32 $0xFFFFEC00  }
0x53: {  	[spmem:s8] =	stream.linear.scatter [tilespmem:s22], [sflag:$0x11], $0x1400, $0x38;
	[tilespmem:$0x1E000] =	vst v63  }
0x54: {  	_ =	swait.ge [sflag:s17], $0x1400  }
0x55: {  	[sflag:s17] =	ssyncset.done $0x0  }
0x56: {  	s25 =	rddreg [dreg:$0xe];
	[sflag:s17] =	ssyncadd.s32 $0xFFFFEC00  }
0x57: {  	[spmem:s25] =	stream.linear.scatter [tilespmem:s22], [sflag:$0x11], $0x1400, $0x38;
	[tilespmem:$0x1E000] =	vst v63  }
0x58: {  	_ =	swait.ge [sflag:s17], $0x1400  }
0x59: {  	[sflag:s17] =	ssyncset.done $0x0  }
0x5a: {  	[sflag:s17] =	ssyncadd.s32 $0xFFFFEC00  }
0x5b: {  	s8 =	simm.s32 $0x230;
	[bflag:$0x0] =	sbarrier.arrive $0xFFFF  }
0x5c: {  	[tilespmem:s22], [sflag:$0x8] =	stream.indirect.gather [hbm4b:s6+s19], $0x40, s8, s19, $0xb8;
	[tilespmem:$0x1E000] =	vst v63  }
0x5d: {  	_ =	swait.ge [sflag:s28], $0x1400  }
0x5e: {  	[sflag:s28] =	ssyncset.done $0x0  }
0x5f: {  	s25 =	simm.s32 $0x5000;
	[sflag:s28] =	ssyncadd.s32 $0xFFFFEC00  }
0x60: {  	[spmem:s2] =	stream.indirect.scatter.add.f32 [tilespmem:s20], [sflag:$0x9], $0x40, s25, s19, $0xb8;
	[tilespmem:$0x1E000] =	vst v63  }
0x61: {  	_ =	swait.ge [sflag:s30], $0x1400  }
0x62: {  	[sflag:s30] =	ssyncset.done $0x0  }
0x63: {  	s8 =	simm.s32 $0x5050;
	[sflag:s30] =	ssyncadd.s32 $0xFFFFEC00  }
0x64: {  	[spmem:s2] =	stream.indirect.scatter.add.f32 [tilespmem:s21], [sflag:$0xA], $0x40, s8, s19, $0xb8;
	[tilespmem:$0x1E000] =	vst v63  }
0x65: {  	_ =	swait.ge [sflag:s0], $0x1400  }
0x66: {  	[sflag:s0] =	ssyncset.done $0x0  }
0x67: {  	s25 =	simm.s32 $0x50A0;
	[sflag:s0] =	ssyncadd.s32 $0xFFFFEC00  }
0x68: {  	[spmem:s2] =	stream.indirect.scatter.add.f32 [tilespmem:s23], [sflag:$0xB], $0x40, s25, s19, $0xb8;
	[tilespmem:$0x1E000] =	vst v63  }
0x69: {  	_ =	swait.ge [sflag:s1], $0x1400  }
0x6a: {  	[sflag:s1] =	ssyncset.done $0x0  }
0x6b: {  	s8 =	simm.s32 $0x50F0;
	[sflag:s1] =	ssyncadd.s32 $0xFFFFEC00  }
0x6c: {  	[spmem:s2] =	stream.indirect.scatter.add.f32 [tilespmem:s26], [sflag:$0xC], $0x40, s8, s19, $0xb8;
	[tilespmem:$0x1E000] =	vst v63  }
0x6d: {  	_ =	swait.ge [sflag:s24], $0x1400  }
0x6e: {  	[sflag:s24] =	ssyncset.done $0x0  }
0x6f: {  	s25 =	simm.s32 $0x5140;
	[sflag:s24] =	ssyncadd.s32 $0xFFFFEC00  }
0x70: {  	[spmem:s2] =	stream.indirect.scatter.add.f32 [tilespmem:s29], [sflag:$0xD], $0x40, s25, s19, $0xb8;
	[tilespmem:$0x1E000] =	vst v63  }
0x71: {  	_ =	swait.ge [sflag:s4], $0x1400  }
0x72: {  	[sflag:s4] =	ssyncset.done $0x0  }
0x73: {  	s8 =	simm.s32 $0x5190;
	[sflag:s4] =	ssyncadd.s32 $0xFFFFEC00  }
0x74: {  	[spmem:s2] =	stream.indirect.scatter.add.f32 [tilespmem:s31], [sflag:$0xE], $0x40, s8, s19, $0xb8;
	[tilespmem:$0x1E000] =	vst v63  }
0x75: {  	_ =	swait.ge [sflag:s5], $0x1400  }
0x76: {  	[sflag:s5] =	ssyncset.done $0x0  }
0x77: {  	s25 =	simm.s32 $0x51E0;
	[sflag:s5] =	ssyncadd.s32 $0xFFFFEC00  }
0x78: {  	[spmem:s2] =	stream.indirect.scatter.add.f32 [tilespmem:s18], [sflag:$0xF], $0x40, s25, s19, $0xb8;
	[tilespmem:$0x1E000] =	vst v63  }
0x79: {  	_ =	swait.ge [sflag:s7], $0x1400  }
0x7a: {  	[sflag:s7] =	ssyncset.done $0x0  }
0x7b: {  	s8 =	simm.s32 $0x5230;
	[sflag:s7] =	ssyncadd.s32 $0xFFFFEC00  }
0x7c: {  	[spmem:s2] =	stream.indirect.scatter.add.f32 [tilespmem:s22], [sflag:$0x10], $0x40, s8, s19, $0xb8;
	[tilespmem:$0x1E000] =	vst v63  }
0x7d: {  	_ =	swait.ge [sflag:s9], $0x1400  }
0x7e: {  	[sflag:s9] =	ssyncset.done $0x0  }
0x7f: {  	s25 =	simm.s32 $0x280;
	[sflag:s9] =	ssyncadd.s32 $0xFFFFEC00  }
0x80: {  	[tilespmem:s20], [sflag:$0x1] =	stream.indirect.gather [hbm4b:s6+s19], $0x40, s25, s19, $0xb8;
	[tilespmem:$0x1E000] =	vst v63  }
0x81: {  	_ =	swait.ge [sflag:s10], $0x1400  }
0x82: {  	[sflag:s10] =	ssyncset.done $0x0  }
0x83: {  	s8 =	simm.s32 $0x2D0;
	[sflag:s10] =	ssyncadd.s32 $0xFFFFEC00  }
0x84: {  	[tilespmem:s21], [sflag:$0x2] =	stream.indirect.gather [hbm4b:s6+s19], $0x40, s8, s19, $0xb8;
	[tilespmem:$0x1E000] =	vst v63  }
0x85: {  	_ =	swait.ge [sflag:s11], $0x1400  }
0x86: {  	[sflag:s11] =	ssyncset.done $0x0  }
0x87: {  	s25 =	simm.s32 $0x320;
	[sflag:s11] =	ssyncadd.s32 $0xFFFFEC00  }
0x88: {  	[tilespmem:s23], [sflag:$0x3] =	stream.indirect.gather [hbm4b:s6+s19], $0x40, s25, s19, $0xb8;
	[tilespmem:$0x1E000] =	vst v63  }
0x89: {  	_ =	swait.ge [sflag:s12], $0x1400  }
0x8a: {  	[sflag:s12] =	ssyncset.done $0x0  }
0x8b: {  	s8 =	simm.s32 $0x370;
	[sflag:s12] =	ssyncadd.s32 $0xFFFFEC00  }
0x8c: {  	[tilespmem:s26], [sflag:$0x4] =	stream.indirect.gather [hbm4b:s6+s19], $0x40, s8, s19, $0xb8;
	[tilespmem:$0x1E000] =	vst v63  }
0x8d: {  	_ =	swait.ge [sflag:s13], $0x1400  }
0x8e: {  	[sflag:s13] =	ssyncset.done $0x0  }
0x8f: {  	s25 =	simm.s32 $0x3C0;
	[sflag:s13] =	ssyncadd.s32 $0xFFFFEC00  }
0x90: {  	[tilespmem:s29], [sflag:$0x5] =	stream.indirect.gather [hbm4b:s6+s19], $0x40, s25, s19, $0xb8;
	[tilespmem:$0x1E000] =	vst v63  }
0x91: {  	_ =	swait.ge [sflag:s14], $0x1400  }
0x92: {  	[sflag:s14] =	ssyncset.done $0x0  }
0x93: {  	s8 =	simm.s32 $0x410;
	[sflag:s14] =	ssyncadd.s32 $0xFFFFEC00  }
0x94: {  	[tilespmem:s31], [sflag:$0x6] =	stream.indirect.gather [hbm4b:s6+s19], $0x40, s8, s19, $0xb8;
	[tilespmem:$0x1E000] =	vst v63  }
0x95: {  	_ =	swait.ge [sflag:s15], $0x1400  }
0x96: {  	[sflag:s15] =	ssyncset.done $0x0  }
0x97: {  	s25 =	simm.s32 $0x460;
	[sflag:s15] =	ssyncadd.s32 $0xFFFFEC00  }
0x98: {  	[tilespmem:s18], [sflag:$0x7] =	stream.indirect.gather [hbm4b:s6+s19], $0x40, s25, s19, $0xb8;
	[tilespmem:$0x1E000] =	vst v63  }
0x99: {  	_ =	swait.ge [sflag:s16], $0x1400  }
0x9a: {  	[sflag:s16] =	ssyncset.done $0x0  }
0x9b: {  	s3 =	simm.s32 $0x4B0;
	s8 =	simm.s32 $0xA00;
	[sflag:s16] =	ssyncadd.s32 $0xFFFFEC00  }
.LBB2_4:
0x9c: {  	[tilespmem:s22], [sflag:$0x8] =	stream.indirect.gather [hbm4b:s6+s19], $0x40, s3, s19, $0xb8;
	[tilespmem:$0x1E000] =	vst v63  }
0x9d: {  	s3 =	smov.u32 s8  }
0x9e: {  	p0 =	sne.s32 s8, $0x12C00;
	s8 =	sadd.s32 $0xA00, s8;
	_ =	swait.ge [sflag:s28], $0x1400  }
0x9f: {  	s3 =	sshra.s32 s3, $0x2;
	[sflag:s28] =	ssyncset.done $0x0  }
0xa0: {  	s25 =	sadd.s32 $0x5000, s3;
	[sflag:s28] =	ssyncadd.s32 $0xFFFFEC00  }
0xa1: {  	[spmem:s2] =	stream.indirect.scatter.add.f32 [tilespmem:s20], [sflag:$0x9], $0x40, s25, s19, $0xb8;
	[tilespmem:$0x1E000] =	vst v63  }
0xa2: {  	_ =	swait.ge [sflag:s30], $0x1400  }
0xa3: {  	[sflag:s30] =	ssyncset.done $0x0  }
0xa4: {  	s25 =	sadd.s32 $0x5050, s3;
	[sflag:s30] =	ssyncadd.s32 $0xFFFFEC00  }
0xa5: {  	[spmem:s2] =	stream.indirect.scatter.add.f32 [tilespmem:s21], [sflag:$0xA], $0x40, s25, s19, $0xb8;
	[tilespmem:$0x1E000] =	vst v63  }
0xa6: {  	_ =	swait.ge [sflag:s0], $0x1400  }
0xa7: {  	[sflag:s0] =	ssyncset.done $0x0  }
0xa8: {  	s25 =	sadd.s32 $0x50A0, s3;
	[sflag:s0] =	ssyncadd.s32 $0xFFFFEC00  }
0xa9: {  	[spmem:s2] =	stream.indirect.scatter.add.f32 [tilespmem:s23], [sflag:$0xB], $0x40, s25, s19, $0xb8;
	[tilespmem:$0x1E000] =	vst v63  }
0xaa: {  	_ =	swait.ge [sflag:s1], $0x1400  }
0xab: {  	[sflag:s1] =	ssyncset.done $0x0  }
0xac: {  	s25 =	sadd.s32 $0x50F0, s3;
	[sflag:s1] =	ssyncadd.s32 $0xFFFFEC00  }
0xad: {  	[spmem:s2] =	stream.indirect.scatter.add.f32 [tilespmem:s26], [sflag:$0xC], $0x40, s25, s19, $0xb8;
	[tilespmem:$0x1E000] =	vst v63  }
0xae: {  	_ =	swait.ge [sflag:s24], $0x1400  }
0xaf: {  	[sflag:s24] =	ssyncset.done $0x0  }
0xb0: {  	s25 =	sadd.s32 $0x5140, s3;
	[sflag:s24] =	ssyncadd.s32 $0xFFFFEC00  }
0xb1: {  	[spmem:s2] =	stream.indirect.scatter.add.f32 [tilespmem:s29], [sflag:$0xD], $0x40, s25, s19, $0xb8;
	[tilespmem:$0x1E000] =	vst v63  }
0xb2: {  	_ =	swait.ge [sflag:s4], $0x1400  }
0xb3: {  	[sflag:s4] =	ssyncset.done $0x0  }
0xb4: {  	s25 =	sadd.s32 $0x5190, s3;
	[sflag:s4] =	ssyncadd.s32 $0xFFFFEC00  }
0xb5: {  	[spmem:s2] =	stream.indirect.scatter.add.f32 [tilespmem:s31], [sflag:$0xE], $0x40, s25, s19, $0xb8;
	[tilespmem:$0x1E000] =	vst v63  }
0xb6: {  	_ =	swait.ge [sflag:s5], $0x1400  }
0xb7: {  	[sflag:s5] =	ssyncset.done $0x0  }
0xb8: {  	s25 =	sadd.s32 $0x51E0, s3;
	[sflag:s5] =	ssyncadd.s32 $0xFFFFEC00  }
0xb9: {  	[spmem:s2] =	stream.indirect.scatter.add.f32 [tilespmem:s18], [sflag:$0xF], $0x40, s25, s19, $0xb8;
	[tilespmem:$0x1E000] =	vst v63  }
0xba: {  	_ =	swait.ge [sflag:s7], $0x1400  }
0xbb: {  	[sflag:s7] =	ssyncset.done $0x0  }
0xbc: {  	s25 =	sadd.s32 $0x5230, s3;
	[sflag:s7] =	ssyncadd.s32 $0xFFFFEC00  }
0xbd: {  	[spmem:s2] =	stream.indirect.scatter.add.f32 [tilespmem:s22], [sflag:$0x10], $0x40, s25, s19, $0xb8;
	[tilespmem:$0x1E000] =	vst v63  }
0xbe: {  	_ =	swait.ge [sflag:s9], $0x1400  }
0xbf: {  	[sflag:s9] =	ssyncset.done $0x0  }
0xc0: {  	s25 =	sadd.s32 $0x280, s3;
	[sflag:s9] =	ssyncadd.s32 $0xFFFFEC00  }
0xc1: {  	[tilespmem:s20], [sflag:$0x1] =	stream.indirect.gather [hbm4b:s6+s19], $0x40, s25, s19, $0xb8;
	[tilespmem:$0x1E000] =	vst v63  }
0xc2: {  	_ =	swait.ge [sflag:s10], $0x1400  }
0xc3: {  	[sflag:s10] =	ssyncset.done $0x0  }
0xc4: {  	s25 =	sadd.s32 $0x2D0, s3;
	[sflag:s10] =	ssyncadd.s32 $0xFFFFEC00  }
0xc5: {  	[tilespmem:s21], [sflag:$0x2] =	stream.indirect.gather [hbm4b:s6+s19], $0x40, s25, s19, $0xb8;
	[tilespmem:$0x1E000] =	vst v63  }
0xc6: {  	_ =	swait.ge [sflag:s11], $0x1400  }
0xc7: {  	[sflag:s11] =	ssyncset.done $0x0  }
0xc8: {  	s25 =	sadd.s32 $0x320, s3;
	[sflag:s11] =	ssyncadd.s32 $0xFFFFEC00  }
0xc9: {  	[tilespmem:s23], [sflag:$0x3] =	stream.indirect.gather [hbm4b:s6+s19], $0x40, s25, s19, $0xb8;
	[tilespmem:$0x1E000] =	vst v63  }
0xca: {  	_ =	swait.ge [sflag:s12], $0x1400  }
0xcb: {  	[sflag:s12] =	ssyncset.done $0x0  }
0xcc: {  	s25 =	sadd.s32 $0x370, s3;
	[sflag:s12] =	ssyncadd.s32 $0xFFFFEC00  }
0xcd: {  	[tilespmem:s26], [sflag:$0x4] =	stream.indirect.gather [hbm4b:s6+s19], $0x40, s25, s19, $0xb8;
	[tilespmem:$0x1E000] =	vst v63  }
0xce: {  	_ =	swait.ge [sflag:s13], $0x1400  }
0xcf: {  	[sflag:s13] =	ssyncset.done $0x0  }
0xd0: {  	s25 =	sadd.s32 $0x3C0, s3;
	[sflag:s13] =	ssyncadd.s32 $0xFFFFEC00  }
0xd1: {  	[tilespmem:s29], [sflag:$0x5] =	stream.indirect.gather [hbm4b:s6+s19], $0x40, s25, s19, $0xb8;
	[tilespmem:$0x1E000] =	vst v63  }
0xd2: {  	_ =	swait.ge [sflag:s14], $0x1400  }
0xd3: {  	[sflag:s14] =	ssyncset.done $0x0  }
0xd4: {  	s25 =	sadd.s32 $0x410, s3;
	[sflag:s14] =	ssyncadd.s32 $0xFFFFEC00  }
0xd5: {  	[tilespmem:s31], [sflag:$0x6] =	stream.indirect.gather [hbm4b:s6+s19], $0x40, s25, s19, $0xb8;
	[tilespmem:$0x1E000] =	vst v63  }
0xd6: {  	_ =	swait.ge [sflag:s15], $0x1400  }
0xd7: {  	[sflag:s15] =	ssyncset.done $0x0  }
.Ltmp1:
0xd8: {  	s25 =	sadd.s32 $0x460, s3;
	[sflag:s15] =	ssyncadd.s32 $0xFFFFEC00;
	(pc) =	sbr.rel @p0 .LBB2_4-.Ltmp1, $4  }
0xd9: {  	[tilespmem:s18], [sflag:$0x7] =	stream.indirect.gather [hbm4b:s6+s19], $0x40, s25, s19, $0xb8;
	[tilespmem:$0x1E000] =	vst v63  }
0xda: {  	_ =	swait.ge [sflag:s16], $0x1400  }
0xdb: {  	[sflag:s16] =	ssyncset.done $0x0  }
0xdc: {  	s3 =	sadd.s32 $0x4B0, s3;
	[sflag:s16] =	ssyncadd.s32 $0xFFFFEC00  }
0xdd: {  	[tilespmem:s22], [sflag:$0x8] =	stream.indirect.gather [hbm4b:s6+s19], $0x40, s3, s19, $0xb8;
	[tilespmem:$0x1E000] =	vst v63  }
0xde: {  	_ =	swait.ge [sflag:s28], $0x1400  }
0xdf: {  	[sflag:s28] =	ssyncset.done $0x0  }
0xe0: {  	s25 =	simm.s32 $0x9D80;
	[sflag:s28] =	ssyncadd.s32 $0xFFFFEC00  }
0xe1: {  	[spmem:s2] =	stream.indirect.scatter.add.f32 [tilespmem:s20], [sflag:$0x9], $0x40, s25, s19, $0xb8;
	[tilespmem:$0x1E000] =	vst v63  }
0xe2: {  	_ =	swait.ge [sflag:s30], $0x1400  }
0xe3: {  	[sflag:s30] =	ssyncset.done $0x0  }
0xe4: {  	s8 =	simm.s32 $0x9DD0;
	[sflag:s30] =	ssyncadd.s32 $0xFFFFEC00  }
0xe5: {  	[spmem:s2] =	stream.indirect.scatter.add.f32 [tilespmem:s21], [sflag:$0xA], $0x40, s8, s19, $0xb8;
	[tilespmem:$0x1E000] =	vst v63  }
0xe6: {  	_ =	swait.ge [sflag:s0], $0x1400  }
0xe7: {  	[sflag:s0] =	ssyncset.done $0x0  }
0xe8: {  	s25 =	simm.s32 $0x9E20;
	[sflag:s0] =	ssyncadd.s32 $0xFFFFEC00  }
0xe9: {  	[spmem:s2] =	stream.indirect.scatter.add.f32 [tilespmem:s23], [sflag:$0xB], $0x40, s25, s19, $0xb8;
	[tilespmem:$0x1E000] =	vst v63  }
0xea: {  	_ =	swait.ge [sflag:s1], $0x1400  }
0xeb: {  	[sflag:s1] =	ssyncset.done $0x0  }
0xec: {  	s8 =	simm.s32 $0x9E70;
	[sflag:s1] =	ssyncadd.s32 $0xFFFFEC00  }
0xed: {  	[spmem:s2] =	stream.indirect.scatter.add.f32 [tilespmem:s26], [sflag:$0xC], $0x40, s8, s19, $0xb8;
	[tilespmem:$0x1E000] =	vst v63  }
0xee: {  	_ =	swait.ge [sflag:s24], $0x1400  }
0xef: {  	[sflag:s24] =	ssyncset.done $0x0  }
0xf0: {  	s25 =	simm.s32 $0x9EC0;
	[sflag:s24] =	ssyncadd.s32 $0xFFFFEC00  }
0xf1: {  	[spmem:s2] =	stream.indirect.scatter.add.f32 [tilespmem:s29], [sflag:$0xD], $0x40, s25, s19, $0xb8;
	[tilespmem:$0x1E000] =	vst v63  }
0xf2: {  	_ =	swait.ge [sflag:s4], $0x1400  }
0xf3: {  	[sflag:s4] =	ssyncset.done $0x0  }
0xf4: {  	s8 =	simm.s32 $0x9F10;
	[sflag:s4] =	ssyncadd.s32 $0xFFFFEC00  }
0xf5: {  	[spmem:s2] =	stream.indirect.scatter.add.f32 [tilespmem:s31], [sflag:$0xE], $0x40, s8, s19, $0xb8;
	[tilespmem:$0x1E000] =	vst v63  }
0xf6: {  	_ =	swait.ge [sflag:s5], $0x1400  }
0xf7: {  	[sflag:s5] =	ssyncset.done $0x0  }
0xf8: {  	s25 =	simm.s32 $0x9F60;
	[sflag:s5] =	ssyncadd.s32 $0xFFFFEC00  }
0xf9: {  	[spmem:s2] =	stream.indirect.scatter.add.f32 [tilespmem:s18], [sflag:$0xF], $0x40, s25, s19, $0xb8;
	[tilespmem:$0x1E000] =	vst v63  }
0xfa: {  	_ =	swait.ge [sflag:s7], $0x1400  }
0xfb: {  	[sflag:s7] =	ssyncset.done $0x0  }
0xfc: {  	s8 =	simm.s32 $0x9FB0;
	[sflag:s7] =	ssyncadd.s32 $0xFFFFEC00  }
0xfd: {  	[spmem:s2] =	stream.indirect.scatter.add.f32 [tilespmem:s22], [sflag:$0x10], $0x40, s8, s19, $0xb8;
	[tilespmem:$0x1E000] =	vst v63  }
0xfe: {  	_ =	swait.ge [sflag:s9], $0x1400  }
0xff: {  	[sflag:s9] =	ssyncset.done $0x0  }
0x100: {  	[sflag:s9] =	ssyncadd.s32 $0xFFFFEC00  }
0x101: {  	_ =	swait.ge [sflag:s10], $0x1400  }
0x102: {  	[sflag:s10] =	ssyncset.done $0x0  }
0x103: {  	[sflag:s10] =	ssyncadd.s32 $0xFFFFEC00  }
0x104: {  	_ =	swait.ge [sflag:s11], $0x1400  }
0x105: {  	[sflag:s11] =	ssyncset.done $0x0  }
0x106: {  	[sflag:s11] =	ssyncadd.s32 $0xFFFFEC00  }
0x107: {  	_ =	swait.ge [sflag:s12], $0x1400  }
0x108: {  	[sflag:s12] =	ssyncset.done $0x0  }
0x109: {  	[sflag:s12] =	ssyncadd.s32 $0xFFFFEC00  }
0x10a: {  	_ =	swait.ge [sflag:s13], $0x1400  }
0x10b: {  	[sflag:s13] =	ssyncset.done $0x0  }
0x10c: {  	[sflag:s13] =	ssyncadd.s32 $0xFFFFEC00  }
0x10d: {  	_ =	swait.ge [sflag:s14], $0x1400  }
0x10e: {  	[sflag:s14] =	ssyncset.done $0x0  }
0x10f: {  	[sflag:s14] =	ssyncadd.s32 $0xFFFFEC00  }
0x110: {  	_ =	swait.ge [sflag:s15], $0x1400  }
0x111: {  	[sflag:s15] =	ssyncset.done $0x0  }
0x112: {  	[sflag:s15] =	ssyncadd.s32 $0xFFFFEC00  }
0x113: {  	_ =	swait.ge [sflag:s16], $0x1400  }
0x114: {  	[sflag:s16] =	ssyncset.done $0x0  }
0x115: {  	[sflag:s16] =	ssyncadd.s32 $0xFFFFEC00  }
0x116: {  	s25 =	stileid.u32;
	[bflag:$0x0] =	sbarrier.arrive $0xFFFF  }
0x117: {  	s3 =	sshll.u32 s25, $0x6;
	s8 =	rddreg [dreg:$0x5]  }
0x118: {  	s3 =	sor.u32 $0x1C11, s3;
	s25 =	rddreg [dreg:$0xf]  }
0x119: {  	[hbm:s8], [sflag:s3] =	dma.local [spmem:s25], $0x1400  }
0x11a: {  	_ =	swait.ge [sflag:s17], $0x1400  }
0x11b: {  	s3 =	rddreg [dreg:$0x10]  }
0x11c: {  	s25 =	rddreg [dreg:$0x7];
	s8 =	sadd.s32 $0x1, s3  }
0x11d: {  	p0 =	sne.s32 s8, s25  }
.Ltmp2:
0x11e: {  	_ = 	snop;
	(pc) =	sbr.rel @p0 .LBB2_1-.Ltmp2, $3  }
0x11f: {  	_ =	sdelay $0x1  }
0x120: {  	[sflag:s17] =	ssyncset.done $0x0  }
0x121: {  	[sflag:s17] =	ssyncadd.s32 $0xFFFFEC00  }
0x122: {  	_ =	sfence.sel $0x180000  }
0x123: {  	[bflag:$0x0] =	sbarrier.arrive $0xFFFF  }
0x124: {  	_ =	strace $0x9000004D  }
0x125: {  	s0 =	stileid.u32;
	[bflag:$0x2] =	sbarrier.arrive $0xFFFF  }
0x126: {  	p0 =	sne.s32 s0, $0x0;
	s0 =	rddreg [dreg:$0x2]  }
0x127: {  	s0 =	sadd.s32 @!p0 $0x100000, s0  }
0x128: {  	[sflag:s0] =	ssyncadd.tile.s32 @!p0 $0x1;
	_ =	shalt  }
.Lfunc_end2:
_tile_overlayer_lowered:
.L_overlay_start_2:
0x129: {  	(tag) =	ssettag $0x2  }
0x12a: {  	s0 =	rddreg [dreg:$0x0];
	s2 =	stileid.u32  }
0x12b: {  	s1 =	rddreg [dreg:$0x1];
	p0 =	sne.s32 s2, $0x0  }
0x12c: {  	s3 =	rddreg [dreg:$0x2];
	[bflag:$0x3] =	sbarrier.arrive $0xFFFF;
	s2 =	simm.s32 @!p0 $0x1C11  }
0x12d: {  	[timem:s3], [sflag:s2] =	dma.local @!p0 [hbm:s0], s1  }
0x12e: {  	s0 =	simm.s32 @!p0 $0x11  }
0x12f: {  	_ =	swait.ge @!p0 [sflag:s0], s1  }
0x130: {  	s1 =	ssub.s32 @!p0 $0x0, s1;
	[sflag:s0] =	ssyncset.done @!p0 $0x0  }
0x131: {  	[sflag:s0] =	ssyncadd.s32 @!p0 s1  }
0x132: {  	[bflag:$0x3] =	sbarrier.arrive $0xFFFF  }
0x133: {  	_ =	shalt  }

// kernel: kernel.8.cloned.1.call-start
scs
__scs_entry_jumppad:
0x0: {  	(pc) =	sbr.rel $0x88, $3  }
0x1: {  	(tag) =	ssettag $0x0;
	lr =	simm.s32 $0x1  }
0x2: {  	[smem:$0x3F9B] =	sst lr;
	_ =	strace $0xD0000000  }
0x3: {  	_ = 	snop  }
0x4: {  	_ = 	snop  }
0x5: {  	_ = 	snop  }
0x6: {  	_ = 	snop  }
0x7: {  	_ = 	snop  }
__scs_overlays_trampoline_lowered:
0x8: {  	[smem:$0x3FAA] =	sst s0  }
0x9: {  	[smem:$0x3FAB] =	sst s1  }
0xa: {  	[smem:$0x3FAC] =	sst s2  }
0xb: {  	[smem:$0x3FAD] =	sst s3  }
0xc: {  	[smem:$0x3FAE] =	sst s4  }
0xd: {  	[smem:$0x3FAF] =	sst s5  }
0xe: {  	[smem:$0x3FB0] =	sst s6  }
0xf: {  	[smem:$0x3FB1] =	sst s7  }
0x10: {  	[smem:$0x3FB2] =	sst s8  }
0x11: {  	[smem:$0x3FB3] =	sst s9;
	s0 =	simm.s32 @!p0 $0x0  }
0x12: {  	s1 =	sld [smem:$0x3F99];
	s0 =	simm.s32 @p0 $0x1  }
0x13: {  	[smem:$0x3FB4] =	sst s0;
	s0 =	simm.s32 @!p1 $0x0  }
0x14: {  	s2 =	sld [smem:$0x3F98];
	s0 =	simm.s32 @p1 $0x1  }
0x15: {  	[smem:$0x3FB5] =	sst s0;
	s0 =	simm.s32 @!p2 $0x0  }
0x16: {  	s3 =	sld [smem:$0x3FDB];
	s0 =	simm.s32 @p2 $0x1  }
0x17: {  	s4 =	simm.s32 $0x1BF5;
	[smem:$0x3FB7] =	sst s0  }
0x18: {  	s0 =	sld [smem:$0x3F9A];
	_ =	swait.ge [sflag:s4], $0x0  }
0x19: {  	s7 =	sld [smem:$0x3F9B]  }
0x1a: {  	s8 =	sadd.s32 $0xFFFFE003, lr  }
0x1b: {  	s9 =	sadd.s32 $0xFFFFFEF7, lr;
	s5 =	simm.s32 $0xFFFFFFFF;
	p2 =	slt.u32 s8, $0xFFFFF086  }
0x1c: {  	p1 =	slt.u32 s9, $0xF7A;
	s5 =	simm.s32 @!p2 $0x0  }
0x1d: {  	s5 =	simm.s32 @p1 $0x1;
	p0 =	seq.s32 s7, s2  }
0x1e: {  	s7 =	smul.u32 @!p0 $0xF7A, s2;
	p2 =	seq.s32 @!p0 s5, $0x0  }
0x1f: {  	s9 =	smul.u32 $0xF7A, s1;
	s8 =	simm.s32 @!p0 $0x1BF5;
	p2 =	por !p2, p0  }
0x20: {  	[sflag:s8] =	ssyncset.s32 @!p0 $0xFFFFF086;
	s6 =	sadd.s32 @!p0 s3, s7;
	s7 =	simm.s32 @!p0 $0x108  }
0x21: {  	s3 =	sadd.s32 s3, s9;
	s6 =	sadd.s32 @!p0 $0x88, s6;
	s7 =	simm.s32 @p2 $0x1082  }
0x22: {  	[simem:s7], [sflag:s8] =	dma.local @!p0 [hbm:s6], $0xF7A  }
0x23: {  	s9 =	sor.u32 $0xD0000000, s2;
	s6 =	simm.s32 $0x108;
	_ =	swait.ge @!p0 [sflag:s8], $0x0  }
0x24: {  	s3 =	sadd.s32 $0x88, s3;
	s6 =	simm.s32 @!p1 $0x1082;
	[sflag:s4] =	ssyncset.s32 $0xFFFFF086  }
0x25: {  	[simem:s6], [sflag:s4] =	dma.local [hbm:s3], $0xF7A  }
0x26: {  	[smem:$0x3F9B] =	sst s1;
	(tag) =	ssettag s2;
	_ =	strace s9  }
0x27: {  	s1 =	sld [smem:$0x3FAB]  }
0x28: {  	s2 =	sld [smem:$0x3FAC]  }
0x29: {  	s4 =	sld [smem:$0x3FAE]  }
0x2a: {  	p0 =	seq.s32 s5, $0x0;
	s5 =	sld [smem:$0x3FAF]  }
0x2b: {  	s6 =	sld [smem:$0x3FB0]  }
0x2c: {  	s7 =	sld [smem:$0x3FB1]  }
0x2d: {  	s3 =	simm.s32 $0x108;
	s8 =	sld [smem:$0x3FB2]  }
0x2e: {  	s3 =	simm.s32 @!p0 $0x1082;
	s9 =	sld [smem:$0x3FB3]  }
0x2f: {  	lr =	sadd.s32 s0, s3;
	s0 =	sld [smem:$0x3FAA]  }
0x30: {  	s3 =	sld [smem:$0x3FAD]  }
0x31: {  	[smem:$0x3FB6] =	sst s10  }
0x32: {  	s10 =	sld [smem:$0x3FB4];
	_ =	sdelay $0x3  }
0x33: {  	p0 =	seq.s32 s10, $0x1;
	s10 =	sld [smem:$0x3FB6];
	_ =	sdelay $0x3  }
0x34: {  	[smem:$0x3FB6] =	sst s10  }
0x35: {  	s10 =	sld [smem:$0x3FB5];
	_ =	sdelay $0x3  }
0x36: {  	p1 =	seq.s32 s10, $0x1;
	s10 =	sld [smem:$0x3FB6];
	_ =	sdelay $0x3  }
0x37: {  	[smem:$0x3FB6] =	sst s10  }
0x38: {  	s10 =	sld [smem:$0x3FB7]  }
0x39: {  	_ = 	snop;
	(pc) =	sbr.ind lr, $3  }
0x3a: {  	_ = 	snop  }
0x3b: {  	_ = 	snop  }
0x3c: {  	p2 =	seq.s32 s10, $0x1;
	s10 =	sld [smem:$0x3FB6]  }
0x3d: {  	_ =	shalt  }
0x3e: {  	_ =	shalt  }
0x3f: {  	_ =	shalt  }
0x40: {  	_ =	shalt  }
0x41: {  	_ =	shalt  }
0x42: {  	_ =	shalt  }
0x43: {  	_ =	shalt  }
0x44: {  	_ =	shalt  }
0x45: {  	_ =	shalt  }
0x46: {  	_ =	shalt  }
0x47: {  	_ =	shalt  }
0x48: {  	_ =	shalt  }
0x49: {  	_ =	shalt  }
0x4a: {  	_ =	shalt  }
0x4b: {  	_ =	shalt  }
0x4c: {  	_ =	shalt  }
0x4d: {  	_ =	shalt  }
0x4e: {  	_ =	shalt  }
0x4f: {  	_ =	shalt  }
0x50: {  	_ =	shalt  }
0x51: {  	_ =	shalt  }
0x52: {  	_ =	shalt  }
0x53: {  	_ =	shalt  }
0x54: {  	_ =	shalt  }
0x55: {  	_ =	shalt  }
0x56: {  	_ =	shalt  }
0x57: {  	_ =	shalt  }
0x58: {  	_ =	shalt  }
0x59: {  	_ =	shalt  }
0x5a: {  	_ =	shalt  }
0x5b: {  	_ =	shalt  }
0x5c: {  	_ =	shalt  }
0x5d: {  	_ =	shalt  }
0x5e: {  	_ =	shalt  }
0x5f: {  	_ =	shalt  }
0x60: {  	_ =	shalt  }
0x61: {  	_ =	shalt  }
0x62: {  	_ =	shalt  }
0x63: {  	_ =	shalt  }
0x64: {  	_ =	shalt  }
0x65: {  	_ =	shalt  }
0x66: {  	_ =	shalt  }
0x67: {  	_ =	shalt  }
0x68: {  	_ =	shalt  }
0x69: {  	_ =	shalt  }
0x6a: {  	_ =	shalt  }
0x6b: {  	_ =	shalt  }
0x6c: {  	_ =	shalt  }
0x6d: {  	_ =	shalt  }
0x6e: {  	_ =	shalt  }
0x6f: {  	_ =	shalt  }
0x70: {  	_ =	shalt  }
0x71: {  	_ =	shalt  }
0x72: {  	_ =	shalt  }
0x73: {  	_ =	shalt  }
0x74: {  	_ =	shalt  }
0x75: {  	_ =	shalt  }
0x76: {  	_ =	shalt  }
0x77: {  	_ =	shalt  }
0x78: {  	_ =	shalt  }
0x79: {  	_ =	shalt  }
0x7a: {  	_ =	shalt  }
0x7b: {  	_ =	shalt  }
0x7c: {  	_ =	shalt  }
0x7d: {  	_ =	shalt  }
0x7e: {  	_ =	shalt  }
0x7f: {  	_ =	shalt  }
0x80: {  	_ =	shalt  }
0x81: {  	_ =	shalt  }
0x82: {  	_ =	shalt  }
0x83: {  	_ =	shalt  }
0x84: {  	_ =	shalt  }
0x85: {  	_ =	shalt  }
0x86: {  	_ =	shalt  }
0x87: {  	_ =	shalt  }
.Lfunc_end0:
.L_simem_size_0:
called_computation_lowered:
.L_overlay_start_0:
0x88: {  	s2 =	sld [smem:$0x3FD9]  }
0x89: {  	s3 =	sld [smem:$0x3FFE];
	_ =	sdelay $0x1  }
0x8a: {  	s1 =	srdreg.scid  }
0x8b: {  	s0 =	sand.u32 $0x1, s1  }
0x8c: {  	s17 =	sshll.u32 s0, $0xA;
	s2 =	sadd.s32 s3, s2  }
0x8d: {  	s2 =	sadd.s32 s2, s17  }
0x8e: {  	[smem:$0x3FC2] =	sst s2  }
0x8f: {  	_ = 	snop  }
0x90: {  	s2 =	sld [smem:$0x3FD0];
	(tm) =	ssettm $0x1  }
0x91: {  	s18 =	sld [smem:$0x3FFB];
	_ =	sdelay $0x3  }
0x92: {  	_ =	strace s18  }
0x93: {  	s3 =	sld [smem:$0x3FFC];
	_ =	sdelay $0x3  }
0x94: {  	_ =	strace s3  }
0x95: {  	s3 =	sld [smem:$0x3FFD];
	_ =	sdelay $0x3  }
0x96: {  	_ =	strace s3  }
0x97: {  	_ =	strace $0x8FFFFFFF  }
0x98: {  	s19 =	sld [smem:$0x3FDB];
	_ =	sdelay $0x1  }
0x99: {  	s4 =	simm.s32 $_scs_section_size  }
0x9a: {  	s5 =	simm.s32 $_size__tile_overlayer_lowered;
	s6 =	simm.s32 $_tile_overlayer_lowered  }
0x9b: {  	s22 =	simm.s32 $0x1BFF;
	s21 =	sshll.u32 s6, $0x1;
	s3 =	sadd.s32 s4, s19  }
0x9c: {  	s7 =	simm.s32 $0x0;
	s20 =	sshll.u32 s5, $0x1;
	s5 =	sadd.s32 s21, s3  }
0x9d: {  	[timem:s7], [sflag:s22] =	dma.local [hbm:s5], s20  }
0x9e: {  	_ =	swait.ge [sflag:s22], s20  }
0x9f: {  	s4 =	ssub.s32 $0x0, s20;
	[sflag:s22] =	ssyncset.done $0x0  }
0xa0: {  	[sflag:s22] =	ssyncadd.s32 s4;
	_ =	sdelay $0x1  }
0xa1: {  	s23 =	simm.s32 $0x1B8B  }
0xa2: {  	_ =	swait.ge [sflag:s23], $0x1  }
0xa3: {  	[sflag:s23] =	ssyncset.done $0x0  }
0xa4: {  	s25 =	simm.s32 $0x1B8E;
	s24 =	sld [smem:$0x3FFE];
	[sflag:s23] =	ssyncadd.s32 $0xFFFFFFFF  }
0xa5: {  	s26 =	simm.s32 $execute0_lowered;
	[smem:$0x3FD2] =	sst s25  }
0xa6: {  	s5 =	sshll.u32 s26, $0x1;
	_ =	strace $0x80000046;
	[dreg:$0x1] =	wrdreg $0xFFFFFFFF  }
0xa7: {  	s28 =	simm.s32 $_size_execute0_lowered;
	s3 =	sadd.s32 s3, s5;
	[dreg:$0x0] =	wrdreg $0x0  }
0xa8: {  	s5 =	sshll.u32 s28, $0x1;
	[dreg:$0x2] =	wrdreg s3  }
0xa9: {  	[dreg:$0x3] =	wrdreg s5  }
0xaa: {  	[dreg:$0x4] =	wrdreg $0xC0  }
0xab: {  	_ =	task [dreg:s7], $0x5FFFF  }
0xac: {  	[dreg:$0x1] =	wrdreg $0xFFFFFFFF  }
0xad: {  	[dreg:$0x0] =	wrdreg $0x60  }
0xae: {  	[dreg:$0x2] =	wrdreg s2  }
0xaf: {  	[dreg:$0x3] =	wrdreg s24  }
0xb0: {  	[dreg:$0x4] =	wrdreg $0x43000  }
0xb1: {  	[dreg:$0x5] =	wrdreg $0x9  }
0xb2: {  	_ =	task.clear_ibuf [dreg:s7], $0x6FFFF;
	_ =	strace $0x90000046  }
0xb3: {  	s29 =	simm.s32 $0x9;
	_ =	strace $0x80000048  }
0xb4: {  	_ =	swait.ge [sflag:s29], $0x1  }
0xb5: {  	[sflag:s29] =	ssyncadd.s32 $0xFFFFFFFF  }
0xb6: {  	_ =	strace $0x90000048  }
0xb7: {  	_ =	sfence  }
0xb8: {  	s30 =	sld [smem:$0x0];
	_ =	sdelay $0x2  }
0xb9: {  	s31 =	sshll.u32 s1, $0xD;
	s1 =	sshrl.u32 s1, $0x2  }
0xba: {  	s3 =	sand.u32 $0x4000, s31;
	s1 =	sadd.s32 s1, s30  }
0xbb: {  	s0 =	sor.u32 s3, s0;
	s1 =	sshll.u32 s1, $0x11  }
0xbc: {  	s0 =	sor.u32 s1, s0  }
0xbd: {  	s0 =	sadd.s32 $0x8F2B, s0  }
0xbe: {  	[sflag:s0] =	ssyncadd.remote.s32 $0x1  }
0xbf: {  	_ =	sfence.sel $0xFFFF  }
0xc0: {  	[dreg:$0x0] =	wrdreg $0xFFFFFFFF;
	(pc) =	sbr.abs _section_cstart, $3  }
0xc1: {  	[dreg:$0x1] =	wrdreg $0xFFFFFFFF  }
0xc2: {  	_ =	task.clear_ibuf [dreg:s7], $0x2FFFF;
	_ =	strace $0x9FFFFFFF  }
0xc3: {  	(tm) =	ssettm $0x7FFFFFFF  }
tec
execute0_lowered:
.L_overlay_start_1:
0x0: {  	(tag) =	ssettag $0x1  }
0x1: {  	s4 =	rddreg [dreg:$0x0]  }
0x2: {  	s5 =	rddreg [dreg:$0x1]  }
0x3: {  	s2 =	rddreg [dreg:$0x2]  }
0x4: {  	s0 =	rddreg [dreg:$0x3]  }
0x5: {  	s6 =	srdreg.scid;
	s1 =	stileid.u32;
	s3 =	simm.s32 $0x0  }
0x6: {  	s11 =	simm.s32 $0x4000;
	s14 =	simm.s32 $0x20;
	s15 =	simm.s32 $0x10  }
0x7: {  	s16 =	simm.s32 $0x0;
	s6 =	sand.u32 $0x1, s6;
	s7 =	smul.u32 $0x500, s1  }
0x8: {  	[smem:$0x7FF] =	sst s3;
	s9 =	smul.u32 $0xA00, s1;
	s10 =	sshll.u32 s1, $0xB  }
0x9: {  	s12 =	sshll.u32 s1, $0x6;
	s8 =	sshll.u32 s6, $0x7;
	_ =	strace $0x80000047  }
0xa: {  	s30 =	ssub.s32 $0x2, s6;
	s6 =	sshll.u32 s6, $0xF;
	s10 =	sadd.s32 s4, s10  }
0xb: {  	s12 =	sor.u32 $0x1C01, s12;
	s7 =	sor.u32 s8, s7;
	s31 =	sshrl.u32 s30, $0x1  }
0xc: {  	s9 =	sshrl.u32 s9, $0x2;
	s7 =	sshrl.u32 s7, $0x3;
	s8 =	ssub.s32 s30, s31  }
0xd: {  	s4 =	sadd.s32 s9, s2;
	s9 =	simm.s32 $0x1;
	s7 =	sadd.s32 s7, s5  }
0xe: {  	s5 =	sadd.s32 s6, s10;
	s10 =	simm.s32 $0x50;
	s13 =	sshrl.u32 s4, $0x3  }
0xf: {  	v0 =	vimm.f32 $1.000000000e+00;
	v1 =	vimm.f32 $0.0e+00;
	s6 =	sadd.s32 $0xB600, s7;
	s7 =	smax.u32 s8, $0x1;
	s8 =	simm.s32 $0x4080  }
.LBB2_1:
0x10: {  	[tilespmem:$0x4000] =	vst v0  }
0x11: {  	[tilespmem:$0x4010] =	vst v0  }
0x12: {  	[tilespmem:$0x4020] =	vst v0  }
0x13: {  	[tilespmem:$0x4030] =	vst v0  }
0x14: {  	[tilespmem:$0x4040] =	vst v0  }
0x15: {  	[tilespmem:$0x4080] =	vst v1  }
0x16: {  	[tilespmem:$0x4090] =	vst v1  }
0x17: {  	[tilespmem:$0x40A0] =	vst v1  }
0x18: {  	[tilespmem:$0x40B0] =	vst v1  }
0x19: {  	[tilespmem:$0x40C0] =	vst v1  }
0x1a: {  	[tilespmem:$0x40D0] =	vst v1  }
0x1b: {  	[tilespmem:$0x40E0] =	vst v1  }
0x1c: {  	[tilespmem:$0x40F0] =	vst v1  }
0x1d: {  	[tilespmem:$0x4100] =	vst v1  }
0x1e: {  	[tilespmem:$0x4110] =	vst v1  }
0x1f: {  	[tilespmem:$0x4120] =	vst v1  }
0x20: {  	[tilespmem:$0x4130] =	vst v1  }
0x21: {  	[tilespmem:$0x4140] =	vst v1  }
0x22: {  	[tilespmem:$0x4150] =	vst v1  }
0x23: {  	[tilespmem:$0x4160] =	vst v1  }
0x24: {  	[tilespmem:$0x4170] =	vst v1  }
0x25: {  	[tilespmem:$0x4180] =	vst v1  }
0x26: {  	[tilespmem:$0x4190] =	vst v1  }
0x27: {  	[tilespmem:$0x41A0] =	vst v1  }
0x28: {  	[tilespmem:$0x41B0] =	vst v1  }
0x29: {  	[tilespmem:$0x41C0] =	vst v1  }
0x2a: {  	[tilespmem:$0x41D0] =	vst v1  }
0x2b: {  	[tilespmem:$0x41E0] =	vst v1  }
0x2c: {  	[tilespmem:$0x41F0] =	vst v1  }
0x2d: {  	[tilespmem:$0x4200] =	vst v1  }
0x2e: {  	[tilespmem:$0x4210] =	vst v1  }
0x2f: {  	[tilespmem:$0x4220] =	vst v1  }
0x30: {  	[tilespmem:$0x4230] =	vst v1  }
0x31: {  	[tilespmem:$0x4240] =	vst v1  }
0x32: {  	[tilespmem:$0x4250] =	vst v1  }
0x33: {  	[tilespmem:$0x4260] =	vst v1  }
0x34: {  	[tilespmem:$0x4270] =	vst v1  }
0x35: {  	[tilespmem:$0x4280] =	vst v1  }
0x36: {  	[tilespmem:$0x4290] =	vst v1  }
0x37: {  	[tilespmem:$0x42A0] =	vst v1  }
0x38: {  	[tilespmem:$0x42B0] =	vst v1  }
0x39: {  	[tilespmem:$0x42C0] =	vst v1  }
0x3a: {  	[tilespmem:$0x42D0] =	vst v1  }
0x3b: {  	[tilespmem:$0x42E0] =	vst v1  }
0x3c: {  	[tilespmem:$0x42F0] =	vst v1  }
0x3d: {  	[spmem:s4] =	stream.linear.scatter [tilespmem:s8], [sflag:$0x1], $0x280, $0x38;
	[tilespmem:$0x4580] =	vst v63  }
0x3e: {  	_ =	swait.ge [sflag:s9], $0x280  }
0x3f: {  	[sflag:s9] =	ssyncset.done $0x0  }
0x40: {  	[sflag:s9] =	ssyncadd.s32 $0xFFFFFD80  }
0x41: {  	[bflag:$0x0] =	sbarrier.arrive $0xFFFF  }
0x42: {  	[tilespmem:s3], [sflag:$0x1] =	stream.linear.gather [hbm4b:s5+s3], $0x4000, $0x38;
	[tilespmem:$0x4580] =	vst v63  }
0x43: {  	_ =	swait.ge [sflag:s9], $0x4000  }
0x44: {  	[sflag:s9] =	ssyncset.done $0x0  }
0x45: {  	s17 =	simm.s32 $0x0;
	[sflag:s9] =	ssyncadd.s32 $0xFFFFC000  }
0x46: {  	[spmem:s2] =	stream.indirect.scatter.add.f32 [tilespmem:s11], [sflag:$0x1], $0x1, s17, s10, $0xb8;
	[tilespmem:$0x4580] =	vst v63  }
0x47: {  	_ =	swait.ge [sflag:s9], $0x50  }
0x48: {  	s17 =	simm.s32 $0x200;
	[sflag:s9] =	ssyncset.done $0x0  }
.LBB2_2:
0x49: {  	s18 =	sshra.s32 s17, $0x2;
	[sflag:s9] =	ssyncadd.s32 $0xFFFFFFB0;
	p0 =	sne.s32 s17, $0xFE00  }
0x4a: {  	[spmem:s2] =	stream.indirect.scatter.add.f32 [tilespmem:s11], [sflag:$0x1], $0x1, s18, s10, $0xb8;
	[tilespmem:$0x4580] =	vst v63  }
.Ltmp0:
0x4b: {  	_ = 	snop;
	(pc) =	sbr.rel @p0 .LBB2_2-.Ltmp0, $4  }
0x4c: {  	_ = 	snop  }
0x4d: {  	s17 =	sadd.s32 $0x200, s17  }
0x4e: {  	_ =	swait.ge [sflag:s9], $0x50  }
0x4f: {  	[sflag:s9] =	ssyncset.done $0x0  }
0x50: {  	s16 =	sadd.s32 $0x1, s16  }
0x51: {  	[sflag:s9] =	ssyncadd.s32 $0xFFFFFFB0;
	p0 =	sne.s32 s16, s7  }
.Ltmp1:
0x52: {  	[bflag:$0x0] =	sbarrier.arrive $0xFFFF;
	(pc) =	sbr.rel @p0 .LBB2_1-.Ltmp1, $4  }
0x53: {  	[hbm:s6@s14], [sflag:s12] =	dma.strided [spmem:s13@s15], $0x50, s9, $0x10   }
0x54: {  	_ =	swait.ge [sflag:s9], $0x50  }
0x55: {  	[sflag:s9] =	ssyncset.done $0x0  }
0x56: {  	[sflag:s9] =	ssyncadd.s32 $0xFFFFFFB0  }
0x57: {  	_ =	sfence.sel $0x180000  }
0x58: {  	[bflag:$0x0] =	sbarrier.arrive $0xFFFF  }
0x59: {  	p0 =	sne.s32 s1, $0x0;
	_ =	strace $0x90000047  }
0x5a: {  	s0 =	sadd.s32 @!p0 $0x100000, s0;
	[bflag:$0x2] =	sbarrier.arrive $0xFFFF  }
0x5b: {  	[sflag:s0] =	ssyncadd.tile.s32 @!p0 $0x1;
	_ =	shalt  }
.Lfunc_end2:
_tile_overlayer_lowered:
.L_overlay_start_2:
0x5c: {  	(tag) =	ssettag $0x2  }
0x5d: {  	s0 =	rddreg [dreg:$0x0];
	s2 =	stileid.u32  }
0x5e: {  	s1 =	rddreg [dreg:$0x1];
	p0 =	sne.s32 s2, $0x0  }
0x5f: {  	s3 =	rddreg [dreg:$0x2];
	[bflag:$0x3] =	sbarrier.arrive $0xFFFF;
	s2 =	simm.s32 @!p0 $0x1C01  }
0x60: {  	[timem:s3], [sflag:s2] =	dma.local @!p0 [hbm:s0], s1  }
0x61: {  	s0 =	simm.s32 @!p0 $0x1  }
0x62: {  	_ =	swait.ge @!p0 [sflag:s0], s1  }
0x63: {  	s1 =	ssub.s32 @!p0 $0x0, s1;
	[sflag:s0] =	ssyncset.done @!p0 $0x0  }
0x64: {  	[sflag:s0] =	ssyncadd.s32 @!p0 s1  }
0x65: {  	[bflag:$0x3] =	sbarrier.arrive $0xFFFF  }
0x66: {  	_ =	shalt  }

</sc_bundles>
